<compile_context>
chip_gen: v7x
topology: tpu7x:2x2x1
jax: 0.10.2.dev20260603
libtpu: 0.0.44.dev20260713+nightly
codegen_flags: <defaults>
</compile_context>

<pallas_src>
import functools

import jax
import jax.numpy as jnp
from jax import lax
from jax.experimental import pallas as pl
from jax.experimental.pallas import tpu as pltpu
from jax.experimental.pallas import tpu_sc as plsc

N = 1600000
S = 100000
NC = 2
NS = 16
NW = NC * NS
C = N // NW
T = 50000
L = 16
VPT = T // L
TILES = C // T
K = 128
THRESH = K - L
DUMP = K - 1
MAXI = jnp.iinfo(jnp.int32).max


def _body(x_hbm, idx_hbm, out_hbm, x_buf, idx_buf, stage_seg, stage_val):
  iota = lax.iota(jnp.int32, L)

  def splat_i(v):
    return jnp.full((L,), v, jnp.int32)

  def splat_f(v):
    return jnp.full((L,), v, jnp.float32)

  def lane(v, l):
    return jnp.take_along_axis(v, splat_i(l), axis=0, mode="promise_in_bounds")

  def shift(v, d):
    return jnp.take_along_axis(
        v, jnp.maximum(iota - d, 0), axis=0, mode="promise_in_bounds")

  core = lax.axis_index("c")
  sub = lax.axis_index("s")
  wid = (sub * NC + core).astype(jnp.int32)
  chunk_start = wid * C
  chunk_end = chunk_start + C

  def reset_stage():
    for j in range(K // L):
      stage_seg[pl.ds(j * L, L)] = splat_i(S)

  def flush():
    pltpu.sync_copy(stage_val, out_hbm.at[stage_seg])
    reset_stage()

  def mask_prefix(mask):
    m_i = jnp.where(mask, jnp.int32(1), jnp.int32(0))
    incl = m_i
    for d in (1, 2, 4, 8):
      sh = jnp.take_along_axis(
          incl, jnp.maximum(iota - d, 0), axis=0, mode="promise_in_bounds")
      incl = incl + jnp.where(iota >= d, sh, jnp.int32(0))
    return incl - m_i, lane(incl, 15)[0]

  def append(cursor, segs, vals, mask):
    offs, cnt = mask_prefix(mask)
    dest = jnp.where(mask, splat_i(cursor) + offs, splat_i(DUMP))
    plsc.store_scatter(stage_seg, [dest], jnp.where(mask, segs, splat_i(S)))
    plsc.store_scatter(stage_val, [dest], vals)
    cursor = cursor + cnt
    need = cursor > THRESH
    pl.when(need)(flush)
    return jnp.where(need, jnp.int32(0), cursor)

  def gap_fill(cursor, a, b):
    nit = lax.div(b - a + (L - 1), jnp.int32(L))

    def body(i, cur):
      t = a + i * L
      segs = splat_i(t) + iota
      m = segs < splat_i(b)
      return append(cur, segs, splat_i(MAXI), m)

    return lax.fori_loop(0, nit, body, cursor)

  def process_vreg(st, o, p):
    cursor, c_seg, c_mval, c_mpos, c_rstart = st[:5]
    xv = x_buf[pl.ds(o, L)]
    sv = idx_buf[pl.ds(o, L)]
    nseg = plsc.load_gather(idx_buf, [splat_i(o) + iota + 1])
    pos = splat_i(p) + iota
    mval, mpos, rstart = xv, pos, pos
    for d in (1, 2, 4, 8):
      pseg = shift(sv, d)
      pmv = shift(mval, d)
      pmp = shift(mpos, d)
      prs = shift(rstart, d)
      valid = (iota >= d) & (pseg == sv)
      take = valid & ((pmv > mval) | ((pmv == mval) & (pmp < mpos)))
      mval = jnp.where(take, pmv, mval)
      mpos = jnp.where(take, pmp, mpos)
      rstart = jnp.where(valid, jnp.minimum(prs, rstart), rstart)
    s0 = lane(sv, 0)
    fm = (sv == s0) & (c_seg == s0)
    take = fm & ((c_mval > mval) | ((c_mval == mval) & (c_mpos < mpos)))
    mval = jnp.where(take, c_mval, mval)
    mpos = jnp.where(take, c_mpos, mpos)
    rstart = jnp.where(fm, jnp.minimum(rstart, c_rstart), rstart)
    close = sv != nseg
    owned = (rstart >= splat_i(chunk_start)) & (rstart < splat_i(chunk_end))
    emit = close & owned
    cursor = append(cursor, sv, mpos - rstart, emit)
    gmask = emit & (nseg > sv + 1)
    gm_i = jnp.where(gmask, jnp.int32(1), jnp.int32(0))
    _, has_gap = mask_prefix(gmask)

    def do_gaps(cur):
      def lane_body(l, cur):
        g = lane(gm_i, l)[0]
        a = lane(sv, l)[0] + 1
        b = lane(nseg, l)[0]
        return lax.cond(g > 0, lambda c: gap_fill(c, a, b), lambda c: c, cur)

      return lax.fori_loop(0, L, lane_body, cur)

    cursor = lax.cond(has_gap > 0, do_gaps, lambda c: c, cursor)
    open_run = lane(jnp.where(close, jnp.int32(1), jnp.int32(0)), 15) == 0
    c_seg = jnp.where(open_run, lane(sv, 15), splat_i(-1))
    c_mval = jnp.where(open_run, lane(mval, 15), splat_f(0.0))
    c_mpos = jnp.where(open_run, lane(mpos, 15), splat_i(0))
    c_rstart = jnp.where(open_run, lane(rstart, 15), splat_i(N))
    return (cursor, c_seg, c_mval, c_mpos, c_rstart, c_rstart[0])

  reset_stage()

  @pl.when(wid > 0)
  def _():
    off = pl.multiple_of(chunk_start - L, 16)
    pltpu.sync_copy(idx_hbm.at[pl.ds(off, L)], idx_buf.at[pl.ds(0, L)])

  wv = jnp.full((L,), wid, jnp.int32)
  prev = lane(idx_buf[pl.ds(0, L)], 15)
  c_seg0 = jnp.where(wv > 0, prev, splat_i(-1))
  state = (jnp.int32(0), c_seg0, splat_f(-jnp.inf), splat_i(0),
           splat_i(chunk_start - 1), chunk_start - 1)

  def tile_body(t, st):
    base = pl.multiple_of(chunk_start + t * T, 16)
    pltpu.sync_copy(x_hbm.at[pl.ds(base, T)], x_buf.at[pl.ds(0, T)])
    pltpu.sync_copy(idx_hbm.at[pl.ds(base, T)], idx_buf.at[pl.ds(0, T)])

    @pl.when(base + T < N)
    def _():
      off = pl.multiple_of(base + T, 16)
      pltpu.sync_copy(idx_hbm.at[pl.ds(off, L)], idx_buf.at[pl.ds(T, L)])

    @pl.when(base + T == N)
    def _():
      idx_buf[pl.ds(T, L)] = splat_i(S)

    def lead(stt):
      first = idx_buf[pl.ds(0, L)][0]
      cur = gap_fill(stt[0], jnp.int32(0), first)
      return (cur,) + stt[1:]

    st = lax.cond((t == 0) & (wid == 0), lead, lambda z: z, st)

    def vreg_body(v, stt):
      return process_vreg(stt, v * L, base + v * L)

    return lax.fori_loop(0, VPT, vreg_body, st)

  state = lax.fori_loop(0, TILES, tile_body, state)

  def cond2(st2):
    rs = st2[5]
    return (rs >= chunk_start) & (rs < chunk_end)

  def body2(st2):
    st, base = st2[:6], st2[6]
    base = pl.multiple_of(base, 16)
    pltpu.sync_copy(x_hbm.at[pl.ds(base, L)], x_buf.at[pl.ds(0, L)])
    pltpu.sync_copy(idx_hbm.at[pl.ds(base, L)], idx_buf.at[pl.ds(0, L)])

    @pl.when(base + L < N)
    def _():
      off = pl.multiple_of(base + L, 16)
      pltpu.sync_copy(idx_hbm.at[pl.ds(off, L)], idx_buf.at[pl.ds(L, L)])

    @pl.when(base + L == N)
    def _():
      idx_buf[pl.ds(L, L)] = splat_i(S)

    st = process_vreg(st, 0, base)
    return st + (base + L,)

  st2 = lax.while_loop(cond2, body2, state + (chunk_end.astype(jnp.int32),))
  del st2
  flush()


@jax.jit
def _run(x, idx32):
  mesh = plsc.VectorSubcoreMesh(
      core_axis_name="c", subcore_axis_name="s", num_cores=NC, num_subcores=NS)
  out = pl.kernel(
      _body,
      out_type=jax.ShapeDtypeStruct((S + L,), jnp.int32),
      mesh=mesh,
      compiler_params=pltpu.CompilerParams(needs_layout_passes=False),
      scratch_types=[
          pltpu.VMEM((T,), jnp.float32),
          pltpu.VMEM((T + L,), jnp.int32),
          pltpu.VMEM((K,), jnp.int32),
          pltpu.VMEM((K,), jnp.int32),
      ],
  )(x, idx32)
  return out[:S]


def kernel(x, index):
  return _run(x, index.astype(jnp.int32))

# --- scband reference (transcript-rebuilt; emitter-appended) ---
"""Pipeline reference for scband-max-pressure-24232205484254 (READ-ONLY COPY).

The authoritative reference and input builder live on the scoring server;
editing this copy changes nothing except your own understanding.
"""

import jax, jax.numpy as jnp
import numpy as np

N = 1600000
S = 100000  # number of intersections (segments)


def setup_inputs(seed: int = 0) -> dict:
    key = jax.random.key(seed)
    k1, k2 = jax.random.split(key)
    x = jax.random.normal(k1, (N,), dtype=jnp.float32)
    index = jnp.sort(jax.random.randint(k2, (N,), 0, S, dtype=jnp.int64))
    return {"x": x, "index": index}


def group_argmax(x, index, num_segments):
    # max pressure value per intersection
    seg_max = jax.ops.segment_max(x, index, num_segments=num_segments)
    # first flat position of each segment (index is sorted by construction,
    # matching edge_index[1] grouping in the HeteroData graph)
    starts = jax.ops.segment_min(jnp.arange(x.shape[0]), index, num_segments=num_segments)
    # local phase position within each intersection group
    pos = jnp.arange(x.shape[0]) - starts[index]
    is_max = x == seg_max[index]
    # first local position achieving the max (argmax semantics: first occurrence)
    cand = jnp.where(is_max, pos, x.shape[0])
    return jax.ops.segment_min(cand, index, num_segments=num_segments)


def reference(x, index):
    # MaxPressure.act on the first (uninitialized) call:
    # actions = group_argmax(pressures, phase->intersection index)
    max_pressure_actions = group_argmax(x, index, S)
    return max_pressure_actions

if __name__ == "__main__":
    import jax
    _d = setup_inputs()
    print(jax.jit(kernel)(*tuple(_d.values())))

</pallas_src>

<mosaic_0001>
#map = affine_map<(d0, d1) -> (0)>
module attributes {stable_mosaic.version = 14 : i64} {
  func.func @_body(%arg0: i32, %arg1: i32, %arg2: memref<1600000xf32, #tpu.memory_space<hbm>>, %arg3: memref<1600000xi32, #tpu.memory_space<hbm>>, %arg4: memref<100016xi32, #tpu.memory_space<hbm>>, %arg5: memref<50000xf32, #tpu.memory_space<vmem>>, %arg6: memref<50016xi32, #tpu.memory_space<vmem>>, %arg7: memref<128xi32, #tpu.memory_space<vmem>>, %arg8: memref<128xi32, #tpu.memory_space<vmem>>) attributes {dimension_semantics = [#tpu.dimension_semantics<core_parallel>, #tpu.dimension_semantics<subcore_parallel>], iteration_bounds = array<i64: 2, 16>, scalar_prefetch = 0 : i64, scratch_operands = 4 : i64, tpu.core_type = #tpu.core_type<sc_vector_subcore>, window_params = [{transform_indices = #map}, {transform_indices = #map}, {transform_indices = #map}]} {
    %iota3A = tpu.iota {dimensions = array<i32: 0>} : vector<16xi32>
    %mul3A = arith.constant 2 : i32
    %mul3A_0 = arith.muli %arg1, %mul3A : i32
    %add3A = arith.addi %mul3A_0, %arg0 : i32
    %mul3A_1 = arith.constant 50000 : i32
    %mul3A_2 = arith.muli %add3A, %mul3A_1 : i32
    %add3A_3 = arith.constant 50000 : i32
    %add3A_4 = arith.addi %mul3A_2, %add3A_3 : i32
    %broadcast_in_dim3A = arith.constant 100000 : i32
    %broadcast_in_dim3A_5 = vector.broadcast %broadcast_in_dim3A : i32 to vector<16xi32>
    %swap3A = arith.constant 0 : index
    %swap3A_6 = tpu.vector_load %arg7[%swap3A] {strides = array<i32>} : memref<128xi32, #tpu.memory_space<vmem>>, vector<16xi32>,
    tpu.vector_store %arg7[%swap3A], %broadcast_in_dim3A_5 {strides = array<i32>} : memref<128xi32, #tpu.memory_space<vmem>>, vector<16xi32>,
    %broadcast_in_dim3A_7 = arith.constant 100000 : i32
    %broadcast_in_dim3A_8 = vector.broadcast %broadcast_in_dim3A_7 : i32 to vector<16xi32>
    %swap3A_9 = arith.constant 16 : index
    %swap3A_10 = tpu.vector_load %arg7[%swap3A_9] {strides = array<i32>} : memref<128xi32, #tpu.memory_space<vmem>>, vector<16xi32>,
    tpu.vector_store %arg7[%swap3A_9], %broadcast_in_dim3A_8 {strides = array<i32>} : memref<128xi32, #tpu.memory_space<vmem>>, vector<16xi32>,
    %broadcast_in_dim3A_11 = arith.constant 100000 : i32
    %broadcast_in_dim3A_12 = vector.broadcast %broadcast_in_dim3A_11 : i32 to vector<16xi32>
    %swap3A_13 = arith.constant 32 : index
    %swap3A_14 = tpu.vector_load %arg7[%swap3A_13] {strides = array<i32>} : memref<128xi32, #tpu.memory_space<vmem>>, vector<16xi32>,
    tpu.vector_store %arg7[%swap3A_13], %broadcast_in_dim3A_12 {strides = array<i32>} : memref<128xi32, #tpu.memory_space<vmem>>, vector<16xi32>,
    %broadcast_in_dim3A_15 = arith.constant 100000 : i32
    %broadcast_in_dim3A_16 = vector.broadcast %broadcast_in_dim3A_15 : i32 to vector<16xi32>
    %swap3A_17 = arith.constant 48 : index
    %swap3A_18 = tpu.vector_load %arg7[%swap3A_17] {strides = array<i32>} : memref<128xi32, #tpu.memory_space<vmem>>, vector<16xi32>,
    tpu.vector_store %arg7[%swap3A_17], %broadcast_in_dim3A_16 {strides = array<i32>} : memref<128xi32, #tpu.memory_space<vmem>>, vector<16xi32>,
    %broadcast_in_dim3A_19 = arith.constant 100000 : i32
    %broadcast_in_dim3A_20 = vector.broadcast %broadcast_in_dim3A_19 : i32 to vector<16xi32>
    %swap3A_21 = arith.constant 64 : index
    %swap3A_22 = tpu.vector_load %arg7[%swap3A_21] {strides = array<i32>} : memref<128xi32, #tpu.memory_space<vmem>>, vector<16xi32>,
    tpu.vector_store %arg7[%swap3A_21], %broadcast_in_dim3A_20 {strides = array<i32>} : memref<128xi32, #tpu.memory_space<vmem>>, vector<16xi32>,
    %broadcast_in_dim3A_23 = arith.constant 100000 : i32
    %broadcast_in_dim3A_24 = vector.broadcast %broadcast_in_dim3A_23 : i32 to vector<16xi32>
    %swap3A_25 = arith.constant 80 : index
    %swap3A_26 = tpu.vector_load %arg7[%swap3A_25] {strides = array<i32>} : memref<128xi32, #tpu.memory_space<vmem>>, vector<16xi32>,
    tpu.vector_store %arg7[%swap3A_25], %broadcast_in_dim3A_24 {strides = array<i32>} : memref<128xi32, #tpu.memory_space<vmem>>, vector<16xi32>,
    %broadcast_in_dim3A_27 = arith.constant 100000 : i32
    %broadcast_in_dim3A_28 = vector.broadcast %broadcast_in_dim3A_27 : i32 to vector<16xi32>
    %swap3A_29 = arith.constant 96 : index
    %swap3A_30 = tpu.vector_load %arg7[%swap3A_29] {strides = array<i32>} : memref<128xi32, #tpu.memory_space<vmem>>, vector<16xi32>,
    tpu.vector_store %arg7[%swap3A_29], %broadcast_in_dim3A_28 {strides = array<i32>} : memref<128xi32, #tpu.memory_space<vmem>>, vector<16xi32>,
    %broadcast_in_dim3A_31 = arith.constant 100000 : i32
    %broadcast_in_dim3A_32 = vector.broadcast %broadcast_in_dim3A_31 : i32 to vector<16xi32>
    %swap3A_33 = arith.constant 112 : index
    %swap3A_34 = tpu.vector_load %arg7[%swap3A_33] {strides = array<i32>} : memref<128xi32, #tpu.memory_space<vmem>>, vector<16xi32>,
    tpu.vector_store %arg7[%swap3A_33], %broadcast_in_dim3A_32 {strides = array<i32>} : memref<128xi32, #tpu.memory_space<vmem>>, vector<16xi32>,
    %gt3A = arith.constant 0 : i32
    %gt3A_35 = arith.cmpi sgt, %add3A, %gt3A : i32
    %convert_element_type3A = arith.extui %gt3A_35 : i1 to i32
    %cond3A = arith.constant 0 : i32
    %cond3A_36 = arith.cmpi ne, %convert_element_type3A, %cond3A : i32
    scf.if %cond3A_36 {
      %sub3A_118 = arith.constant 16 : i32
      %sub3A_119 = arith.subi %mul3A_2, %sub3A_118 : i32
      %multiple_of3A_120 = tpu.assume_multiple %sub3A_119, 16 : i32
      "tpu.region"() ({
        %run_scoped3A = tpu.sem_alloc : memref<!tpu.dma_semaphore, #tpu.memory_space<semaphore_mem>>
        %dma_start3A = arith.constant 0 : i32
        %dma_start3A_121 = tpu.memref_slice %arg6[%dma_start3A] : memref<50016xi32, #tpu.memory_space<vmem>> -> memref<16xi32, #tpu.memory_space<vmem>>
        %dma_start3A_122 = tpu.memref_slice %arg3[%multiple_of3A_120] : memref<1600000xi32, #tpu.memory_space<hbm>> -> memref<16xi32, #tpu.memory_space<hbm>>
        %dma_start3A_123 = arith.constant 0 : i32
        %dma_start3A_124 = tpu.memref_slice %arg6[%dma_start3A_123] : memref<50016xi32, #tpu.memory_space<vmem>> -> memref<16xi32, #tpu.memory_space<vmem>>
        %dma_start3A_125 = tpu.memref_slice %arg3[%multiple_of3A_120] : memref<1600000xi32, #tpu.memory_space<hbm>> -> memref<16xi32, #tpu.memory_space<hbm>>
        tpu.enqueue_dma source(%dma_start3A_125 : memref<16xi32, #tpu.memory_space<hbm>>) target(%dma_start3A_124 : memref<16xi32, #tpu.memory_space<vmem>>) target_semaphore(%run_scoped3A : memref<!tpu.dma_semaphore, #tpu.memory_space<semaphore_mem>>)
        %dma_wait3A = arith.constant 0 : i32
        %dma_wait3A_126 = tpu.memref_slice %arg6[%dma_wait3A] : memref<50016xi32, #tpu.memory_space<vmem>> -> memref<16xi32, #tpu.memory_space<vmem>>
        %dma_wait3A_127 = tpu.memref_slice %arg3[%multiple_of3A_120] : memref<1600000xi32, #tpu.memory_space<hbm>> -> memref<16xi32, #tpu.memory_space<hbm>>
        %dma_wait3A_128 = arith.constant 0 : i32
        %dma_wait3A_129 = tpu.memref_slice %arg6[%dma_wait3A_128] : memref<50016xi32, #tpu.memory_space<vmem>> -> memref<16xi32, #tpu.memory_space<vmem>>
        %dma_wait3A_130 = tpu.memref_slice %arg3[%multiple_of3A_120] : memref<1600000xi32, #tpu.memory_space<hbm>> -> memref<16xi32, #tpu.memory_space<hbm>>
        tpu.wait_dma2 semaphore(%run_scoped3A : memref<!tpu.dma_semaphore, #tpu.memory_space<semaphore_mem>>) src(%dma_wait3A_130 : memref<16xi32, #tpu.memory_space<hbm>>) dst(%dma_wait3A_129 : memref<16xi32, #tpu.memory_space<vmem>>)
        tpu.yield
      }) : () -> ()
    } else {
    }
    %broadcast_in_dim3A_37 = vector.broadcast %add3A : i32 to vector<16xi32>
    %get3A = arith.constant 0 : index
    %get3A_38 = tpu.vector_load %arg6[%get3A] {strides = array<i32>} : memref<50016xi32, #tpu.memory_space<vmem>>, vector<16xi32>,
    %broadcast_in_dim3A_39 = arith.constant 15 : i32
    %broadcast_in_dim3A_40 = vector.broadcast %broadcast_in_dim3A_39 : i32 to vector<16xi32>
    %reshape3A = vector.shape_cast %broadcast_in_dim3A_40 : vector<16xi32> to vector<16x1xi32>
    %gather3A = vector.shape_cast %reshape3A : vector<16x1xi32> to vector<16xi32>
    %gather3A_41 = tpu.dynamic_gather %get3A_38[%gather3A] in [0] : vector<16xi32>, vector<16xi32> -> vector<16xi32>
    %gt3A_42 = arith.constant 0 : i32
    %gt3A_43 = vector.broadcast %gt3A_42 : i32 to vector<16xi32>
    %gt3A_44 = arith.cmpi sgt, %broadcast_in_dim3A_37, %gt3A_43 : vector<16xi32>
    %broadcast_in_dim3A_45 = arith.constant -1 : i32
    %broadcast_in_dim3A_46 = vector.broadcast %broadcast_in_dim3A_45 : i32 to vector<16xi32>
    %select_n3A = arith.select %gt3A_44, %gather3A_41, %broadcast_in_dim3A_46 : vector<16xi1>, vector<16xi32>
    %broadcast_in_dim3A_47 = arith.constant 0xFF800000 : f32
    %broadcast_in_dim3A_48 = vector.broadcast %broadcast_in_dim3A_47 : f32 to vector<16xf32>
    %broadcast_in_dim3A_49 = arith.constant 0 : i32
    %broadcast_in_dim3A_50 = vector.broadcast %broadcast_in_dim3A_49 : i32 to vector<16xi32>
    %sub3A = arith.constant 1 : i32
    %sub3A_51 = arith.subi %mul3A_2, %sub3A : i32
    %broadcast_in_dim3A_52 = vector.broadcast %sub3A_51 : i32 to vector<16xi32>
    %sub3A_53 = arith.constant 1 : i32
    %sub3A_54 = arith.subi %mul3A_2, %sub3A_53 : i32
    %scan3A = arith.constant 0 : i32
    %scan3A_55 = arith.constant 0 : i32
    %mul3A_56 = arith.constant 50000 : i32
    %mul3A_57 = arith.muli %scan3A_55, %mul3A_56 : i32
    %add3A_58 = arith.addi %mul3A_2, %mul3A_57 : i32
    %multiple_of3A = tpu.assume_multiple %add3A_58, 16 : i32
    "tpu.region"() ({
      %run_scoped3A = tpu.sem_alloc : memref<!tpu.dma_semaphore, #tpu.memory_space<semaphore_mem>>
      %dma_start3A = arith.constant 0 : i32
      %dma_start3A_118 = tpu.memref_slice %arg5[%dma_start3A] : memref<50000xf32, #tpu.memory_space<vmem>> -> memref<50000xf32, #tpu.memory_space<vmem>>
      %dma_start3A_119 = tpu.memref_slice %arg2[%multiple_of3A] : memref<1600000xf32, #tpu.memory_space<hbm>> -> memref<50000xf32, #tpu.memory_space<hbm>>
      %dma_start3A_120 = arith.constant 0 : i32
      %dma_start3A_121 = tpu.memref_slice %arg5[%dma_start3A_120] : memref<50000xf32, #tpu.memory_space<vmem>> -> memref<50000xf32, #tpu.memory_space<vmem>>
      %dma_start3A_122 = tpu.memref_slice %arg2[%multiple_of3A] : memref<1600000xf32, #tpu.memory_space<hbm>> -> memref<50000xf32, #tpu.memory_space<hbm>>
      tpu.enqueue_dma source(%dma_start3A_122 : memref<50000xf32, #tpu.memory_space<hbm>>) target(%dma_start3A_121 : memref<50000xf32, #tpu.memory_space<vmem>>) target_semaphore(%run_scoped3A : memref<!tpu.dma_semaphore, #tpu.memory_space<semaphore_mem>>)
      %dma_wait3A = arith.constant 0 : i32
      %dma_wait3A_123 = tpu.memref_slice %arg5[%dma_wait3A] : memref<50000xf32, #tpu.memory_space<vmem>> -> memref<50000xf32, #tpu.memory_space<vmem>>
      %dma_wait3A_124 = tpu.memref_slice %arg2[%multiple_of3A] : memref<1600000xf32, #tpu.memory_space<hbm>> -> memref<50000xf32, #tpu.memory_space<hbm>>
      %dma_wait3A_125 = arith.constant 0 : i32
      %dma_wait3A_126 = tpu.memref_slice %arg5[%dma_wait3A_125] : memref<50000xf32, #tpu.memory_space<vmem>> -> memref<50000xf32, #tpu.memory_space<vmem>>
      %dma_wait3A_127 = tpu.memref_slice %arg2[%multiple_of3A] : memref<1600000xf32, #tpu.memory_space<hbm>> -> memref<50000xf32, #tpu.memory_space<hbm>>
      tpu.wait_dma2 semaphore(%run_scoped3A : memref<!tpu.dma_semaphore, #tpu.memory_space<semaphore_mem>>) src(%dma_wait3A_127 : memref<50000xf32, #tpu.memory_space<hbm>>) dst(%dma_wait3A_126 : memref<50000xf32, #tpu.memory_space<vmem>>)
      tpu.yield
    }) : () -> ()
    "tpu.region"() ({
      %run_scoped3A = tpu.sem_alloc : memref<!tpu.dma_semaphore, #tpu.memory_space<semaphore_mem>>
      %dma_start3A = arith.constant 0 : i32
      %dma_start3A_118 = tpu.memref_slice %arg6[%dma_start3A] : memref<50016xi32, #tpu.memory_space<vmem>> -> memref<50000xi32, #tpu.memory_space<vmem>>
      %dma_start3A_119 = tpu.memref_slice %arg3[%multiple_of3A] : memref<1600000xi32, #tpu.memory_space<hbm>> -> memref<50000xi32, #tpu.memory_space<hbm>>
      %dma_start3A_120 = arith.constant 0 : i32
      %dma_start3A_121 = tpu.memref_slice %arg6[%dma_start3A_120] : memref<50016xi32, #tpu.memory_space<vmem>> -> memref<50000xi32, #tpu.memory_space<vmem>>
      %dma_start3A_122 = tpu.memref_slice %arg3[%multiple_of3A] : memref<1600000xi32, #tpu.memory_space<hbm>> -> memref<50000xi32, #tpu.memory_space<hbm>>
      tpu.enqueue_dma source(%dma_start3A_122 : memref<50000xi32, #tpu.memory_space<hbm>>) target(%dma_start3A_121 : memref<50000xi32, #tpu.memory_space<vmem>>) target_semaphore(%run_scoped3A : memref<!tpu.dma_semaphore, #tpu.memory_space<semaphore_mem>>)
      %dma_wait3A = arith.constant 0 : i32
      %dma_wait3A_123 = tpu.memref_slice %arg6[%dma_wait3A] : memref<50016xi32, #tpu.memory_space<vmem>> -> memref<50000xi32, #tpu.memory_space<vmem>>
      %dma_wait3A_124 = tpu.memref_slice %arg3[%multiple_of3A] : memref<1600000xi32, #tpu.memory_space<hbm>> -> memref<50000xi32, #tpu.memory_space<hbm>>
      %dma_wait3A_125 = arith.constant 0 : i32
      %dma_wait3A_126 = tpu.memref_slice %arg6[%dma_wait3A_125] : memref<50016xi32, #tpu.memory_space<vmem>> -> memref<50000xi32, #tpu.memory_space<vmem>>
      %dma_wait3A_127 = tpu.memref_slice %arg3[%multiple_of3A] : memref<1600000xi32, #tpu.memory_space<hbm>> -> memref<50000xi32, #tpu.memory_space<hbm>>
      tpu.wait_dma2 semaphore(%run_scoped3A : memref<!tpu.dma_semaphore, #tpu.memory_space<semaphore_mem>>) src(%dma_wait3A_127 : memref<50000xi32, #tpu.memory_space<hbm>>) dst(%dma_wait3A_126 : memref<50000xi32, #tpu.memory_space<vmem>>)
      tpu.yield
    }) : () -> ()
    %add3A_59 = arith.constant 50000 : i32
    %add3A_60 = arith.addi %multiple_of3A, %add3A_59 : i32
    %lt3A = arith.constant 1600000 : i32
    %lt3A_61 = arith.cmpi slt, %add3A_60, %lt3A : i32
    %convert_element_type3A_62 = arith.extui %lt3A_61 : i1 to i32
    %cond3A_63 = arith.constant 0 : i32
    %cond3A_64 = arith.cmpi ne, %convert_element_type3A_62, %cond3A_63 : i32
    scf.if %cond3A_64 {
      %add3A_118 = arith.constant 50000 : i32
      %add3A_119 = arith.addi %multiple_of3A, %add3A_118 : i32
      %multiple_of3A_120 = tpu.assume_multiple %add3A_119, 16 : i32
      "tpu.region"() ({
        %run_scoped3A = tpu.sem_alloc : memref<!tpu.dma_semaphore, #tpu.memory_space<semaphore_mem>>
        %dma_start3A = arith.constant 50000 : i32
        %dma_start3A_121 = tpu.memref_slice %arg6[%dma_start3A] : memref<50016xi32, #tpu.memory_space<vmem>> -> memref<16xi32, #tpu.memory_space<vmem>>
        %dma_start3A_122 = tpu.memref_slice %arg3[%multiple_of3A_120] : memref<1600000xi32, #tpu.memory_space<hbm>> -> memref<16xi32, #tpu.memory_space<hbm>>
        %dma_start3A_123 = arith.constant 50000 : i32
        %dma_start3A_124 = tpu.memref_slice %arg6[%dma_start3A_123] : memref<50016xi32, #tpu.memory_space<vmem>> -> memref<16xi32, #tpu.memory_space<vmem>>
        %dma_start3A_125 = tpu.memref_slice %arg3[%multiple_of3A_120] : memref<1600000xi32, #tpu.memory_space<hbm>> -> memref<16xi32, #tpu.memory_space<hbm>>
        tpu.enqueue_dma source(%dma_start3A_125 : memref<16xi32, #tpu.memory_space<hbm>>) target(%dma_start3A_124 : memref<16xi32, #tpu.memory_space<vmem>>) target_semaphore(%run_scoped3A : memref<!tpu.dma_semaphore, #tpu.memory_space<semaphore_mem>>)
        %dma_wait3A = arith.constant 50000 : i32
        %dma_wait3A_126 = tpu.memref_slice %arg6[%dma_wait3A] : memref<50016xi32, #tpu.memory_space<vmem>> -> memref<16xi32, #tpu.memory_space<vmem>>
        %dma_wait3A_127 = tpu.memref_slice %arg3[%multiple_of3A_120] : memref<1600000xi32, #tpu.memory_space<hbm>> -> memref<16xi32, #tpu.memory_space<hbm>>
        %dma_wait3A_128 = arith.constant 50000 : i32
        %dma_wait3A_129 = tpu.memref_slice %arg6[%dma_wait3A_128] : memref<50016xi32, #tpu.memory_space<vmem>> -> memref<16xi32, #tpu.memory_space<vmem>>
        %dma_wait3A_130 = tpu.memref_slice %arg3[%multiple_of3A_120] : memref<1600000xi32, #tpu.memory_space<hbm>> -> memref<16xi32, #tpu.memory_space<hbm>>
        tpu.wait_dma2 semaphore(%run_scoped3A : memref<!tpu.dma_semaphore, #tpu.memory_space<semaphore_mem>>) src(%dma_wait3A_130 : memref<16xi32, #tpu.memory_space<hbm>>) dst(%dma_wait3A_129 : memref<16xi32, #tpu.memory_space<vmem>>)
        tpu.yield
      }) : () -> ()
    } else {
    }
    %add3A_65 = arith.constant 50000 : i32
    %add3A_66 = arith.addi %multiple_of3A, %add3A_65 : i32
    %eq3A = arith.constant 1600000 : i32
    %eq3A_67 = arith.cmpi eq, %add3A_66, %eq3A : i32
    %convert_element_type3A_68 = arith.extui %eq3A_67 : i1 to i32
    %cond3A_69 = arith.constant 0 : i32
    %cond3A_70 = arith.cmpi ne, %convert_element_type3A_68, %cond3A_69 : i32
    scf.if %cond3A_70 {
      %broadcast_in_dim3A_118 = arith.constant 100000 : i32
      %broadcast_in_dim3A_119 = vector.broadcast %broadcast_in_dim3A_118 : i32 to vector<16xi32>
      %swap3A_120 = arith.constant 50000 : index
      %swap3A_121 = tpu.vector_load %arg6[%swap3A_120] {strides = array<i32>} : memref<50016xi32, #tpu.memory_space<vmem>>, vector<16xi32>,
      tpu.vector_store %arg6[%swap3A_120], %broadcast_in_dim3A_119 {strides = array<i32>} : memref<50016xi32, #tpu.memory_space<vmem>>, vector<16xi32>,
    } else {
    }
    %eq3A_71 = arith.constant 0 : i32
    %eq3A_72 = arith.cmpi eq, %scan3A_55, %eq3A_71 : i32
    %eq3A_73 = arith.constant 0 : i32
    %eq3A_74 = arith.cmpi eq, %add3A, %eq3A_73 : i32
    %and3A = arith.andi %eq3A_72, %eq3A_74 : i1
    %convert_element_type3A_75 = arith.extui %and3A : i1 to i32
    %cond3A_76 = arith.constant 0 : i32
    %cond3A_77 = arith.cmpi ne, %convert_element_type3A_75, %cond3A_76 : i32
    %cond3A_78 = scf.if %cond3A_77 -> (i32) {
      %get3A_118 = arith.constant 0 : index
      %get3A_119 = tpu.vector_load %arg6[%get3A_118] {strides = array<i32>} : memref<50016xi32, #tpu.memory_space<vmem>>, vector<16xi32>,
      %slice3A = vector.extract_strided_slice %get3A_119 {offsets = [0], sizes = [1], strides = [1]} : vector<16xi32> to vector<1xi32>
      %squeeze3A = vector.extract %slice3A[0] : i32 from vector<1xi32>
      %sub3A_120 = arith.constant 0 : i32
      %sub3A_121 = arith.subi %squeeze3A, %sub3A_120 : i32
      %add3A_122 = arith.constant 15 : i32
      %add3A_123 = arith.addi %sub3A_121, %add3A_122 : i32
      %div3A = arith.constant 16 : i32
      %div3A_124 = arith.divsi %add3A_123, %div3A : i32
      %while3A_125 = arith.constant 0 : i32
      %while3A_126 = arith.constant 0 : i32
      %while3A_127 = arith.subi %div3A_124, %while3A_126 : i32
      %while3A_128 = arith.addi %while3A_126, %while3A_127 : i32
      %while3A_129 = arith.constant 1 : i32
      %while3A_130 = arith.divsi %while3A_127, %while3A_129 : i32
      %while3A_131 = arith.muli %while3A_130, %while3A_129 : i32
      %while3A_132 = arith.addi %while3A_126, %while3A_131 : i32
      %while3A_133 = arith.constant 1 : i32
      %while3A_134 = scf.for %while3A_137 = %while3A_126 to %while3A_132 step %while3A_133 iter_args(%while3A_138 = %scan3A) -> (i32)  : i32 {
        %mul3A_139 = arith.constant 16 : i32
        %mul3A_140 = arith.muli %while3A_137, %mul3A_139 : i32
        %add3A_141 = arith.addi %while3A_125, %mul3A_140 : i32
        %broadcast_in_dim3A_142 = vector.broadcast %add3A_141 : i32 to vector<16xi32>
        %add3A_143 = arith.addi %broadcast_in_dim3A_142, %iota3A : vector<16xi32>
        %broadcast_in_dim3A_144 = vector.broadcast %squeeze3A : i32 to vector<16xi32>
        %lt3A_145 = arith.cmpi slt, %add3A_143, %broadcast_in_dim3A_144 : vector<16xi32>
        %broadcast_in_dim3A_146 = arith.constant 2147483647 : i32
        %broadcast_in_dim3A_147 = vector.broadcast %broadcast_in_dim3A_146 : i32 to vector<16xi32>
        %jit3A = arith.constant 1 : i32
        %jit3A_148 = arith.constant 0 : i32
        %broadcast_in_dim3A_149 = vector.broadcast %jit3A : i32 to vector<16xi32>
        %broadcast_in_dim3A_150 = vector.broadcast %jit3A_148 : i32 to vector<16xi32>
        %select_n3A_151 = arith.select %lt3A_145, %broadcast_in_dim3A_149, %broadcast_in_dim3A_150 : vector<16xi1>, vector<16xi32>
        %sub3A_152 = arith.constant 1 : i32
        %sub3A_153 = vector.broadcast %sub3A_152 : i32 to vector<16xi32>
        %sub3A_154 = arith.subi %iota3A, %sub3A_153 : vector<16xi32>
        %max3A = arith.constant 0 : i32
        %max3A_155 = vector.broadcast %max3A : i32 to vector<16xi32>
        %max3A_156 = arith.maxsi %sub3A_154, %max3A_155 : vector<16xi32>
        %reshape3A_157 = vector.shape_cast %max3A_156 : vector<16xi32> to vector<16x1xi32>
        %gather3A_158 = vector.shape_cast %reshape3A_157 : vector<16x1xi32> to vector<16xi32>
        %gather3A_159 = tpu.dynamic_gather %select_n3A_151[%gather3A_158] in [0] : vector<16xi32>, vector<16xi32> -> vector<16xi32>
        %ge3A = arith.constant 1 : i32
        %ge3A_160 = vector.broadcast %ge3A : i32 to vector<16xi32>
        %ge3A_161 = arith.cmpi sge, %iota3A, %ge3A_160 : vector<16xi32>
        %jit3A_162 = arith.constant 0 : i32
        %broadcast_in_dim3A_163 = vector.broadcast %jit3A_162 : i32 to vector<16xi32>
        %select_n3A_164 = arith.select %ge3A_161, %gather3A_159, %broadcast_in_dim3A_163 : vector<16xi1>, vector<16xi32>
        %add3A_165 = arith.addi %select_n3A_151, %select_n3A_164 : vector<16xi32>
        %sub3A_166 = arith.constant 2 : i32
        %sub3A_167 = vector.broadcast %sub3A_166 : i32 to vector<16xi32>
        %sub3A_168 = arith.subi %iota3A, %sub3A_167 : vector<16xi32>
        %max3A_169 = arith.constant 0 : i32
        %max3A_170 = vector.broadcast %max3A_169 : i32 to vector<16xi32>
        %max3A_171 = arith.maxsi %sub3A_168, %max3A_170 : vector<16xi32>
        %reshape3A_172 = vector.shape_cast %max3A_171 : vector<16xi32> to vector<16x1xi32>
        %gather3A_173 = vector.shape_cast %reshape3A_172 : vector<16x1xi32> to vector<16xi32>
        %gather3A_174 = tpu.dynamic_gather %add3A_165[%gather3A_173] in [0] : vector<16xi32>, vector<16xi32> -> vector<16xi32>
        %ge3A_175 = arith.constant 2 : i32
        %ge3A_176 = vector.broadcast %ge3A_175 : i32 to vector<16xi32>
        %ge3A_177 = arith.cmpi sge, %iota3A, %ge3A_176 : vector<16xi32>
        %jit3A_178 = arith.constant 0 : i32
        %broadcast_in_dim3A_179 = vector.broadcast %jit3A_178 : i32 to vector<16xi32>
        %select_n3A_180 = arith.select %ge3A_177, %gather3A_174, %broadcast_in_dim3A_179 : vector<16xi1>, vector<16xi32>
        %add3A_181 = arith.addi %add3A_165, %select_n3A_180 : vector<16xi32>
        %sub3A_182 = arith.constant 4 : i32
        %sub3A_183 = vector.broadcast %sub3A_182 : i32 to vector<16xi32>
        %sub3A_184 = arith.subi %iota3A, %sub3A_183 : vector<16xi32>
        %max3A_185 = arith.constant 0 : i32
        %max3A_186 = vector.broadcast %max3A_185 : i32 to vector<16xi32>
        %max3A_187 = arith.maxsi %sub3A_184, %max3A_186 : vector<16xi32>
        %reshape3A_188 = vector.shape_cast %max3A_187 : vector<16xi32> to vector<16x1xi32>
        %gather3A_189 = vector.shape_cast %reshape3A_188 : vector<16x1xi32> to vector<16xi32>
        %gather3A_190 = tpu.dynamic_gather %add3A_181[%gather3A_189] in [0] : vector<16xi32>, vector<16xi32> -> vector<16xi32>
        %ge3A_191 = arith.constant 4 : i32
        %ge3A_192 = vector.broadcast %ge3A_191 : i32 to vector<16xi32>
        %ge3A_193 = arith.cmpi sge, %iota3A, %ge3A_192 : vector<16xi32>
        %jit3A_194 = arith.constant 0 : i32
        %broadcast_in_dim3A_195 = vector.broadcast %jit3A_194 : i32 to vector<16xi32>
        %select_n3A_196 = arith.select %ge3A_193, %gather3A_190, %broadcast_in_dim3A_195 : vector<16xi1>, vector<16xi32>
        %add3A_197 = arith.addi %add3A_181, %select_n3A_196 : vector<16xi32>
        %sub3A_198 = arith.constant 8 : i32
        %sub3A_199 = vector.broadcast %sub3A_198 : i32 to vector<16xi32>
        %sub3A_200 = arith.subi %iota3A, %sub3A_199 : vector<16xi32>
        %max3A_201 = arith.constant 0 : i32
        %max3A_202 = vector.broadcast %max3A_201 : i32 to vector<16xi32>
        %max3A_203 = arith.maxsi %sub3A_200, %max3A_202 : vector<16xi32>
        %reshape3A_204 = vector.shape_cast %max3A_203 : vector<16xi32> to vector<16x1xi32>
        %gather3A_205 = vector.shape_cast %reshape3A_204 : vector<16x1xi32> to vector<16xi32>
        %gather3A_206 = tpu.dynamic_gather %add3A_197[%gather3A_205] in [0] : vector<16xi32>, vector<16xi32> -> vector<16xi32>
        %ge3A_207 = arith.constant 8 : i32
        %ge3A_208 = vector.broadcast %ge3A_207 : i32 to vector<16xi32>
        %ge3A_209 = arith.cmpi sge, %iota3A, %ge3A_208 : vector<16xi32>
        %jit3A_210 = arith.constant 0 : i32
        %broadcast_in_dim3A_211 = vector.broadcast %jit3A_210 : i32 to vector<16xi32>
        %select_n3A_212 = arith.select %ge3A_209, %gather3A_206, %broadcast_in_dim3A_211 : vector<16xi1>, vector<16xi32>
        %add3A_213 = arith.addi %add3A_197, %select_n3A_212 : vector<16xi32>
        %sub3A_214 = arith.subi %add3A_213, %select_n3A_151 : vector<16xi32>
        %broadcast_in_dim3A_215 = arith.constant 15 : i32
        %broadcast_in_dim3A_216 = vector.broadcast %broadcast_in_dim3A_215 : i32 to vector<16xi32>
        %reshape3A_217 = vector.shape_cast %broadcast_in_dim3A_216 : vector<16xi32> to vector<16x1xi32>
        %gather3A_218 = vector.shape_cast %reshape3A_217 : vector<16x1xi32> to vector<16xi32>
        %gather3A_219 = tpu.dynamic_gather %add3A_213[%gather3A_218] in [0] : vector<16xi32>, vector<16xi32> -> vector<16xi32>
        %slice3A_220 = vector.extract_strided_slice %gather3A_219 {offsets = [0], sizes = [1], strides = [1]} : vector<16xi32> to vector<1xi32>
        %squeeze3A_221 = vector.extract %slice3A_220[0] : i32 from vector<1xi32>
        %broadcast_in_dim3A_222 = vector.broadcast %while3A_138 : i32 to vector<16xi32>
        %add3A_223 = arith.addi %broadcast_in_dim3A_222, %sub3A_214 : vector<16xi32>
        %broadcast_in_dim3A_224 = arith.constant 127 : i32
        %broadcast_in_dim3A_225 = vector.broadcast %broadcast_in_dim3A_224 : i32 to vector<16xi32>
        %select_n3A_226 = arith.select %lt3A_145, %add3A_223, %broadcast_in_dim3A_225 : vector<16xi1>, vector<16xi32>
        %broadcast_in_dim3A_227 = arith.constant 100000 : i32
        %broadcast_in_dim3A_228 = vector.broadcast %broadcast_in_dim3A_227 : i32 to vector<16xi32>
        %select_n3A_229 = arith.select %lt3A_145, %add3A_143, %broadcast_in_dim3A_228 : vector<16xi1>, vector<16xi32>
        tpu.vector_store_idx %arg7[%select_n3A_226], %select_n3A_229 : memref<128xi32, #tpu.memory_space<vmem>>[vector<16xi32>], vector<16xi32>,
        tpu.vector_store_idx %arg8[%select_n3A_226], %broadcast_in_dim3A_147 : memref<128xi32, #tpu.memory_space<vmem>>[vector<16xi32>], vector<16xi32>,
        %add3A_230 = arith.addi %while3A_138, %squeeze3A_221 : i32
        %gt3A_231 = arith.constant 112 : i32
        %gt3A_232 = arith.cmpi sgt, %add3A_230, %gt3A_231 : i32
        %convert_element_type3A_233 = arith.extui %gt3A_232 : i1 to i32
        %cond3A_234 = arith.constant 0 : i32
        %cond3A_235 = arith.cmpi ne, %convert_element_type3A_233, %cond3A_234 : i32
        scf.if %cond3A_235 {
          "tpu.region"() ({
            %run_scoped3A = tpu.sem_alloc : memref<!tpu.dma_semaphore, #tpu.memory_space<semaphore_mem>>
            %dma_start3A = arith.constant 0 : i32
            %dma_start3A_270 = tpu.memref_slice %arg4[%dma_start3A] : memref<100016xi32, #tpu.memory_space<hbm>> -> memref<100016xi32, #tpu.memory_space<hbm>>
            tpu.enqueue_indirect_dma source(%arg8 : memref<128xi32, #tpu.memory_space<vmem>>) target(%dma_start3A_270 : memref<100016xi32, #tpu.memory_space<hbm>>) offsets(%arg7 : memref<128xi32, #tpu.memory_space<vmem>>) semaphore(%run_scoped3A : memref<!tpu.dma_semaphore, #tpu.memory_space<semaphore_mem>>)
            %dma_wait3A = arith.constant 0 : i32
            %dma_wait3A_271 = tpu.memref_slice %arg4[%dma_wait3A] : memref<100016xi32, #tpu.memory_space<hbm>> -> memref<100016xi32, #tpu.memory_space<hbm>>
            tpu.wait_indirect_dma semaphore(%run_scoped3A : memref<!tpu.dma_semaphore, #tpu.memory_space<semaphore_mem>>) src(%arg8 : memref<128xi32, #tpu.memory_space<vmem>>) dst(%dma_wait3A_271 : memref<100016xi32, #tpu.memory_space<hbm>>)
            tpu.yield
          }) : () -> ()
          %broadcast_in_dim3A_238 = arith.constant 100000 : i32
          %broadcast_in_dim3A_239 = vector.broadcast %broadcast_in_dim3A_238 : i32 to vector<16xi32>
          %swap3A_240 = arith.constant 0 : index
          %swap3A_241 = tpu.vector_load %arg7[%swap3A_240] {strides = array<i32>} : memref<128xi32, #tpu.memory_space<vmem>>, vector<16xi32>,
          tpu.vector_store %arg7[%swap3A_240], %broadcast_in_dim3A_239 {strides = array<i32>} : memref<128xi32, #tpu.memory_space<vmem>>, vector<16xi32>,
          %broadcast_in_dim3A_242 = arith.constant 100000 : i32
          %broadcast_in_dim3A_243 = vector.broadcast %broadcast_in_dim3A_242 : i32 to vector<16xi32>
          %swap3A_244 = arith.constant 16 : index
          %swap3A_245 = tpu.vector_load %arg7[%swap3A_244] {strides = array<i32>} : memref<128xi32, #tpu.memory_space<vmem>>, vector<16xi32>,
          tpu.vector_store %arg7[%swap3A_244], %broadcast_in_dim3A_243 {strides = array<i32>} : memref<128xi32, #tpu.memory_space<vmem>>, vector<16xi32>,
          %broadcast_in_dim3A_246 = arith.constant 100000 : i32
          %broadcast_in_dim3A_247 = vector.broadcast %broadcast_in_dim3A_246 : i32 to vector<16xi32>
          %swap3A_248 = arith.constant 32 : index
          %swap3A_249 = tpu.vector_load %arg7[%swap3A_248] {strides = array<i32>} : memref<128xi32, #tpu.memory_space<vmem>>, vector<16xi32>,
          tpu.vector_store %arg7[%swap3A_248], %broadcast_in_dim3A_247 {strides = array<i32>} : memref<128xi32, #tpu.memory_space<vmem>>, vector<16xi32>,
          %broadcast_in_dim3A_250 = arith.constant 100000 : i32
          %broadcast_in_dim3A_251 = vector.broadcast %broadcast_in_dim3A_250 : i32 to vector<16xi32>
          %swap3A_252 = arith.constant 48 : index
          %swap3A_253 = tpu.vector_load %arg7[%swap3A_252] {strides = array<i32>} : memref<128xi32, #tpu.memory_space<vmem>>, vector<16xi32>,
          tpu.vector_store %arg7[%swap3A_252], %broadcast_in_dim3A_251 {strides = array<i32>} : memref<128xi32, #tpu.memory_space<vmem>>, vector<16xi32>,
          %broadcast_in_dim3A_254 = arith.constant 100000 : i32
          %broadcast_in_dim3A_255 = vector.broadcast %broadcast_in_dim3A_254 : i32 to vector<16xi32>
          %swap3A_256 = arith.constant 64 : index
          %swap3A_257 = tpu.vector_load %arg7[%swap3A_256] {strides = array<i32>} : memref<128xi32, #tpu.memory_space<vmem>>, vector<16xi32>,
          tpu.vector_store %arg7[%swap3A_256], %broadcast_in_dim3A_255 {strides = array<i32>} : memref<128xi32, #tpu.memory_space<vmem>>, vector<16xi32>,
          %broadcast_in_dim3A_258 = arith.constant 100000 : i32
          %broadcast_in_dim3A_259 = vector.broadcast %broadcast_in_dim3A_258 : i32 to vector<16xi32>
          %swap3A_260 = arith.constant 80 : index
          %swap3A_261 = tpu.vector_load %arg7[%swap3A_260] {strides = array<i32>} : memref<128xi32, #tpu.memory_space<vmem>>, vector<16xi32>,
          tpu.vector_store %arg7[%swap3A_260], %broadcast_in_dim3A_259 {strides = array<i32>} : memref<128xi32, #tpu.memory_space<vmem>>, vector<16xi32>,
          %broadcast_in_dim3A_262 = arith.constant 100000 : i32
          %broadcast_in_dim3A_263 = vector.broadcast %broadcast_in_dim3A_262 : i32 to vector<16xi32>
          %swap3A_264 = arith.constant 96 : index
          %swap3A_265 = tpu.vector_load %arg7[%swap3A_264] {strides = array<i32>} : memref<128xi32, #tpu.memory_space<vmem>>, vector<16xi32>,
          tpu.vector_store %arg7[%swap3A_264], %broadcast_in_dim3A_263 {strides = array<i32>} : memref<128xi32, #tpu.memory_space<vmem>>, vector<16xi32>,
          %broadcast_in_dim3A_266 = arith.constant 100000 : i32
          %broadcast_in_dim3A_267 = vector.broadcast %broadcast_in_dim3A_266 : i32 to vector<16xi32>
          %swap3A_268 = arith.constant 112 : index
          %swap3A_269 = tpu.vector_load %arg7[%swap3A_268] {strides = array<i32>} : memref<128xi32, #tpu.memory_space<vmem>>, vector<16xi32>,
          tpu.vector_store %arg7[%swap3A_268], %broadcast_in_dim3A_267 {strides = array<i32>} : memref<128xi32, #tpu.memory_space<vmem>>, vector<16xi32>,
        } else {
        }
        %jit3A_236 = arith.constant 0 : i32
        %select_n3A_237 = arith.select %gt3A_232, %jit3A_236, %add3A_230 : i32
        scf.yield %select_n3A_237 : i32
      }
      %while3A_135 = arith.constant 1 : i32
      %while3A_136 = scf.for %while3A_137 = %while3A_132 to %while3A_128 step %while3A_135 iter_args(%while3A_138 = %while3A_134) -> (i32)  : i32 {
        %mul3A_139 = arith.constant 16 : i32
        %mul3A_140 = arith.muli %while3A_137, %mul3A_139 : i32
        %add3A_141 = arith.addi %while3A_125, %mul3A_140 : i32
        %broadcast_in_dim3A_142 = vector.broadcast %add3A_141 : i32 to vector<16xi32>
        %add3A_143 = arith.addi %broadcast_in_dim3A_142, %iota3A : vector<16xi32>
        %broadcast_in_dim3A_144 = vector.broadcast %squeeze3A : i32 to vector<16xi32>
        %lt3A_145 = arith.cmpi slt, %add3A_143, %broadcast_in_dim3A_144 : vector<16xi32>
        %broadcast_in_dim3A_146 = arith.constant 2147483647 : i32
        %broadcast_in_dim3A_147 = vector.broadcast %broadcast_in_dim3A_146 : i32 to vector<16xi32>
        %jit3A = arith.constant 1 : i32
        %jit3A_148 = arith.constant 0 : i32
        %broadcast_in_dim3A_149 = vector.broadcast %jit3A : i32 to vector<16xi32>
        %broadcast_in_dim3A_150 = vector.broadcast %jit3A_148 : i32 to vector<16xi32>
        %select_n3A_151 = arith.select %lt3A_145, %broadcast_in_dim3A_149, %broadcast_in_dim3A_150 : vector<16xi1>, vector<16xi32>
        %sub3A_152 = arith.constant 1 : i32
        %sub3A_153 = vector.broadcast %sub3A_152 : i32 to vector<16xi32>
        %sub3A_154 = arith.subi %iota3A, %sub3A_153 : vector<16xi32>
        %max3A = arith.constant 0 : i32
        %max3A_155 = vector.broadcast %max3A : i32 to vector<16xi32>
        %max3A_156 = arith.maxsi %sub3A_154, %max3A_155 : vector<16xi32>
        %reshape3A_157 = vector.shape_cast %max3A_156 : vector<16xi32> to vector<16x1xi32>
        %gather3A_158 = vector.shape_cast %reshape3A_157 : vector<16x1xi32> to vector<16xi32>
        %gather3A_159 = tpu.dynamic_gather %select_n3A_151[%gather3A_158] in [0] : vector<16xi32>, vector<16xi32> -> vector<16xi32>
        %ge3A = arith.constant 1 : i32
        %ge3A_160 = vector.broadcast %ge3A : i32 to vector<16xi32>
        %ge3A_161 = arith.cmpi sge, %iota3A, %ge3A_160 : vector<16xi32>
        %jit3A_162 = arith.constant 0 : i32
        %broadcast_in_dim3A_163 = vector.broadcast %jit3A_162 : i32 to vector<16xi32>
        %select_n3A_164 = arith.select %ge3A_161, %gather3A_159, %broadcast_in_dim3A_163 : vector<16xi1>, vector<16xi32>
        %add3A_165 = arith.addi %select_n3A_151, %select_n3A_164 : vector<16xi32>
        %sub3A_166 = arith.constant 2 : i32
        %sub3A_167 = vector.broadcast %sub3A_166 : i32 to vector<16xi32>
        %sub3A_168 = arith.subi %iota3A, %sub3A_167 : vector<16xi32>
        %max3A_169 = arith.constant 0 : i32
        %max3A_170 = vector.broadcast %max3A_169 : i32 to vector<16xi32>
        %max3A_171 = arith.maxsi %sub3A_168, %max3A_170 : vector<16xi32>
        %reshape3A_172 = vector.shape_cast %max3A_171 : vector<16xi32> to vector<16x1xi32>
        %gather3A_173 = vector.shape_cast %reshape3A_172 : vector<16x1xi32> to vector<16xi32>
        %gather3A_174 = tpu.dynamic_gather %add3A_165[%gather3A_173] in [0] : vector<16xi32>, vector<16xi32> -> vector<16xi32>
        %ge3A_175 = arith.constant 2 : i32
        %ge3A_176 = vector.broadcast %ge3A_175 : i32 to vector<16xi32>
        %ge3A_177 = arith.cmpi sge, %iota3A, %ge3A_176 : vector<16xi32>
        %jit3A_178 = arith.constant 0 : i32
        %broadcast_in_dim3A_179 = vector.broadcast %jit3A_178 : i32 to vector<16xi32>
        %select_n3A_180 = arith.select %ge3A_177, %gather3A_174, %broadcast_in_dim3A_179 : vector<16xi1>, vector<16xi32>
        %add3A_181 = arith.addi %add3A_165, %select_n3A_180 : vector<16xi32>
        %sub3A_182 = arith.constant 4 : i32
        %sub3A_183 = vector.broadcast %sub3A_182 : i32 to vector<16xi32>
        %sub3A_184 = arith.subi %iota3A, %sub3A_183 : vector<16xi32>
        %max3A_185 = arith.constant 0 : i32
        %max3A_186 = vector.broadcast %max3A_185 : i32 to vector<16xi32>
        %max3A_187 = arith.maxsi %sub3A_184, %max3A_186 : vector<16xi32>
        %reshape3A_188 = vector.shape_cast %max3A_187 : vector<16xi32> to vector<16x1xi32>
        %gather3A_189 = vector.shape_cast %reshape3A_188 : vector<16x1xi32> to vector<16xi32>
        %gather3A_190 = tpu.dynamic_gather %add3A_181[%gather3A_189] in [0] : vector<16xi32>, vector<16xi32> -> vector<16xi32>
        %ge3A_191 = arith.constant 4 : i32
        %ge3A_192 = vector.broadcast %ge3A_191 : i32 to vector<16xi32>
        %ge3A_193 = arith.cmpi sge, %iota3A, %ge3A_192 : vector<16xi32>
        %jit3A_194 = arith.constant 0 : i32
        %broadcast_in_dim3A_195 = vector.broadcast %jit3A_194 : i32 to vector<16xi32>
        %select_n3A_196 = arith.select %ge3A_193, %gather3A_190, %broadcast_in_dim3A_195 : vector<16xi1>, vector<16xi32>
        %add3A_197 = arith.addi %add3A_181, %select_n3A_196 : vector<16xi32>
        %sub3A_198 = arith.constant 8 : i32
        %sub3A_199 = vector.broadcast %sub3A_198 : i32 to vector<16xi32>
        %sub3A_200 = arith.subi %iota3A, %sub3A_199 : vector<16xi32>
        %max3A_201 = arith.constant 0 : i32
        %max3A_202 = vector.broadcast %max3A_201 : i32 to vector<16xi32>
        %max3A_203 = arith.maxsi %sub3A_200, %max3A_202 : vector<16xi32>
        %reshape3A_204 = vector.shape_cast %max3A_203 : vector<16xi32> to vector<16x1xi32>
        %gather3A_205 = vector.shape_cast %reshape3A_204 : vector<16x1xi32> to vector<16xi32>
        %gather3A_206 = tpu.dynamic_gather %add3A_197[%gather3A_205] in [0] : vector<16xi32>, vector<16xi32> -> vector<16xi32>
        %ge3A_207 = arith.constant 8 : i32
        %ge3A_208 = vector.broadcast %ge3A_207 : i32 to vector<16xi32>
        %ge3A_209 = arith.cmpi sge, %iota3A, %ge3A_208 : vector<16xi32>
        %jit3A_210 = arith.constant 0 : i32
        %broadcast_in_dim3A_211 = vector.broadcast %jit3A_210 : i32 to vector<16xi32>
        %select_n3A_212 = arith.select %ge3A_209, %gather3A_206, %broadcast_in_dim3A_211 : vector<16xi1>, vector<16xi32>
        %add3A_213 = arith.addi %add3A_197, %select_n3A_212 : vector<16xi32>
        %sub3A_214 = arith.subi %add3A_213, %select_n3A_151 : vector<16xi32>
        %broadcast_in_dim3A_215 = arith.constant 15 : i32
        %broadcast_in_dim3A_216 = vector.broadcast %broadcast_in_dim3A_215 : i32 to vector<16xi32>
        %reshape3A_217 = vector.shape_cast %broadcast_in_dim3A_216 : vector<16xi32> to vector<16x1xi32>
        %gather3A_218 = vector.shape_cast %reshape3A_217 : vector<16x1xi32> to vector<16xi32>
        %gather3A_219 = tpu.dynamic_gather %add3A_213[%gather3A_218] in [0] : vector<16xi32>, vector<16xi32> -> vector<16xi32>
        %slice3A_220 = vector.extract_strided_slice %gather3A_219 {offsets = [0], sizes = [1], strides = [1]} : vector<16xi32> to vector<1xi32>
        %squeeze3A_221 = vector.extract %slice3A_220[0] : i32 from vector<1xi32>
        %broadcast_in_dim3A_222 = vector.broadcast %while3A_138 : i32 to vector<16xi32>
        %add3A_223 = arith.addi %broadcast_in_dim3A_222, %sub3A_214 : vector<16xi32>
        %broadcast_in_dim3A_224 = arith.constant 127 : i32
        %broadcast_in_dim3A_225 = vector.broadcast %broadcast_in_dim3A_224 : i32 to vector<16xi32>
        %select_n3A_226 = arith.select %lt3A_145, %add3A_223, %broadcast_in_dim3A_225 : vector<16xi1>, vector<16xi32>
        %broadcast_in_dim3A_227 = arith.constant 100000 : i32
        %broadcast_in_dim3A_228 = vector.broadcast %broadcast_in_dim3A_227 : i32 to vector<16xi32>
        %select_n3A_229 = arith.select %lt3A_145, %add3A_143, %broadcast_in_dim3A_228 : vector<16xi1>, vector<16xi32>
        tpu.vector_store_idx %arg7[%select_n3A_226], %select_n3A_229 : memref<128xi32, #tpu.memory_space<vmem>>[vector<16xi32>], vector<16xi32>,
        tpu.vector_store_idx %arg8[%select_n3A_226], %broadcast_in_dim3A_147 : memref<128xi32, #tpu.memory_space<vmem>>[vector<16xi32>], vector<16xi32>,
        %add3A_230 = arith.addi %while3A_138, %squeeze3A_221 : i32
        %gt3A_231 = arith.constant 112 : i32
        %gt3A_232 = arith.cmpi sgt, %add3A_230, %gt3A_231 : i32
        %convert_element_type3A_233 = arith.extui %gt3A_232 : i1 to i32
        %cond3A_234 = arith.constant 0 : i32
        %cond3A_235 = arith.cmpi ne, %convert_element_type3A_233, %cond3A_234 : i32
        scf.if %cond3A_235 {
          "tpu.region"() ({
            %run_scoped3A = tpu.sem_alloc : memref<!tpu.dma_semaphore, #tpu.memory_space<semaphore_mem>>
            %dma_start3A = arith.constant 0 : i32
            %dma_start3A_270 = tpu.memref_slice %arg4[%dma_start3A] : memref<100016xi32, #tpu.memory_space<hbm>> -> memref<100016xi32, #tpu.memory_space<hbm>>
            tpu.enqueue_indirect_dma source(%arg8 : memref<128xi32, #tpu.memory_space<vmem>>) target(%dma_start3A_270 : memref<100016xi32, #tpu.memory_space<hbm>>) offsets(%arg7 : memref<128xi32, #tpu.memory_space<vmem>>) semaphore(%run_scoped3A : memref<!tpu.dma_semaphore, #tpu.memory_space<semaphore_mem>>)
            %dma_wait3A = arith.constant 0 : i32
            %dma_wait3A_271 = tpu.memref_slice %arg4[%dma_wait3A] : memref<100016xi32, #tpu.memory_space<hbm>> -> memref<100016xi32, #tpu.memory_space<hbm>>
            tpu.wait_indirect_dma semaphore(%run_scoped3A : memref<!tpu.dma_semaphore, #tpu.memory_space<semaphore_mem>>) src(%arg8 : memref<128xi32, #tpu.memory_space<vmem>>) dst(%dma_wait3A_271 : memref<100016xi32, #tpu.memory_space<hbm>>)
            tpu.yield
          }) : () -> ()
          %broadcast_in_dim3A_238 = arith.constant 100000 : i32
          %broadcast_in_dim3A_239 = vector.broadcast %broadcast_in_dim3A_238 : i32 to vector<16xi32>
          %swap3A_240 = arith.constant 0 : index
          %swap3A_241 = tpu.vector_load %arg7[%swap3A_240] {strides = array<i32>} : memref<128xi32, #tpu.memory_space<vmem>>, vector<16xi32>,
          tpu.vector_store %arg7[%swap3A_240], %broadcast_in_dim3A_239 {strides = array<i32>} : memref<128xi32, #tpu.memory_space<vmem>>, vector<16xi32>,
          %broadcast_in_dim3A_242 = arith.constant 100000 : i32
          %broadcast_in_dim3A_243 = vector.broadcast %broadcast_in_dim3A_242 : i32 to vector<16xi32>
          %swap3A_244 = arith.constant 16 : index
          %swap3A_245 = tpu.vector_load %arg7[%swap3A_244] {strides = array<i32>} : memref<128xi32, #tpu.memory_space<vmem>>, vector<16xi32>,
          tpu.vector_store %arg7[%swap3A_244], %broadcast_in_dim3A_243 {strides = array<i32>} : memref<128xi32, #tpu.memory_space<vmem>>, vector<16xi32>,
          %broadcast_in_dim3A_246 = arith.constant 100000 : i32
          %broadcast_in_dim3A_247 = vector.broadcast %broadcast_in_dim3A_246 : i32 to vector<16xi32>
          %swap3A_248 = arith.constant 32 : index
          %swap3A_249 = tpu.vector_load %arg7[%swap3A_248] {strides = array<i32>} : memref<128xi32, #tpu.memory_space<vmem>>, vector<16xi32>,
          tpu.vector_store %arg7[%swap3A_248], %broadcast_in_dim3A_247 {strides = array<i32>} : memref<128xi32, #tpu.memory_space<vmem>>, vector<16xi32>,
          %broadcast_in_dim3A_250 = arith.constant 100000 : i32
          %broadcast_in_dim3A_251 = vector.broadcast %broadcast_in_dim3A_250 : i32 to vector<16xi32>
          %swap3A_252 = arith.constant 48 : index
          %swap3A_253 = tpu.vector_load %arg7[%swap3A_252] {strides = array<i32>} : memref<128xi32, #tpu.memory_space<vmem>>, vector<16xi32>,
          tpu.vector_store %arg7[%swap3A_252], %broadcast_in_dim3A_251 {strides = array<i32>} : memref<128xi32, #tpu.memory_space<vmem>>, vector<16xi32>,
          %broadcast_in_dim3A_254 = arith.constant 100000 : i32
          %broadcast_in_dim3A_255 = vector.broadcast %broadcast_in_dim3A_254 : i32 to vector<16xi32>
          %swap3A_256 = arith.constant 64 : index
          %swap3A_257 = tpu.vector_load %arg7[%swap3A_256] {strides = array<i32>} : memref<128xi32, #tpu.memory_space<vmem>>, vector<16xi32>,
          tpu.vector_store %arg7[%swap3A_256], %broadcast_in_dim3A_255 {strides = array<i32>} : memref<128xi32, #tpu.memory_space<vmem>>, vector<16xi32>,
          %broadcast_in_dim3A_258 = arith.constant 100000 : i32
          %broadcast_in_dim3A_259 = vector.broadcast %broadcast_in_dim3A_258 : i32 to vector<16xi32>
          %swap3A_260 = arith.constant 80 : index
          %swap3A_261 = tpu.vector_load %arg7[%swap3A_260] {strides = array<i32>} : memref<128xi32, #tpu.memory_space<vmem>>, vector<16xi32>,
          tpu.vector_store %arg7[%swap3A_260], %broadcast_in_dim3A_259 {strides = array<i32>} : memref<128xi32, #tpu.memory_space<vmem>>, vector<16xi32>,
          %broadcast_in_dim3A_262 = arith.constant 100000 : i32
          %broadcast_in_dim3A_263 = vector.broadcast %broadcast_in_dim3A_262 : i32 to vector<16xi32>
          %swap3A_264 = arith.constant 96 : index
          %swap3A_265 = tpu.vector_load %arg7[%swap3A_264] {strides = array<i32>} : memref<128xi32, #tpu.memory_space<vmem>>, vector<16xi32>,
          tpu.vector_store %arg7[%swap3A_264], %broadcast_in_dim3A_263 {strides = array<i32>} : memref<128xi32, #tpu.memory_space<vmem>>, vector<16xi32>,
          %broadcast_in_dim3A_266 = arith.constant 100000 : i32
          %broadcast_in_dim3A_267 = vector.broadcast %broadcast_in_dim3A_266 : i32 to vector<16xi32>
          %swap3A_268 = arith.constant 112 : index
          %swap3A_269 = tpu.vector_load %arg7[%swap3A_268] {strides = array<i32>} : memref<128xi32, #tpu.memory_space<vmem>>, vector<16xi32>,
          tpu.vector_store %arg7[%swap3A_268], %broadcast_in_dim3A_267 {strides = array<i32>} : memref<128xi32, #tpu.memory_space<vmem>>, vector<16xi32>,
        } else {
        }
        %jit3A_236 = arith.constant 0 : i32
        %select_n3A_237 = arith.select %gt3A_232, %jit3A_236, %add3A_230 : i32
        scf.yield %select_n3A_237 : i32
      }
      scf.yield %while3A_136 : i32
    } else {
      scf.yield %scan3A : i32
    }
    %scan3A_79 = arith.constant 0 : i32
    %scan3A_80 = arith.constant 3125 : i32
    %scan3A_81 = arith.addi %scan3A_79, %scan3A_80 : i32
    %scan3A_82 = arith.constant 1 : i32
    %scan3A_83:6 = scf.for %scan3A_118 = %scan3A_79 to %scan3A_81 step %scan3A_82 iter_args(%scan3A_119 = %cond3A_78, %scan3A_120 = %select_n3A, %scan3A_121 = %broadcast_in_dim3A_48, %scan3A_122 = %broadcast_in_dim3A_50, %scan3A_123 = %broadcast_in_dim3A_52, %scan3A_124 = %sub3A_54) -> (i32, vector<16xi32>, vector<16xf32>, vector<16xi32>, vector<16xi32>, i32)  : i32 {
      %mul3A_125 = arith.constant 16 : i32
      %mul3A_126 = arith.muli %scan3A_118, %mul3A_125 : i32
      %mul3A_127 = arith.constant 16 : i32
      %mul3A_128 = arith.muli %scan3A_118, %mul3A_127 : i32
      %add3A_129 = arith.addi %multiple_of3A, %mul3A_128 : i32
      %get3A_130 = arith.index_cast %mul3A_126 : i32 to index
      %get3A_131 = tpu.vector_load %arg5[%get3A_130] {strides = array<i32>} : memref<50000xf32, #tpu.memory_space<vmem>>, vector<16xf32>,
      %get3A_132 = arith.index_cast %mul3A_126 : i32 to index
      %get3A_133 = tpu.vector_load %arg6[%get3A_132] {strides = array<i32>} : memref<50016xi32, #tpu.memory_space<vmem>>, vector<16xi32>,
      %broadcast_in_dim3A_134 = vector.broadcast %mul3A_126 : i32 to vector<16xi32>
      %add3A_135 = arith.addi %broadcast_in_dim3A_134, %iota3A : vector<16xi32>
      %add3A_136 = arith.constant 1 : i32
      %add3A_137 = vector.broadcast %add3A_136 : i32 to vector<16xi32>
      %add3A_138 = arith.addi %add3A_135, %add3A_137 : vector<16xi32>
      %gather3A_139 = tpu.vector_load_idx %arg6[%add3A_138] : memref<50016xi32, #tpu.memory_space<vmem>>[vector<16xi32>], vector<16xi32>,
      %broadcast_in_dim3A_140 = vector.broadcast %add3A_129 : i32 to vector<16xi32>
      %add3A_141 = arith.addi %broadcast_in_dim3A_140, %iota3A : vector<16xi32>
      %sub3A_142 = arith.constant 1 : i32
      %sub3A_143 = vector.broadcast %sub3A_142 : i32 to vector<16xi32>
      %sub3A_144 = arith.subi %iota3A, %sub3A_143 : vector<16xi32>
      %max3A = arith.constant 0 : i32
      %max3A_145 = vector.broadcast %max3A : i32 to vector<16xi32>
      %max3A_146 = arith.maxsi %sub3A_144, %max3A_145 : vector<16xi32>
      %reshape3A_147 = vector.shape_cast %max3A_146 : vector<16xi32> to vector<16x1xi32>
      %gather3A_148 = vector.shape_cast %reshape3A_147 : vector<16x1xi32> to vector<16xi32>
      %gather3A_149 = tpu.dynamic_gather %get3A_133[%gather3A_148] in [0] : vector<16xi32>, vector<16xi32> -> vector<16xi32>
      %sub3A_150 = arith.constant 1 : i32
      %sub3A_151 = vector.broadcast %sub3A_150 : i32 to vector<16xi32>
      %sub3A_152 = arith.subi %iota3A, %sub3A_151 : vector<16xi32>
      %max3A_153 = arith.constant 0 : i32
      %max3A_154 = vector.broadcast %max3A_153 : i32 to vector<16xi32>
      %max3A_155 = arith.maxsi %sub3A_152, %max3A_154 : vector<16xi32>
      %reshape3A_156 = vector.shape_cast %max3A_155 : vector<16xi32> to vector<16x1xi32>
      %gather3A_157 = vector.shape_cast %reshape3A_156 : vector<16x1xi32> to vector<16xi32>
      %gather3A_158 = tpu.dynamic_gather %get3A_131[%gather3A_157] in [0] : vector<16xf32>, vector<16xi32> -> vector<16xf32>
      %sub3A_159 = arith.constant 1 : i32
      %sub3A_160 = vector.broadcast %sub3A_159 : i32 to vector<16xi32>
      %sub3A_161 = arith.subi %iota3A, %sub3A_160 : vector<16xi32>
      %max3A_162 = arith.constant 0 : i32
      %max3A_163 = vector.broadcast %max3A_162 : i32 to vector<16xi32>
      %max3A_164 = arith.maxsi %sub3A_161, %max3A_163 : vector<16xi32>
      %reshape3A_165 = vector.shape_cast %max3A_164 : vector<16xi32> to vector<16x1xi32>
      %gather3A_166 = vector.shape_cast %reshape3A_165 : vector<16x1xi32> to vector<16xi32>
      %gather3A_167 = tpu.dynamic_gather %add3A_141[%gather3A_166] in [0] : vector<16xi32>, vector<16xi32> -> vector<16xi32>
      %sub3A_168 = arith.constant 1 : i32
      %sub3A_169 = vector.broadcast %sub3A_168 : i32 to vector<16xi32>
      %sub3A_170 = arith.subi %iota3A, %sub3A_169 : vector<16xi32>
      %max3A_171 = arith.constant 0 : i32
      %max3A_172 = vector.broadcast %max3A_171 : i32 to vector<16xi32>
      %max3A_173 = arith.maxsi %sub3A_170, %max3A_172 : vector<16xi32>
      %reshape3A_174 = vector.shape_cast %max3A_173 : vector<16xi32> to vector<16x1xi32>
      %gather3A_175 = vector.shape_cast %reshape3A_174 : vector<16x1xi32> to vector<16xi32>
      %gather3A_176 = tpu.dynamic_gather %add3A_141[%gather3A_175] in [0] : vector<16xi32>, vector<16xi32> -> vector<16xi32>
      %ge3A = arith.constant 1 : i32
      %ge3A_177 = vector.broadcast %ge3A : i32 to vector<16xi32>
      %ge3A_178 = arith.cmpi sge, %iota3A, %ge3A_177 : vector<16xi32>
      %eq3A_179 = arith.cmpi eq, %gather3A_149, %get3A_133 : vector<16xi32>
      %and3A_180 = arith.andi %ge3A_178, %eq3A_179 : vector<16xi1>
      %gt3A_181 = arith.cmpf ogt, %gather3A_158, %get3A_131 : vector<16xf32>
      %eq3A_182 = arith.cmpf oeq, %gather3A_158, %get3A_131 : vector<16xf32>
      %lt3A_183 = arith.cmpi slt, %gather3A_167, %add3A_141 : vector<16xi32>
      %and3A_184 = arith.andi %eq3A_182, %lt3A_183 : vector<16xi1>
      %or3A = arith.ori %gt3A_181, %and3A_184 : vector<16xi1>
      %and3A_185 = arith.andi %and3A_180, %or3A : vector<16xi1>
      %select_n3A_186 = arith.select %and3A_185, %gather3A_158, %get3A_131 : vector<16xi1>, vector<16xf32>
      %select_n3A_187 = arith.select %and3A_185, %gather3A_167, %add3A_141 : vector<16xi1>, vector<16xi32>
      %min3A = arith.minsi %gather3A_176, %add3A_141 : vector<16xi32>
      %select_n3A_188 = arith.select %and3A_180, %min3A, %add3A_141 : vector<16xi1>, vector<16xi32>
      %sub3A_189 = arith.constant 2 : i32
      %sub3A_190 = vector.broadcast %sub3A_189 : i32 to vector<16xi32>
      %sub3A_191 = arith.subi %iota3A, %sub3A_190 : vector<16xi32>
      %max3A_192 = arith.constant 0 : i32
      %max3A_193 = vector.broadcast %max3A_192 : i32 to vector<16xi32>
      %max3A_194 = arith.maxsi %sub3A_191, %max3A_193 : vector<16xi32>
      %reshape3A_195 = vector.shape_cast %max3A_194 : vector<16xi32> to vector<16x1xi32>
      %gather3A_196 = vector.shape_cast %reshape3A_195 : vector<16x1xi32> to vector<16xi32>
      %gather3A_197 = tpu.dynamic_gather %get3A_133[%gather3A_196] in [0] : vector<16xi32>, vector<16xi32> -> vector<16xi32>
      %sub3A_198 = arith.constant 2 : i32
      %sub3A_199 = vector.broadcast %sub3A_198 : i32 to vector<16xi32>
      %sub3A_200 = arith.subi %iota3A, %sub3A_199 : vector<16xi32>
      %max3A_201 = arith.constant 0 : i32
      %max3A_202 = vector.broadcast %max3A_201 : i32 to vector<16xi32>
      %max3A_203 = arith.maxsi %sub3A_200, %max3A_202 : vector<16xi32>
      %reshape3A_204 = vector.shape_cast %max3A_203 : vector<16xi32> to vector<16x1xi32>
      %gather3A_205 = vector.shape_cast %reshape3A_204 : vector<16x1xi32> to vector<16xi32>
      %gather3A_206 = tpu.dynamic_gather %select_n3A_186[%gather3A_205] in [0] : vector<16xf32>, vector<16xi32> -> vector<16xf32>
      %sub3A_207 = arith.constant 2 : i32
      %sub3A_208 = vector.broadcast %sub3A_207 : i32 to vector<16xi32>
      %sub3A_209 = arith.subi %iota3A, %sub3A_208 : vector<16xi32>
      %max3A_210 = arith.constant 0 : i32
      %max3A_211 = vector.broadcast %max3A_210 : i32 to vector<16xi32>
      %max3A_212 = arith.maxsi %sub3A_209, %max3A_211 : vector<16xi32>
      %reshape3A_213 = vector.shape_cast %max3A_212 : vector<16xi32> to vector<16x1xi32>
      %gather3A_214 = vector.shape_cast %reshape3A_213 : vector<16x1xi32> to vector<16xi32>
      %gather3A_215 = tpu.dynamic_gather %select_n3A_187[%gather3A_214] in [0] : vector<16xi32>, vector<16xi32> -> vector<16xi32>
      %sub3A_216 = arith.constant 2 : i32
      %sub3A_217 = vector.broadcast %sub3A_216 : i32 to vector<16xi32>
      %sub3A_218 = arith.subi %iota3A, %sub3A_217 : vector<16xi32>
      %max3A_219 = arith.constant 0 : i32
      %max3A_220 = vector.broadcast %max3A_219 : i32 to vector<16xi32>
      %max3A_221 = arith.maxsi %sub3A_218, %max3A_220 : vector<16xi32>
      %reshape3A_222 = vector.shape_cast %max3A_221 : vector<16xi32> to vector<16x1xi32>
      %gather3A_223 = vector.shape_cast %reshape3A_222 : vector<16x1xi32> to vector<16xi32>
      %gather3A_224 = tpu.dynamic_gather %select_n3A_188[%gather3A_223] in [0] : vector<16xi32>, vector<16xi32> -> vector<16xi32>
      %ge3A_225 = arith.constant 2 : i32
      %ge3A_226 = vector.broadcast %ge3A_225 : i32 to vector<16xi32>
      %ge3A_227 = arith.cmpi sge, %iota3A, %ge3A_226 : vector<16xi32>
      %eq3A_228 = arith.cmpi eq, %gather3A_197, %get3A_133 : vector<16xi32>
      %and3A_229 = arith.andi %ge3A_227, %eq3A_228 : vector<16xi1>
      %gt3A_230 = arith.cmpf ogt, %gather3A_206, %select_n3A_186 : vector<16xf32>
      %eq3A_231 = arith.cmpf oeq, %gather3A_206, %select_n3A_186 : vector<16xf32>
      %lt3A_232 = arith.cmpi slt, %gather3A_215, %select_n3A_187 : vector<16xi32>
      %and3A_233 = arith.andi %eq3A_231, %lt3A_232 : vector<16xi1>
      %or3A_234 = arith.ori %gt3A_230, %and3A_233 : vector<16xi1>
      %and3A_235 = arith.andi %and3A_229, %or3A_234 : vector<16xi1>
      %select_n3A_236 = arith.select %and3A_235, %gather3A_206, %select_n3A_186 : vector<16xi1>, vector<16xf32>
      %select_n3A_237 = arith.select %and3A_235, %gather3A_215, %select_n3A_187 : vector<16xi1>, vector<16xi32>
      %min3A_238 = arith.minsi %gather3A_224, %select_n3A_188 : vector<16xi32>
      %select_n3A_239 = arith.select %and3A_229, %min3A_238, %select_n3A_188 : vector<16xi1>, vector<16xi32>
      %sub3A_240 = arith.constant 4 : i32
      %sub3A_241 = vector.broadcast %sub3A_240 : i32 to vector<16xi32>
      %sub3A_242 = arith.subi %iota3A, %sub3A_241 : vector<16xi32>
      %max3A_243 = arith.constant 0 : i32
      %max3A_244 = vector.broadcast %max3A_243 : i32 to vector<16xi32>
      %max3A_245 = arith.maxsi %sub3A_242, %max3A_244 : vector<16xi32>
      %reshape3A_246 = vector.shape_cast %max3A_245 : vector<16xi32> to vector<16x1xi32>
      %gather3A_247 = vector.shape_cast %reshape3A_246 : vector<16x1xi32> to vector<16xi32>
      %gather3A_248 = tpu.dynamic_gather %get3A_133[%gather3A_247] in [0] : vector<16xi32>, vector<16xi32> -> vector<16xi32>
      %sub3A_249 = arith.constant 4 : i32
      %sub3A_250 = vector.broadcast %sub3A_249 : i32 to vector<16xi32>
      %sub3A_251 = arith.subi %iota3A, %sub3A_250 : vector<16xi32>
      %max3A_252 = arith.constant 0 : i32
      %max3A_253 = vector.broadcast %max3A_252 : i32 to vector<16xi32>
      %max3A_254 = arith.maxsi %sub3A_251, %max3A_253 : vector<16xi32>
      %reshape3A_255 = vector.shape_cast %max3A_254 : vector<16xi32> to vector<16x1xi32>
      %gather3A_256 = vector.shape_cast %reshape3A_255 : vector<16x1xi32> to vector<16xi32>
      %gather3A_257 = tpu.dynamic_gather %select_n3A_236[%gather3A_256] in [0] : vector<16xf32>, vector<16xi32> -> vector<16xf32>
      %sub3A_258 = arith.constant 4 : i32
      %sub3A_259 = vector.broadcast %sub3A_258 : i32 to vector<16xi32>
      %sub3A_260 = arith.subi %iota3A, %sub3A_259 : vector<16xi32>
      %max3A_261 = arith.constant 0 : i32
      %max3A_262 = vector.broadcast %max3A_261 : i32 to vector<16xi32>
      %max3A_263 = arith.maxsi %sub3A_260, %max3A_262 : vector<16xi32>
      %reshape3A_264 = vector.shape_cast %max3A_263 : vector<16xi32> to vector<16x1xi32>
      %gather3A_265 = vector.shape_cast %reshape3A_264 : vector<16x1xi32> to vector<16xi32>
      %gather3A_266 = tpu.dynamic_gather %select_n3A_237[%gather3A_265] in [0] : vector<16xi32>, vector<16xi32> -> vector<16xi32>
      %sub3A_267 = arith.constant 4 : i32
      %sub3A_268 = vector.broadcast %sub3A_267 : i32 to vector<16xi32>
      %sub3A_269 = arith.subi %iota3A, %sub3A_268 : vector<16xi32>
      %max3A_270 = arith.constant 0 : i32
      %max3A_271 = vector.broadcast %max3A_270 : i32 to vector<16xi32>
      %max3A_272 = arith.maxsi %sub3A_269, %max3A_271 : vector<16xi32>
      %reshape3A_273 = vector.shape_cast %max3A_272 : vector<16xi32> to vector<16x1xi32>
      %gather3A_274 = vector.shape_cast %reshape3A_273 : vector<16x1xi32> to vector<16xi32>
      %gather3A_275 = tpu.dynamic_gather %select_n3A_239[%gather3A_274] in [0] : vector<16xi32>, vector<16xi32> -> vector<16xi32>
      %ge3A_276 = arith.constant 4 : i32
      %ge3A_277 = vector.broadcast %ge3A_276 : i32 to vector<16xi32>
      %ge3A_278 = arith.cmpi sge, %iota3A, %ge3A_277 : vector<16xi32>
      %eq3A_279 = arith.cmpi eq, %gather3A_248, %get3A_133 : vector<16xi32>
      %and3A_280 = arith.andi %ge3A_278, %eq3A_279 : vector<16xi1>
      %gt3A_281 = arith.cmpf ogt, %gather3A_257, %select_n3A_236 : vector<16xf32>
      %eq3A_282 = arith.cmpf oeq, %gather3A_257, %select_n3A_236 : vector<16xf32>
      %lt3A_283 = arith.cmpi slt, %gather3A_266, %select_n3A_237 : vector<16xi32>
      %and3A_284 = arith.andi %eq3A_282, %lt3A_283 : vector<16xi1>
      %or3A_285 = arith.ori %gt3A_281, %and3A_284 : vector<16xi1>
      %and3A_286 = arith.andi %and3A_280, %or3A_285 : vector<16xi1>
      %select_n3A_287 = arith.select %and3A_286, %gather3A_257, %select_n3A_236 : vector<16xi1>, vector<16xf32>
      %select_n3A_288 = arith.select %and3A_286, %gather3A_266, %select_n3A_237 : vector<16xi1>, vector<16xi32>
      %min3A_289 = arith.minsi %gather3A_275, %select_n3A_239 : vector<16xi32>
      %select_n3A_290 = arith.select %and3A_280, %min3A_289, %select_n3A_239 : vector<16xi1>, vector<16xi32>
      %sub3A_291 = arith.constant 8 : i32
      %sub3A_292 = vector.broadcast %sub3A_291 : i32 to vector<16xi32>
      %sub3A_293 = arith.subi %iota3A, %sub3A_292 : vector<16xi32>
      %max3A_294 = arith.constant 0 : i32
      %max3A_295 = vector.broadcast %max3A_294 : i32 to vector<16xi32>
      %max3A_296 = arith.maxsi %sub3A_293, %max3A_295 : vector<16xi32>
      %reshape3A_297 = vector.shape_cast %max3A_296 : vector<16xi32> to vector<16x1xi32>
      %gather3A_298 = vector.shape_cast %reshape3A_297 : vector<16x1xi32> to vector<16xi32>
      %gather3A_299 = tpu.dynamic_gather %get3A_133[%gather3A_298] in [0] : vector<16xi32>, vector<16xi32> -> vector<16xi32>
      %sub3A_300 = arith.constant 8 : i32
      %sub3A_301 = vector.broadcast %sub3A_300 : i32 to vector<16xi32>
      %sub3A_302 = arith.subi %iota3A, %sub3A_301 : vector<16xi32>
      %max3A_303 = arith.constant 0 : i32
      %max3A_304 = vector.broadcast %max3A_303 : i32 to vector<16xi32>
      %max3A_305 = arith.maxsi %sub3A_302, %max3A_304 : vector<16xi32>
      %reshape3A_306 = vector.shape_cast %max3A_305 : vector<16xi32> to vector<16x1xi32>
      %gather3A_307 = vector.shape_cast %reshape3A_306 : vector<16x1xi32> to vector<16xi32>
      %gather3A_308 = tpu.dynamic_gather %select_n3A_287[%gather3A_307] in [0] : vector<16xf32>, vector<16xi32> -> vector<16xf32>
      %sub3A_309 = arith.constant 8 : i32
      %sub3A_310 = vector.broadcast %sub3A_309 : i32 to vector<16xi32>
      %sub3A_311 = arith.subi %iota3A, %sub3A_310 : vector<16xi32>
      %max3A_312 = arith.constant 0 : i32
      %max3A_313 = vector.broadcast %max3A_312 : i32 to vector<16xi32>
      %max3A_314 = arith.maxsi %sub3A_311, %max3A_313 : vector<16xi32>
      %reshape3A_315 = vector.shape_cast %max3A_314 : vector<16xi32> to vector<16x1xi32>
      %gather3A_316 = vector.shape_cast %reshape3A_315 : vector<16x1xi32> to vector<16xi32>
      %gather3A_317 = tpu.dynamic_gather %select_n3A_288[%gather3A_316] in [0] : vector<16xi32>, vector<16xi32> -> vector<16xi32>
      %sub3A_318 = arith.constant 8 : i32
      %sub3A_319 = vector.broadcast %sub3A_318 : i32 to vector<16xi32>
      %sub3A_320 = arith.subi %iota3A, %sub3A_319 : vector<16xi32>
      %max3A_321 = arith.constant 0 : i32
      %max3A_322 = vector.broadcast %max3A_321 : i32 to vector<16xi32>
      %max3A_323 = arith.maxsi %sub3A_320, %max3A_322 : vector<16xi32>
      %reshape3A_324 = vector.shape_cast %max3A_323 : vector<16xi32> to vector<16x1xi32>
      %gather3A_325 = vector.shape_cast %reshape3A_324 : vector<16x1xi32> to vector<16xi32>
      %gather3A_326 = tpu.dynamic_gather %select_n3A_290[%gather3A_325] in [0] : vector<16xi32>, vector<16xi32> -> vector<16xi32>
      %ge3A_327 = arith.constant 8 : i32
      %ge3A_328 = vector.broadcast %ge3A_327 : i32 to vector<16xi32>
      %ge3A_329 = arith.cmpi sge, %iota3A, %ge3A_328 : vector<16xi32>
      %eq3A_330 = arith.cmpi eq, %gather3A_299, %get3A_133 : vector<16xi32>
      %and3A_331 = arith.andi %ge3A_329, %eq3A_330 : vector<16xi1>
      %gt3A_332 = arith.cmpf ogt, %gather3A_308, %select_n3A_287 : vector<16xf32>
      %eq3A_333 = arith.cmpf oeq, %gather3A_308, %select_n3A_287 : vector<16xf32>
      %lt3A_334 = arith.cmpi slt, %gather3A_317, %select_n3A_288 : vector<16xi32>
      %and3A_335 = arith.andi %eq3A_333, %lt3A_334 : vector<16xi1>
      %or3A_336 = arith.ori %gt3A_332, %and3A_335 : vector<16xi1>
      %and3A_337 = arith.andi %and3A_331, %or3A_336 : vector<16xi1>
      %select_n3A_338 = arith.select %and3A_337, %gather3A_308, %select_n3A_287 : vector<16xi1>, vector<16xf32>
      %select_n3A_339 = arith.select %and3A_337, %gather3A_317, %select_n3A_288 : vector<16xi1>, vector<16xi32>
      %min3A_340 = arith.minsi %gather3A_326, %select_n3A_290 : vector<16xi32>
      %select_n3A_341 = arith.select %and3A_331, %min3A_340, %select_n3A_290 : vector<16xi1>, vector<16xi32>
      %broadcast_in_dim3A_342 = arith.constant 0 : i32
      %broadcast_in_dim3A_343 = vector.broadcast %broadcast_in_dim3A_342 : i32 to vector<16xi32>
      %reshape3A_344 = vector.shape_cast %broadcast_in_dim3A_343 : vector<16xi32> to vector<16x1xi32>
      %gather3A_345 = vector.shape_cast %reshape3A_344 : vector<16x1xi32> to vector<16xi32>
      %gather3A_346 = tpu.dynamic_gather %get3A_133[%gather3A_345] in [0] : vector<16xi32>, vector<16xi32> -> vector<16xi32>
      %eq3A_347 = arith.cmpi eq, %get3A_133, %gather3A_346 : vector<16xi32>
      %eq3A_348 = arith.cmpi eq, %scan3A_120, %gather3A_346 : vector<16xi32>
      %and3A_349 = arith.andi %eq3A_347, %eq3A_348 : vector<16xi1>
      %gt3A_350 = arith.cmpf ogt, %scan3A_121, %select_n3A_338 : vector<16xf32>
      %eq3A_351 = arith.cmpf oeq, %scan3A_121, %select_n3A_338 : vector<16xf32>
      %lt3A_352 = arith.cmpi slt, %scan3A_122, %select_n3A_339 : vector<16xi32>
      %and3A_353 = arith.andi %eq3A_351, %lt3A_352 : vector<16xi1>
      %or3A_354 = arith.ori %gt3A_350, %and3A_353 : vector<16xi1>
      %and3A_355 = arith.andi %and3A_349, %or3A_354 : vector<16xi1>
      %select_n3A_356 = arith.select %and3A_355, %scan3A_121, %select_n3A_338 : vector<16xi1>, vector<16xf32>
      %select_n3A_357 = arith.select %and3A_355, %scan3A_122, %select_n3A_339 : vector<16xi1>, vector<16xi32>
      %min3A_358 = arith.minsi %select_n3A_341, %scan3A_123 : vector<16xi32>
      %select_n3A_359 = arith.select %and3A_349, %min3A_358, %select_n3A_341 : vector<16xi1>, vector<16xi32>
      %ne3A = arith.cmpi ne, %get3A_133, %gather3A_139 : vector<16xi32>
      %broadcast_in_dim3A_360 = vector.broadcast %mul3A_2 : i32 to vector<16xi32>
      %ge3A_361 = arith.cmpi sge, %select_n3A_359, %broadcast_in_dim3A_360 : vector<16xi32>
      %broadcast_in_dim3A_362 = vector.broadcast %add3A_4 : i32 to vector<16xi32>
      %lt3A_363 = arith.cmpi slt, %select_n3A_359, %broadcast_in_dim3A_362 : vector<16xi32>
      %and3A_364 = arith.andi %ge3A_361, %lt3A_363 : vector<16xi1>
      %and3A_365 = arith.andi %ne3A, %and3A_364 : vector<16xi1>
      %sub3A_366 = arith.subi %select_n3A_357, %select_n3A_359 : vector<16xi32>
      %jit3A = arith.constant 1 : i32
      %jit3A_367 = arith.constant 0 : i32
      %broadcast_in_dim3A_368 = vector.broadcast %jit3A : i32 to vector<16xi32>
      %broadcast_in_dim3A_369 = vector.broadcast %jit3A_367 : i32 to vector<16xi32>
      %select_n3A_370 = arith.select %and3A_365, %broadcast_in_dim3A_368, %broadcast_in_dim3A_369 : vector<16xi1>, vector<16xi32>
      %sub3A_371 = arith.constant 1 : i32
      %sub3A_372 = vector.broadcast %sub3A_371 : i32 to vector<16xi32>
      %sub3A_373 = arith.subi %iota3A, %sub3A_372 : vector<16xi32>
      %max3A_374 = arith.constant 0 : i32
      %max3A_375 = vector.broadcast %max3A_374 : i32 to vector<16xi32>
      %max3A_376 = arith.maxsi %sub3A_373, %max3A_375 : vector<16xi32>
      %reshape3A_377 = vector.shape_cast %max3A_376 : vector<16xi32> to vector<16x1xi32>
      %gather3A_378 = vector.shape_cast %reshape3A_377 : vector<16x1xi32> to vector<16xi32>
      %gather3A_379 = tpu.dynamic_gather %select_n3A_370[%gather3A_378] in [0] : vector<16xi32>, vector<16xi32> -> vector<16xi32>
      %ge3A_380 = arith.constant 1 : i32
      %ge3A_381 = vector.broadcast %ge3A_380 : i32 to vector<16xi32>
      %ge3A_382 = arith.cmpi sge, %iota3A, %ge3A_381 : vector<16xi32>
      %jit3A_383 = arith.constant 0 : i32
      %broadcast_in_dim3A_384 = vector.broadcast %jit3A_383 : i32 to vector<16xi32>
      %select_n3A_385 = arith.select %ge3A_382, %gather3A_379, %broadcast_in_dim3A_384 : vector<16xi1>, vector<16xi32>
      %add3A_386 = arith.addi %select_n3A_370, %select_n3A_385 : vector<16xi32>
      %sub3A_387 = arith.constant 2 : i32
      %sub3A_388 = vector.broadcast %sub3A_387 : i32 to vector<16xi32>
      %sub3A_389 = arith.subi %iota3A, %sub3A_388 : vector<16xi32>
      %max3A_390 = arith.constant 0 : i32
      %max3A_391 = vector.broadcast %max3A_390 : i32 to vector<16xi32>
      %max3A_392 = arith.maxsi %sub3A_389, %max3A_391 : vector<16xi32>
      %reshape3A_393 = vector.shape_cast %max3A_392 : vector<16xi32> to vector<16x1xi32>
      %gather3A_394 = vector.shape_cast %reshape3A_393 : vector<16x1xi32> to vector<16xi32>
      %gather3A_395 = tpu.dynamic_gather %add3A_386[%gather3A_394] in [0] : vector<16xi32>, vector<16xi32> -> vector<16xi32>
      %ge3A_396 = arith.constant 2 : i32
      %ge3A_397 = vector.broadcast %ge3A_396 : i32 to vector<16xi32>
      %ge3A_398 = arith.cmpi sge, %iota3A, %ge3A_397 : vector<16xi32>
      %jit3A_399 = arith.constant 0 : i32
      %broadcast_in_dim3A_400 = vector.broadcast %jit3A_399 : i32 to vector<16xi32>
      %select_n3A_401 = arith.select %ge3A_398, %gather3A_395, %broadcast_in_dim3A_400 : vector<16xi1>, vector<16xi32>
      %add3A_402 = arith.addi %add3A_386, %select_n3A_401 : vector<16xi32>
      %sub3A_403 = arith.constant 4 : i32
      %sub3A_404 = vector.broadcast %sub3A_403 : i32 to vector<16xi32>
      %sub3A_405 = arith.subi %iota3A, %sub3A_404 : vector<16xi32>
      %max3A_406 = arith.constant 0 : i32
      %max3A_407 = vector.broadcast %max3A_406 : i32 to vector<16xi32>
      %max3A_408 = arith.maxsi %sub3A_405, %max3A_407 : vector<16xi32>
      %reshape3A_409 = vector.shape_cast %max3A_408 : vector<16xi32> to vector<16x1xi32>
      %gather3A_410 = vector.shape_cast %reshape3A_409 : vector<16x1xi32> to vector<16xi32>
      %gather3A_411 = tpu.dynamic_gather %add3A_402[%gather3A_410] in [0] : vector<16xi32>, vector<16xi32> -> vector<16xi32>
      %ge3A_412 = arith.constant 4 : i32
      %ge3A_413 = vector.broadcast %ge3A_412 : i32 to vector<16xi32>
      %ge3A_414 = arith.cmpi sge, %iota3A, %ge3A_413 : vector<16xi32>
      %jit3A_415 = arith.constant 0 : i32
      %broadcast_in_dim3A_416 = vector.broadcast %jit3A_415 : i32 to vector<16xi32>
      %select_n3A_417 = arith.select %ge3A_414, %gather3A_411, %broadcast_in_dim3A_416 : vector<16xi1>, vector<16xi32>
      %add3A_418 = arith.addi %add3A_402, %select_n3A_417 : vector<16xi32>
      %sub3A_419 = arith.constant 8 : i32
      %sub3A_420 = vector.broadcast %sub3A_419 : i32 to vector<16xi32>
      %sub3A_421 = arith.subi %iota3A, %sub3A_420 : vector<16xi32>
      %max3A_422 = arith.constant 0 : i32
      %max3A_423 = vector.broadcast %max3A_422 : i32 to vector<16xi32>
      %max3A_424 = arith.maxsi %sub3A_421, %max3A_423 : vector<16xi32>
      %reshape3A_425 = vector.shape_cast %max3A_424 : vector<16xi32> to vector<16x1xi32>
      %gather3A_426 = vector.shape_cast %reshape3A_425 : vector<16x1xi32> to vector<16xi32>
      %gather3A_427 = tpu.dynamic_gather %add3A_418[%gather3A_426] in [0] : vector<16xi32>, vector<16xi32> -> vector<16xi32>
      %ge3A_428 = arith.constant 8 : i32
      %ge3A_429 = vector.broadcast %ge3A_428 : i32 to vector<16xi32>
      %ge3A_430 = arith.cmpi sge, %iota3A, %ge3A_429 : vector<16xi32>
      %jit3A_431 = arith.constant 0 : i32
      %broadcast_in_dim3A_432 = vector.broadcast %jit3A_431 : i32 to vector<16xi32>
      %select_n3A_433 = arith.select %ge3A_430, %gather3A_427, %broadcast_in_dim3A_432 : vector<16xi1>, vector<16xi32>
      %add3A_434 = arith.addi %add3A_418, %select_n3A_433 : vector<16xi32>
      %sub3A_435 = arith.subi %add3A_434, %select_n3A_370 : vector<16xi32>
      %broadcast_in_dim3A_436 = arith.constant 15 : i32
      %broadcast_in_dim3A_437 = vector.broadcast %broadcast_in_dim3A_436 : i32 to vector<16xi32>
      %reshape3A_438 = vector.shape_cast %broadcast_in_dim3A_437 : vector<16xi32> to vector<16x1xi32>
      %gather3A_439 = vector.shape_cast %reshape3A_438 : vector<16x1xi32> to vector<16xi32>
      %gather3A_440 = tpu.dynamic_gather %add3A_434[%gather3A_439] in [0] : vector<16xi32>, vector<16xi32> -> vector<16xi32>
      %slice3A = vector.extract_strided_slice %gather3A_440 {offsets = [0], sizes = [1], strides = [1]} : vector<16xi32> to vector<1xi32>
      %squeeze3A = vector.extract %slice3A[0] : i32 from vector<1xi32>
      %broadcast_in_dim3A_441 = vector.broadcast %scan3A_119 : i32 to vector<16xi32>
      %add3A_442 = arith.addi %broadcast_in_dim3A_441, %sub3A_435 : vector<16xi32>
      %broadcast_in_dim3A_443 = arith.constant 127 : i32
      %broadcast_in_dim3A_444 = vector.broadcast %broadcast_in_dim3A_443 : i32 to vector<16xi32>
      %select_n3A_445 = arith.select %and3A_365, %add3A_442, %broadcast_in_dim3A_444 : vector<16xi1>, vector<16xi32>
      %broadcast_in_dim3A_446 = arith.constant 100000 : i32
      %broadcast_in_dim3A_447 = vector.broadcast %broadcast_in_dim3A_446 : i32 to vector<16xi32>
      %select_n3A_448 = arith.select %and3A_365, %get3A_133, %broadcast_in_dim3A_447 : vector<16xi1>, vector<16xi32>
      tpu.vector_store_idx %arg7[%select_n3A_445], %select_n3A_448 : memref<128xi32, #tpu.memory_space<vmem>>[vector<16xi32>], vector<16xi32>,
      tpu.vector_store_idx %arg8[%select_n3A_445], %sub3A_366 : memref<128xi32, #tpu.memory_space<vmem>>[vector<16xi32>], vector<16xi32>,
      %add3A_449 = arith.addi %scan3A_119, %squeeze3A : i32
      %gt3A_450 = arith.constant 112 : i32
      %gt3A_451 = arith.cmpi sgt, %add3A_449, %gt3A_450 : i32
      %convert_element_type3A_452 = arith.extui %gt3A_451 : i1 to i32
      %cond3A_453 = arith.constant 0 : i32
      %cond3A_454 = arith.cmpi ne, %convert_element_type3A_452, %cond3A_453 : i32
      scf.if %cond3A_454 {
        "tpu.region"() ({
          %run_scoped3A = tpu.sem_alloc : memref<!tpu.dma_semaphore, #tpu.memory_space<semaphore_mem>>
          %dma_start3A = arith.constant 0 : i32
          %dma_start3A_629 = tpu.memref_slice %arg4[%dma_start3A] : memref<100016xi32, #tpu.memory_space<hbm>> -> memref<100016xi32, #tpu.memory_space<hbm>>
          tpu.enqueue_indirect_dma source(%arg8 : memref<128xi32, #tpu.memory_space<vmem>>) target(%dma_start3A_629 : memref<100016xi32, #tpu.memory_space<hbm>>) offsets(%arg7 : memref<128xi32, #tpu.memory_space<vmem>>) semaphore(%run_scoped3A : memref<!tpu.dma_semaphore, #tpu.memory_space<semaphore_mem>>)
          %dma_wait3A = arith.constant 0 : i32
          %dma_wait3A_630 = tpu.memref_slice %arg4[%dma_wait3A] : memref<100016xi32, #tpu.memory_space<hbm>> -> memref<100016xi32, #tpu.memory_space<hbm>>
          tpu.wait_indirect_dma semaphore(%run_scoped3A : memref<!tpu.dma_semaphore, #tpu.memory_space<semaphore_mem>>) src(%arg8 : memref<128xi32, #tpu.memory_space<vmem>>) dst(%dma_wait3A_630 : memref<100016xi32, #tpu.memory_space<hbm>>)
          tpu.yield
        }) : () -> ()
        %broadcast_in_dim3A_597 = arith.constant 100000 : i32
        %broadcast_in_dim3A_598 = vector.broadcast %broadcast_in_dim3A_597 : i32 to vector<16xi32>
        %swap3A_599 = arith.constant 0 : index
        %swap3A_600 = tpu.vector_load %arg7[%swap3A_599] {strides = array<i32>} : memref<128xi32, #tpu.memory_space<vmem>>, vector<16xi32>,
        tpu.vector_store %arg7[%swap3A_599], %broadcast_in_dim3A_598 {strides = array<i32>} : memref<128xi32, #tpu.memory_space<vmem>>, vector<16xi32>,
        %broadcast_in_dim3A_601 = arith.constant 100000 : i32
        %broadcast_in_dim3A_602 = vector.broadcast %broadcast_in_dim3A_601 : i32 to vector<16xi32>
        %swap3A_603 = arith.constant 16 : index
        %swap3A_604 = tpu.vector_load %arg7[%swap3A_603] {strides = array<i32>} : memref<128xi32, #tpu.memory_space<vmem>>, vector<16xi32>,
        tpu.vector_store %arg7[%swap3A_603], %broadcast_in_dim3A_602 {strides = array<i32>} : memref<128xi32, #tpu.memory_space<vmem>>, vector<16xi32>,
        %broadcast_in_dim3A_605 = arith.constant 100000 : i32
        %broadcast_in_dim3A_606 = vector.broadcast %broadcast_in_dim3A_605 : i32 to vector<16xi32>
        %swap3A_607 = arith.constant 32 : index
        %swap3A_608 = tpu.vector_load %arg7[%swap3A_607] {strides = array<i32>} : memref<128xi32, #tpu.memory_space<vmem>>, vector<16xi32>,
        tpu.vector_store %arg7[%swap3A_607], %broadcast_in_dim3A_606 {strides = array<i32>} : memref<128xi32, #tpu.memory_space<vmem>>, vector<16xi32>,
        %broadcast_in_dim3A_609 = arith.constant 100000 : i32
        %broadcast_in_dim3A_610 = vector.broadcast %broadcast_in_dim3A_609 : i32 to vector<16xi32>
        %swap3A_611 = arith.constant 48 : index
        %swap3A_612 = tpu.vector_load %arg7[%swap3A_611] {strides = array<i32>} : memref<128xi32, #tpu.memory_space<vmem>>, vector<16xi32>,
        tpu.vector_store %arg7[%swap3A_611], %broadcast_in_dim3A_610 {strides = array<i32>} : memref<128xi32, #tpu.memory_space<vmem>>, vector<16xi32>,
        %broadcast_in_dim3A_613 = arith.constant 100000 : i32
        %broadcast_in_dim3A_614 = vector.broadcast %broadcast_in_dim3A_613 : i32 to vector<16xi32>
        %swap3A_615 = arith.constant 64 : index
        %swap3A_616 = tpu.vector_load %arg7[%swap3A_615] {strides = array<i32>} : memref<128xi32, #tpu.memory_space<vmem>>, vector<16xi32>,
        tpu.vector_store %arg7[%swap3A_615], %broadcast_in_dim3A_614 {strides = array<i32>} : memref<128xi32, #tpu.memory_space<vmem>>, vector<16xi32>,
        %broadcast_in_dim3A_617 = arith.constant 100000 : i32
        %broadcast_in_dim3A_618 = vector.broadcast %broadcast_in_dim3A_617 : i32 to vector<16xi32>
        %swap3A_619 = arith.constant 80 : index
        %swap3A_620 = tpu.vector_load %arg7[%swap3A_619] {strides = array<i32>} : memref<128xi32, #tpu.memory_space<vmem>>, vector<16xi32>,
        tpu.vector_store %arg7[%swap3A_619], %broadcast_in_dim3A_618 {strides = array<i32>} : memref<128xi32, #tpu.memory_space<vmem>>, vector<16xi32>,
        %broadcast_in_dim3A_621 = arith.constant 100000 : i32
        %broadcast_in_dim3A_622 = vector.broadcast %broadcast_in_dim3A_621 : i32 to vector<16xi32>
        %swap3A_623 = arith.constant 96 : index
        %swap3A_624 = tpu.vector_load %arg7[%swap3A_623] {strides = array<i32>} : memref<128xi32, #tpu.memory_space<vmem>>, vector<16xi32>,
        tpu.vector_store %arg7[%swap3A_623], %broadcast_in_dim3A_622 {strides = array<i32>} : memref<128xi32, #tpu.memory_space<vmem>>, vector<16xi32>,
        %broadcast_in_dim3A_625 = arith.constant 100000 : i32
        %broadcast_in_dim3A_626 = vector.broadcast %broadcast_in_dim3A_625 : i32 to vector<16xi32>
        %swap3A_627 = arith.constant 112 : index
        %swap3A_628 = tpu.vector_load %arg7[%swap3A_627] {strides = array<i32>} : memref<128xi32, #tpu.memory_space<vmem>>, vector<16xi32>,
        tpu.vector_store %arg7[%swap3A_627], %broadcast_in_dim3A_626 {strides = array<i32>} : memref<128xi32, #tpu.memory_space<vmem>>, vector<16xi32>,
      } else {
      }
      %jit3A_455 = arith.constant 0 : i32
      %select_n3A_456 = arith.select %gt3A_451, %jit3A_455, %add3A_449 : i32
      %add3A_457 = arith.constant 1 : i32
      %add3A_458 = vector.broadcast %add3A_457 : i32 to vector<16xi32>
      %add3A_459 = arith.addi %get3A_133, %add3A_458 : vector<16xi32>
      %gt3A_460 = arith.cmpi sgt, %gather3A_139, %add3A_459 : vector<16xi32>
      %and3A_461 = arith.andi %and3A_365, %gt3A_460 : vector<16xi1>
      %jit3A_462 = arith.constant 1 : i32
      %jit3A_463 = arith.constant 0 : i32
      %broadcast_in_dim3A_464 = vector.broadcast %jit3A_462 : i32 to vector<16xi32>
      %broadcast_in_dim3A_465 = vector.broadcast %jit3A_463 : i32 to vector<16xi32>
      %select_n3A_466 = arith.select %and3A_461, %broadcast_in_dim3A_464, %broadcast_in_dim3A_465 : vector<16xi1>, vector<16xi32>
      %jit3A_467 = arith.constant 1 : i32
      %jit3A_468 = arith.constant 0 : i32
      %broadcast_in_dim3A_469 = vector.broadcast %jit3A_467 : i32 to vector<16xi32>
      %broadcast_in_dim3A_470 = vector.broadcast %jit3A_468 : i32 to vector<16xi32>
      %select_n3A_471 = arith.select %and3A_461, %broadcast_in_dim3A_469, %broadcast_in_dim3A_470 : vector<16xi1>, vector<16xi32>
      %sub3A_472 = arith.constant 1 : i32
      %sub3A_473 = vector.broadcast %sub3A_472 : i32 to vector<16xi32>
      %sub3A_474 = arith.subi %iota3A, %sub3A_473 : vector<16xi32>
      %max3A_475 = arith.constant 0 : i32
      %max3A_476 = vector.broadcast %max3A_475 : i32 to vector<16xi32>
      %max3A_477 = arith.maxsi %sub3A_474, %max3A_476 : vector<16xi32>
      %reshape3A_478 = vector.shape_cast %max3A_477 : vector<16xi32> to vector<16x1xi32>
      %gather3A_479 = vector.shape_cast %reshape3A_478 : vector<16x1xi32> to vector<16xi32>
      %gather3A_480 = tpu.dynamic_gather %select_n3A_471[%gather3A_479] in [0] : vector<16xi32>, vector<16xi32> -> vector<16xi32>
      %ge3A_481 = arith.constant 1 : i32
      %ge3A_482 = vector.broadcast %ge3A_481 : i32 to vector<16xi32>
      %ge3A_483 = arith.cmpi sge, %iota3A, %ge3A_482 : vector<16xi32>
      %jit3A_484 = arith.constant 0 : i32
      %broadcast_in_dim3A_485 = vector.broadcast %jit3A_484 : i32 to vector<16xi32>
      %select_n3A_486 = arith.select %ge3A_483, %gather3A_480, %broadcast_in_dim3A_485 : vector<16xi1>, vector<16xi32>
      %add3A_487 = arith.addi %select_n3A_471, %select_n3A_486 : vector<16xi32>
      %sub3A_488 = arith.constant 2 : i32
      %sub3A_489 = vector.broadcast %sub3A_488 : i32 to vector<16xi32>
      %sub3A_490 = arith.subi %iota3A, %sub3A_489 : vector<16xi32>
      %max3A_491 = arith.constant 0 : i32
      %max3A_492 = vector.broadcast %max3A_491 : i32 to vector<16xi32>
      %max3A_493 = arith.maxsi %sub3A_490, %max3A_492 : vector<16xi32>
      %reshape3A_494 = vector.shape_cast %max3A_493 : vector<16xi32> to vector<16x1xi32>
      %gather3A_495 = vector.shape_cast %reshape3A_494 : vector<16x1xi32> to vector<16xi32>
      %gather3A_496 = tpu.dynamic_gather %add3A_487[%gather3A_495] in [0] : vector<16xi32>, vector<16xi32> -> vector<16xi32>
      %ge3A_497 = arith.constant 2 : i32
      %ge3A_498 = vector.broadcast %ge3A_497 : i32 to vector<16xi32>
      %ge3A_499 = arith.cmpi sge, %iota3A, %ge3A_498 : vector<16xi32>
      %jit3A_500 = arith.constant 0 : i32
      %broadcast_in_dim3A_501 = vector.broadcast %jit3A_500 : i32 to vector<16xi32>
      %select_n3A_502 = arith.select %ge3A_499, %gather3A_496, %broadcast_in_dim3A_501 : vector<16xi1>, vector<16xi32>
      %add3A_503 = arith.addi %add3A_487, %select_n3A_502 : vector<16xi32>
      %sub3A_504 = arith.constant 4 : i32
      %sub3A_505 = vector.broadcast %sub3A_504 : i32 to vector<16xi32>
      %sub3A_506 = arith.subi %iota3A, %sub3A_505 : vector<16xi32>
      %max3A_507 = arith.constant 0 : i32
      %max3A_508 = vector.broadcast %max3A_507 : i32 to vector<16xi32>
      %max3A_509 = arith.maxsi %sub3A_506, %max3A_508 : vector<16xi32>
      %reshape3A_510 = vector.shape_cast %max3A_509 : vector<16xi32> to vector<16x1xi32>
      %gather3A_511 = vector.shape_cast %reshape3A_510 : vector<16x1xi32> to vector<16xi32>
      %gather3A_512 = tpu.dynamic_gather %add3A_503[%gather3A_511] in [0] : vector<16xi32>, vector<16xi32> -> vector<16xi32>
      %ge3A_513 = arith.constant 4 : i32
      %ge3A_514 = vector.broadcast %ge3A_513 : i32 to vector<16xi32>
      %ge3A_515 = arith.cmpi sge, %iota3A, %ge3A_514 : vector<16xi32>
      %jit3A_516 = arith.constant 0 : i32
      %broadcast_in_dim3A_517 = vector.broadcast %jit3A_516 : i32 to vector<16xi32>
      %select_n3A_518 = arith.select %ge3A_515, %gather3A_512, %broadcast_in_dim3A_517 : vector<16xi1>, vector<16xi32>
      %add3A_519 = arith.addi %add3A_503, %select_n3A_518 : vector<16xi32>
      %sub3A_520 = arith.constant 8 : i32
      %sub3A_521 = vector.broadcast %sub3A_520 : i32 to vector<16xi32>
      %sub3A_522 = arith.subi %iota3A, %sub3A_521 : vector<16xi32>
      %max3A_523 = arith.constant 0 : i32
      %max3A_524 = vector.broadcast %max3A_523 : i32 to vector<16xi32>
      %max3A_525 = arith.maxsi %sub3A_522, %max3A_524 : vector<16xi32>
      %reshape3A_526 = vector.shape_cast %max3A_525 : vector<16xi32> to vector<16x1xi32>
      %gather3A_527 = vector.shape_cast %reshape3A_526 : vector<16x1xi32> to vector<16xi32>
      %gather3A_528 = tpu.dynamic_gather %add3A_519[%gather3A_527] in [0] : vector<16xi32>, vector<16xi32> -> vector<16xi32>
      %ge3A_529 = arith.constant 8 : i32
      %ge3A_530 = vector.broadcast %ge3A_529 : i32 to vector<16xi32>
      %ge3A_531 = arith.cmpi sge, %iota3A, %ge3A_530 : vector<16xi32>
      %jit3A_532 = arith.constant 0 : i32
      %broadcast_in_dim3A_533 = vector.broadcast %jit3A_532 : i32 to vector<16xi32>
      %select_n3A_534 = arith.select %ge3A_531, %gather3A_528, %broadcast_in_dim3A_533 : vector<16xi1>, vector<16xi32>
      %add3A_535 = arith.addi %add3A_519, %select_n3A_534 : vector<16xi32>
      %sub3A_536 = arith.subi %add3A_535, %select_n3A_471 : vector<16xi32>
      %broadcast_in_dim3A_537 = arith.constant 15 : i32
      %broadcast_in_dim3A_538 = vector.broadcast %broadcast_in_dim3A_537 : i32 to vector<16xi32>
      %reshape3A_539 = vector.shape_cast %broadcast_in_dim3A_538 : vector<16xi32> to vector<16x1xi32>
      %gather3A_540 = vector.shape_cast %reshape3A_539 : vector<16x1xi32> to vector<16xi32>
      %gather3A_541 = tpu.dynamic_gather %add3A_535[%gather3A_540] in [0] : vector<16xi32>, vector<16xi32> -> vector<16xi32>
      %slice3A_542 = vector.extract_strided_slice %gather3A_541 {offsets = [0], sizes = [1], strides = [1]} : vector<16xi32> to vector<1xi32>
      %squeeze3A_543 = vector.extract %slice3A_542[0] : i32 from vector<1xi32>
      %gt3A_544 = arith.constant 0 : i32
      %gt3A_545 = arith.cmpi sgt, %squeeze3A_543, %gt3A_544 : i32
      %convert_element_type3A_546 = arith.extui %gt3A_545 : i1 to i32
      %cond3A_547 = arith.constant 0 : i32
      %cond3A_548 = arith.cmpi ne, %convert_element_type3A_546, %cond3A_547 : i32
      %cond3A_549 = scf.if %cond3A_548 -> (i32) {
        %scan3A_597 = arith.constant 0 : i32
        %scan3A_598 = arith.constant 16 : i32
        %scan3A_599 = arith.addi %scan3A_597, %scan3A_598 : i32
        %scan3A_600 = arith.constant 1 : i32
        %scan3A_601 = scf.for %scan3A_603 = %scan3A_597 to %scan3A_599 step %scan3A_600 iter_args(%scan3A_604 = %select_n3A_456) -> (i32)  : i32 {
          %broadcast_in_dim3A_605 = vector.broadcast %scan3A_603 : i32 to vector<16xi32>
          %reshape3A_606 = vector.shape_cast %broadcast_in_dim3A_605 : vector<16xi32> to vector<16x1xi32>
          %gather3A_607 = vector.shape_cast %reshape3A_606 : vector<16x1xi32> to vector<16xi32>
          %gather3A_608 = tpu.dynamic_gather %select_n3A_466[%gather3A_607] in [0] : vector<16xi32>, vector<16xi32> -> vector<16xi32>
          %slice3A_609 = vector.extract_strided_slice %gather3A_608 {offsets = [0], sizes = [1], strides = [1]} : vector<16xi32> to vector<1xi32>
          %squeeze3A_610 = vector.extract %slice3A_609[0] : i32 from vector<1xi32>
          %broadcast_in_dim3A_611 = vector.broadcast %scan3A_603 : i32 to vector<16xi32>
          %reshape3A_612 = vector.shape_cast %broadcast_in_dim3A_611 : vector<16xi32> to vector<16x1xi32>
          %gather3A_613 = vector.shape_cast %reshape3A_612 : vector<16x1xi32> to vector<16xi32>
          %gather3A_614 = tpu.dynamic_gather %get3A_133[%gather3A_613] in [0] : vector<16xi32>, vector<16xi32> -> vector<16xi32>
          %slice3A_615 = vector.extract_strided_slice %gather3A_614 {offsets = [0], sizes = [1], strides = [1]} : vector<16xi32> to vector<1xi32>
          %squeeze3A_616 = vector.extract %slice3A_615[0] : i32 from vector<1xi32>
          %add3A_617 = arith.constant 1 : i32
          %add3A_618 = arith.addi %squeeze3A_616, %add3A_617 : i32
          %broadcast_in_dim3A_619 = vector.broadcast %scan3A_603 : i32 to vector<16xi32>
          %reshape3A_620 = vector.shape_cast %broadcast_in_dim3A_619 : vector<16xi32> to vector<16x1xi32>
          %gather3A_621 = vector.shape_cast %reshape3A_620 : vector<16x1xi32> to vector<16xi32>
          %gather3A_622 = tpu.dynamic_gather %gather3A_139[%gather3A_621] in [0] : vector<16xi32>, vector<16xi32> -> vector<16xi32>
          %slice3A_623 = vector.extract_strided_slice %gather3A_622 {offsets = [0], sizes = [1], strides = [1]} : vector<16xi32> to vector<1xi32>
          %squeeze3A_624 = vector.extract %slice3A_623[0] : i32 from vector<1xi32>
          %gt3A_625 = arith.constant 0 : i32
          %gt3A_626 = arith.cmpi sgt, %squeeze3A_610, %gt3A_625 : i32
          %convert_element_type3A_627 = arith.extui %gt3A_626 : i1 to i32
          %cond3A_628 = arith.constant 0 : i32
          %cond3A_629 = arith.cmpi ne, %convert_element_type3A_627, %cond3A_628 : i32
          %cond3A_630 = scf.if %cond3A_629 -> (i32) {
            %sub3A_631 = arith.subi %squeeze3A_624, %add3A_618 : i32
            %add3A_632 = arith.constant 15 : i32
            %add3A_633 = arith.addi %sub3A_631, %add3A_632 : i32
            %div3A = arith.constant 16 : i32
            %div3A_634 = arith.divsi %add3A_633, %div3A : i32
            %while3A_635 = arith.constant 0 : i32
            %while3A_636 = arith.subi %div3A_634, %while3A_635 : i32
            %while3A_637 = arith.addi %while3A_635, %while3A_636 : i32
            %while3A_638 = arith.constant 1 : i32
            %while3A_639 = arith.divsi %while3A_636, %while3A_638 : i32
            %while3A_640 = arith.muli %while3A_639, %while3A_638 : i32
            %while3A_641 = arith.addi %while3A_635, %while3A_640 : i32
            %while3A_642 = arith.constant 1 : i32
            %while3A_643 = scf.for %while3A_646 = %while3A_635 to %while3A_641 step %while3A_642 iter_args(%while3A_647 = %scan3A_604) -> (i32)  : i32 {
              %mul3A_648 = arith.constant 16 : i32
              %mul3A_649 = arith.muli %while3A_646, %mul3A_648 : i32
              %add3A_650 = arith.addi %add3A_618, %mul3A_649 : i32
              %broadcast_in_dim3A_651 = vector.broadcast %add3A_650 : i32 to vector<16xi32>
              %add3A_652 = arith.addi %broadcast_in_dim3A_651, %iota3A : vector<16xi32>
              %broadcast_in_dim3A_653 = vector.broadcast %squeeze3A_624 : i32 to vector<16xi32>
              %lt3A_654 = arith.cmpi slt, %add3A_652, %broadcast_in_dim3A_653 : vector<16xi32>
              %broadcast_in_dim3A_655 = arith.constant 2147483647 : i32
              %broadcast_in_dim3A_656 = vector.broadcast %broadcast_in_dim3A_655 : i32 to vector<16xi32>
              %jit3A_657 = arith.constant 1 : i32
              %jit3A_658 = arith.constant 0 : i32
              %broadcast_in_dim3A_659 = vector.broadcast %jit3A_657 : i32 to vector<16xi32>
              %broadcast_in_dim3A_660 = vector.broadcast %jit3A_658 : i32 to vector<16xi32>
              %select_n3A_661 = arith.select %lt3A_654, %broadcast_in_dim3A_659, %broadcast_in_dim3A_660 : vector<16xi1>, vector<16xi32>
              %sub3A_662 = arith.constant 1 : i32
              %sub3A_663 = vector.broadcast %sub3A_662 : i32 to vector<16xi32>
              %sub3A_664 = arith.subi %iota3A, %sub3A_663 : vector<16xi32>
              %max3A_665 = arith.constant 0 : i32
              %max3A_666 = vector.broadcast %max3A_665 : i32 to vector<16xi32>
              %max3A_667 = arith.maxsi %sub3A_664, %max3A_666 : vector<16xi32>
              %reshape3A_668 = vector.shape_cast %max3A_667 : vector<16xi32> to vector<16x1xi32>
              %gather3A_669 = vector.shape_cast %reshape3A_668 : vector<16x1xi32> to vector<16xi32>
              %gather3A_670 = tpu.dynamic_gather %select_n3A_661[%gather3A_669] in [0] : vector<16xi32>, vector<16xi32> -> vector<16xi32>
              %ge3A_671 = arith.constant 1 : i32
              %ge3A_672 = vector.broadcast %ge3A_671 : i32 to vector<16xi32>
              %ge3A_673 = arith.cmpi sge, %iota3A, %ge3A_672 : vector<16xi32>
              %jit3A_674 = arith.constant 0 : i32
              %broadcast_in_dim3A_675 = vector.broadcast %jit3A_674 : i32 to vector<16xi32>
              %select_n3A_676 = arith.select %ge3A_673, %gather3A_670, %broadcast_in_dim3A_675 : vector<16xi1>, vector<16xi32>
              %add3A_677 = arith.addi %select_n3A_661, %select_n3A_676 : vector<16xi32>
              %sub3A_678 = arith.constant 2 : i32
              %sub3A_679 = vector.broadcast %sub3A_678 : i32 to vector<16xi32>
              %sub3A_680 = arith.subi %iota3A, %sub3A_679 : vector<16xi32>
              %max3A_681 = arith.constant 0 : i32
              %max3A_682 = vector.broadcast %max3A_681 : i32 to vector<16xi32>
              %max3A_683 = arith.maxsi %sub3A_680, %max3A_682 : vector<16xi32>
              %reshape3A_684 = vector.shape_cast %max3A_683 : vector<16xi32> to vector<16x1xi32>
              %gather3A_685 = vector.shape_cast %reshape3A_684 : vector<16x1xi32> to vector<16xi32>
              %gather3A_686 = tpu.dynamic_gather %add3A_677[%gather3A_685] in [0] : vector<16xi32>, vector<16xi32> -> vector<16xi32>
              %ge3A_687 = arith.constant 2 : i32
              %ge3A_688 = vector.broadcast %ge3A_687 : i32 to vector<16xi32>
              %ge3A_689 = arith.cmpi sge, %iota3A, %ge3A_688 : vector<16xi32>
              %jit3A_690 = arith.constant 0 : i32
              %broadcast_in_dim3A_691 = vector.broadcast %jit3A_690 : i32 to vector<16xi32>
              %select_n3A_692 = arith.select %ge3A_689, %gather3A_686, %broadcast_in_dim3A_691 : vector<16xi1>, vector<16xi32>
              %add3A_693 = arith.addi %add3A_677, %select_n3A_692 : vector<16xi32>
              %sub3A_694 = arith.constant 4 : i32
              %sub3A_695 = vector.broadcast %sub3A_694 : i32 to vector<16xi32>
              %sub3A_696 = arith.subi %iota3A, %sub3A_695 : vector<16xi32>
              %max3A_697 = arith.constant 0 : i32
              %max3A_698 = vector.broadcast %max3A_697 : i32 to vector<16xi32>
              %max3A_699 = arith.maxsi %sub3A_696, %max3A_698 : vector<16xi32>
              %reshape3A_700 = vector.shape_cast %max3A_699 : vector<16xi32> to vector<16x1xi32>
              %gather3A_701 = vector.shape_cast %reshape3A_700 : vector<16x1xi32> to vector<16xi32>
              %gather3A_702 = tpu.dynamic_gather %add3A_693[%gather3A_701] in [0] : vector<16xi32>, vector<16xi32> -> vector<16xi32>
              %ge3A_703 = arith.constant 4 : i32
              %ge3A_704 = vector.broadcast %ge3A_703 : i32 to vector<16xi32>
              %ge3A_705 = arith.cmpi sge, %iota3A, %ge3A_704 : vector<16xi32>
              %jit3A_706 = arith.constant 0 : i32
              %broadcast_in_dim3A_707 = vector.broadcast %jit3A_706 : i32 to vector<16xi32>
              %select_n3A_708 = arith.select %ge3A_705, %gather3A_702, %broadcast_in_dim3A_707 : vector<16xi1>, vector<16xi32>
              %add3A_709 = arith.addi %add3A_693, %select_n3A_708 : vector<16xi32>
              %sub3A_710 = arith.constant 8 : i32
              %sub3A_711 = vector.broadcast %sub3A_710 : i32 to vector<16xi32>
              %sub3A_712 = arith.subi %iota3A, %sub3A_711 : vector<16xi32>
              %max3A_713 = arith.constant 0 : i32
              %max3A_714 = vector.broadcast %max3A_713 : i32 to vector<16xi32>
              %max3A_715 = arith.maxsi %sub3A_712, %max3A_714 : vector<16xi32>
              %reshape3A_716 = vector.shape_cast %max3A_715 : vector<16xi32> to vector<16x1xi32>
              %gather3A_717 = vector.shape_cast %reshape3A_716 : vector<16x1xi32> to vector<16xi32>
              %gather3A_718 = tpu.dynamic_gather %add3A_709[%gather3A_717] in [0] : vector<16xi32>, vector<16xi32> -> vector<16xi32>
              %ge3A_719 = arith.constant 8 : i32
              %ge3A_720 = vector.broadcast %ge3A_719 : i32 to vector<16xi32>
              %ge3A_721 = arith.cmpi sge, %iota3A, %ge3A_720 : vector<16xi32>
              %jit3A_722 = arith.constant 0 : i32
              %broadcast_in_dim3A_723 = vector.broadcast %jit3A_722 : i32 to vector<16xi32>
              %select_n3A_724 = arith.select %ge3A_721, %gather3A_718, %broadcast_in_dim3A_723 : vector<16xi1>, vector<16xi32>
              %add3A_725 = arith.addi %add3A_709, %select_n3A_724 : vector<16xi32>
              %sub3A_726 = arith.subi %add3A_725, %select_n3A_661 : vector<16xi32>
              %broadcast_in_dim3A_727 = arith.constant 15 : i32
              %broadcast_in_dim3A_728 = vector.broadcast %broadcast_in_dim3A_727 : i32 to vector<16xi32>
              %reshape3A_729 = vector.shape_cast %broadcast_in_dim3A_728 : vector<16xi32> to vector<16x1xi32>
              %gather3A_730 = vector.shape_cast %reshape3A_729 : vector<16x1xi32> to vector<16xi32>
              %gather3A_731 = tpu.dynamic_gather %add3A_725[%gather3A_730] in [0] : vector<16xi32>, vector<16xi32> -> vector<16xi32>
              %slice3A_732 = vector.extract_strided_slice %gather3A_731 {offsets = [0], sizes = [1], strides = [1]} : vector<16xi32> to vector<1xi32>
              %squeeze3A_733 = vector.extract %slice3A_732[0] : i32 from vector<1xi32>
              %broadcast_in_dim3A_734 = vector.broadcast %while3A_647 : i32 to vector<16xi32>
              %add3A_735 = arith.addi %broadcast_in_dim3A_734, %sub3A_726 : vector<16xi32>
              %broadcast_in_dim3A_736 = arith.constant 127 : i32
              %broadcast_in_dim3A_737 = vector.broadcast %broadcast_in_dim3A_736 : i32 to vector<16xi32>
              %select_n3A_738 = arith.select %lt3A_654, %add3A_735, %broadcast_in_dim3A_737 : vector<16xi1>, vector<16xi32>
              %broadcast_in_dim3A_739 = arith.constant 100000 : i32
              %broadcast_in_dim3A_740 = vector.broadcast %broadcast_in_dim3A_739 : i32 to vector<16xi32>
              %select_n3A_741 = arith.select %lt3A_654, %add3A_652, %broadcast_in_dim3A_740 : vector<16xi1>, vector<16xi32>
              tpu.vector_store_idx %arg7[%select_n3A_738], %select_n3A_741 : memref<128xi32, #tpu.memory_space<vmem>>[vector<16xi32>], vector<16xi32>,
              tpu.vector_store_idx %arg8[%select_n3A_738], %broadcast_in_dim3A_656 : memref<128xi32, #tpu.memory_space<vmem>>[vector<16xi32>], vector<16xi32>,
              %add3A_742 = arith.addi %while3A_647, %squeeze3A_733 : i32
              %gt3A_743 = arith.constant 112 : i32
              %gt3A_744 = arith.cmpi sgt, %add3A_742, %gt3A_743 : i32
              %convert_element_type3A_745 = arith.extui %gt3A_744 : i1 to i32
              %cond3A_746 = arith.constant 0 : i32
              %cond3A_747 = arith.cmpi ne, %convert_element_type3A_745, %cond3A_746 : i32
              scf.if %cond3A_747 {
                "tpu.region"() ({
                  %run_scoped3A = tpu.sem_alloc : memref<!tpu.dma_semaphore, #tpu.memory_space<semaphore_mem>>
                  %dma_start3A = arith.constant 0 : i32
                  %dma_start3A_782 = tpu.memref_slice %arg4[%dma_start3A] : memref<100016xi32, #tpu.memory_space<hbm>> -> memref<100016xi32, #tpu.memory_space<hbm>>
                  tpu.enqueue_indirect_dma source(%arg8 : memref<128xi32, #tpu.memory_space<vmem>>) target(%dma_start3A_782 : memref<100016xi32, #tpu.memory_space<hbm>>) offsets(%arg7 : memref<128xi32, #tpu.memory_space<vmem>>) semaphore(%run_scoped3A : memref<!tpu.dma_semaphore, #tpu.memory_space<semaphore_mem>>)
                  %dma_wait3A = arith.constant 0 : i32
                  %dma_wait3A_783 = tpu.memref_slice %arg4[%dma_wait3A] : memref<100016xi32, #tpu.memory_space<hbm>> -> memref<100016xi32, #tpu.memory_space<hbm>>
                  tpu.wait_indirect_dma semaphore(%run_scoped3A : memref<!tpu.dma_semaphore, #tpu.memory_space<semaphore_mem>>) src(%arg8 : memref<128xi32, #tpu.memory_space<vmem>>) dst(%dma_wait3A_783 : memref<100016xi32, #tpu.memory_space<hbm>>)
                  tpu.yield
                }) : () -> ()
                %broadcast_in_dim3A_750 = arith.constant 100000 : i32
                %broadcast_in_dim3A_751 = vector.broadcast %broadcast_in_dim3A_750 : i32 to vector<16xi32>
                %swap3A_752 = arith.constant 0 : index
                %swap3A_753 = tpu.vector_load %arg7[%swap3A_752] {strides = array<i32>} : memref<128xi32, #tpu.memory_space<vmem>>, vector<16xi32>,
                tpu.vector_store %arg7[%swap3A_752], %broadcast_in_dim3A_751 {strides = array<i32>} : memref<128xi32, #tpu.memory_space<vmem>>, vector<16xi32>,
                %broadcast_in_dim3A_754 = arith.constant 100000 : i32
                %broadcast_in_dim3A_755 = vector.broadcast %broadcast_in_dim3A_754 : i32 to vector<16xi32>
                %swap3A_756 = arith.constant 16 : index
                %swap3A_757 = tpu.vector_load %arg7[%swap3A_756] {strides = array<i32>} : memref<128xi32, #tpu.memory_space<vmem>>, vector<16xi32>,
                tpu.vector_store %arg7[%swap3A_756], %broadcast_in_dim3A_755 {strides = array<i32>} : memref<128xi32, #tpu.memory_space<vmem>>, vector<16xi32>,
                %broadcast_in_dim3A_758 = arith.constant 100000 : i32
                %broadcast_in_dim3A_759 = vector.broadcast %broadcast_in_dim3A_758 : i32 to vector<16xi32>
                %swap3A_760 = arith.constant 32 : index
                %swap3A_761 = tpu.vector_load %arg7[%swap3A_760] {strides = array<i32>} : memref<128xi32, #tpu.memory_space<vmem>>, vector<16xi32>,
                tpu.vector_store %arg7[%swap3A_760], %broadcast_in_dim3A_759 {strides = array<i32>} : memref<128xi32, #tpu.memory_space<vmem>>, vector<16xi32>,
                %broadcast_in_dim3A_762 = arith.constant 100000 : i32
                %broadcast_in_dim3A_763 = vector.broadcast %broadcast_in_dim3A_762 : i32 to vector<16xi32>
                %swap3A_764 = arith.constant 48 : index
                %swap3A_765 = tpu.vector_load %arg7[%swap3A_764] {strides = array<i32>} : memref<128xi32, #tpu.memory_space<vmem>>, vector<16xi32>,
                tpu.vector_store %arg7[%swap3A_764], %broadcast_in_dim3A_763 {strides = array<i32>} : memref<128xi32, #tpu.memory_space<vmem>>, vector<16xi32>,
                %broadcast_in_dim3A_766 = arith.constant 100000 : i32
                %broadcast_in_dim3A_767 = vector.broadcast %broadcast_in_dim3A_766 : i32 to vector<16xi32>
                %swap3A_768 = arith.constant 64 : index
                %swap3A_769 = tpu.vector_load %arg7[%swap3A_768] {strides = array<i32>} : memref<128xi32, #tpu.memory_space<vmem>>, vector<16xi32>,
                tpu.vector_store %arg7[%swap3A_768], %broadcast_in_dim3A_767 {strides = array<i32>} : memref<128xi32, #tpu.memory_space<vmem>>, vector<16xi32>,
                %broadcast_in_dim3A_770 = arith.constant 100000 : i32
                %broadcast_in_dim3A_771 = vector.broadcast %broadcast_in_dim3A_770 : i32 to vector<16xi32>
                %swap3A_772 = arith.constant 80 : index
                %swap3A_773 = tpu.vector_load %arg7[%swap3A_772] {strides = array<i32>} : memref<128xi32, #tpu.memory_space<vmem>>, vector<16xi32>,
                tpu.vector_store %arg7[%swap3A_772], %broadcast_in_dim3A_771 {strides = array<i32>} : memref<128xi32, #tpu.memory_space<vmem>>, vector<16xi32>,
                %broadcast_in_dim3A_774 = arith.constant 100000 : i32
                %broadcast_in_dim3A_775 = vector.broadcast %broadcast_in_dim3A_774 : i32 to vector<16xi32>
                %swap3A_776 = arith.constant 96 : index
                %swap3A_777 = tpu.vector_load %arg7[%swap3A_776] {strides = array<i32>} : memref<128xi32, #tpu.memory_space<vmem>>, vector<16xi32>,
                tpu.vector_store %arg7[%swap3A_776], %broadcast_in_dim3A_775 {strides = array<i32>} : memref<128xi32, #tpu.memory_space<vmem>>, vector<16xi32>,
                %broadcast_in_dim3A_778 = arith.constant 100000 : i32
                %broadcast_in_dim3A_779 = vector.broadcast %broadcast_in_dim3A_778 : i32 to vector<16xi32>
                %swap3A_780 = arith.constant 112 : index
                %swap3A_781 = tpu.vector_load %arg7[%swap3A_780] {strides = array<i32>} : memref<128xi32, #tpu.memory_space<vmem>>, vector<16xi32>,
                tpu.vector_store %arg7[%swap3A_780], %broadcast_in_dim3A_779 {strides = array<i32>} : memref<128xi32, #tpu.memory_space<vmem>>, vector<16xi32>,
              } else {
              }
              %jit3A_748 = arith.constant 0 : i32
              %select_n3A_749 = arith.select %gt3A_744, %jit3A_748, %add3A_742 : i32
              scf.yield %select_n3A_749 : i32
            }
            %while3A_644 = arith.constant 1 : i32
            %while3A_645 = scf.for %while3A_646 = %while3A_641 to %while3A_637 step %while3A_644 iter_args(%while3A_647 = %while3A_643) -> (i32)  : i32 {
              %mul3A_648 = arith.constant 16 : i32
              %mul3A_649 = arith.muli %while3A_646, %mul3A_648 : i32
              %add3A_650 = arith.addi %add3A_618, %mul3A_649 : i32
              %broadcast_in_dim3A_651 = vector.broadcast %add3A_650 : i32 to vector<16xi32>
              %add3A_652 = arith.addi %broadcast_in_dim3A_651, %iota3A : vector<16xi32>
              %broadcast_in_dim3A_653 = vector.broadcast %squeeze3A_624 : i32 to vector<16xi32>
              %lt3A_654 = arith.cmpi slt, %add3A_652, %broadcast_in_dim3A_653 : vector<16xi32>
              %broadcast_in_dim3A_655 = arith.constant 2147483647 : i32
              %broadcast_in_dim3A_656 = vector.broadcast %broadcast_in_dim3A_655 : i32 to vector<16xi32>
              %jit3A_657 = arith.constant 1 : i32
              %jit3A_658 = arith.constant 0 : i32
              %broadcast_in_dim3A_659 = vector.broadcast %jit3A_657 : i32 to vector<16xi32>
              %broadcast_in_dim3A_660 = vector.broadcast %jit3A_658 : i32 to vector<16xi32>
              %select_n3A_661 = arith.select %lt3A_654, %broadcast_in_dim3A_659, %broadcast_in_dim3A_660 : vector<16xi1>, vector<16xi32>
              %sub3A_662 = arith.constant 1 : i32
              %sub3A_663 = vector.broadcast %sub3A_662 : i32 to vector<16xi32>
              %sub3A_664 = arith.subi %iota3A, %sub3A_663 : vector<16xi32>
              %max3A_665 = arith.constant 0 : i32
              %max3A_666 = vector.broadcast %max3A_665 : i32 to vector<16xi32>
              %max3A_667 = arith.maxsi %sub3A_664, %max3A_666 : vector<16xi32>
              %reshape3A_668 = vector.shape_cast %max3A_667 : vector<16xi32> to vector<16x1xi32>
              %gather3A_669 = vector.shape_cast %reshape3A_668 : vector<16x1xi32> to vector<16xi32>
              %gather3A_670 = tpu.dynamic_gather %select_n3A_661[%gather3A_669] in [0] : vector<16xi32>, vector<16xi32> -> vector<16xi32>
              %ge3A_671 = arith.constant 1 : i32
              %ge3A_672 = vector.broadcast %ge3A_671 : i32 to vector<16xi32>
              %ge3A_673 = arith.cmpi sge, %iota3A, %ge3A_672 : vector<16xi32>
              %jit3A_674 = arith.constant 0 : i32
              %broadcast_in_dim3A_675 = vector.broadcast %jit3A_674 : i32 to vector<16xi32>
              %select_n3A_676 = arith.select %ge3A_673, %gather3A_670, %broadcast_in_dim3A_675 : vector<16xi1>, vector<16xi32>
              %add3A_677 = arith.addi %select_n3A_661, %select_n3A_676 : vector<16xi32>
              %sub3A_678 = arith.constant 2 : i32
              %sub3A_679 = vector.broadcast %sub3A_678 : i32 to vector<16xi32>
              %sub3A_680 = arith.subi %iota3A, %sub3A_679 : vector<16xi32>
              %max3A_681 = arith.constant 0 : i32
              %max3A_682 = vector.broadcast %max3A_681 : i32 to vector<16xi32>
              %max3A_683 = arith.maxsi %sub3A_680, %max3A_682 : vector<16xi32>
              %reshape3A_684 = vector.shape_cast %max3A_683 : vector<16xi32> to vector<16x1xi32>
              %gather3A_685 = vector.shape_cast %reshape3A_684 : vector<16x1xi32> to vector<16xi32>
              %gather3A_686 = tpu.dynamic_gather %add3A_677[%gather3A_685] in [0] : vector<16xi32>, vector<16xi32> -> vector<16xi32>
              %ge3A_687 = arith.constant 2 : i32
              %ge3A_688 = vector.broadcast %ge3A_687 : i32 to vector<16xi32>
              %ge3A_689 = arith.cmpi sge, %iota3A, %ge3A_688 : vector<16xi32>
              %jit3A_690 = arith.constant 0 : i32
              %broadcast_in_dim3A_691 = vector.broadcast %jit3A_690 : i32 to vector<16xi32>
              %select_n3A_692 = arith.select %ge3A_689, %gather3A_686, %broadcast_in_dim3A_691 : vector<16xi1>, vector<16xi32>
              %add3A_693 = arith.addi %add3A_677, %select_n3A_692 : vector<16xi32>
              %sub3A_694 = arith.constant 4 : i32
              %sub3A_695 = vector.broadcast %sub3A_694 : i32 to vector<16xi32>
              %sub3A_696 = arith.subi %iota3A, %sub3A_695 : vector<16xi32>
              %max3A_697 = arith.constant 0 : i32
              %max3A_698 = vector.broadcast %max3A_697 : i32 to vector<16xi32>
              %max3A_699 = arith.maxsi %sub3A_696, %max3A_698 : vector<16xi32>
              %reshape3A_700 = vector.shape_cast %max3A_699 : vector<16xi32> to vector<16x1xi32>
              %gather3A_701 = vector.shape_cast %reshape3A_700 : vector<16x1xi32> to vector<16xi32>
              %gather3A_702 = tpu.dynamic_gather %add3A_693[%gather3A_701] in [0] : vector<16xi32>, vector<16xi32> -> vector<16xi32>
              %ge3A_703 = arith.constant 4 : i32
              %ge3A_704 = vector.broadcast %ge3A_703 : i32 to vector<16xi32>
              %ge3A_705 = arith.cmpi sge, %iota3A, %ge3A_704 : vector<16xi32>
              %jit3A_706 = arith.constant 0 : i32
              %broadcast_in_dim3A_707 = vector.broadcast %jit3A_706 : i32 to vector<16xi32>
              %select_n3A_708 = arith.select %ge3A_705, %gather3A_702, %broadcast_in_dim3A_707 : vector<16xi1>, vector<16xi32>
              %add3A_709 = arith.addi %add3A_693, %select_n3A_708 : vector<16xi32>
              %sub3A_710 = arith.constant 8 : i32
              %sub3A_711 = vector.broadcast %sub3A_710 : i32 to vector<16xi32>
              %sub3A_712 = arith.subi %iota3A, %sub3A_711 : vector<16xi32>
              %max3A_713 = arith.constant 0 : i32
              %max3A_714 = vector.broadcast %max3A_713 : i32 to vector<16xi32>
              %max3A_715 = arith.maxsi %sub3A_712, %max3A_714 : vector<16xi32>
              %reshape3A_716 = vector.shape_cast %max3A_715 : vector<16xi32> to vector<16x1xi32>
              %gather3A_717 = vector.shape_cast %reshape3A_716 : vector<16x1xi32> to vector<16xi32>
              %gather3A_718 = tpu.dynamic_gather %add3A_709[%gather3A_717] in [0] : vector<16xi32>, vector<16xi32> -> vector<16xi32>
              %ge3A_719 = arith.constant 8 : i32
              %ge3A_720 = vector.broadcast %ge3A_719 : i32 to vector<16xi32>
              %ge3A_721 = arith.cmpi sge, %iota3A, %ge3A_720 : vector<16xi32>
              %jit3A_722 = arith.constant 0 : i32
              %broadcast_in_dim3A_723 = vector.broadcast %jit3A_722 : i32 to vector<16xi32>
              %select_n3A_724 = arith.select %ge3A_721, %gather3A_718, %broadcast_in_dim3A_723 : vector<16xi1>, vector<16xi32>
              %add3A_725 = arith.addi %add3A_709, %select_n3A_724 : vector<16xi32>
              %sub3A_726 = arith.subi %add3A_725, %select_n3A_661 : vector<16xi32>
              %broadcast_in_dim3A_727 = arith.constant 15 : i32
              %broadcast_in_dim3A_728 = vector.broadcast %broadcast_in_dim3A_727 : i32 to vector<16xi32>
              %reshape3A_729 = vector.shape_cast %broadcast_in_dim3A_728 : vector<16xi32> to vector<16x1xi32>
              %gather3A_730 = vector.shape_cast %reshape3A_729 : vector<16x1xi32> to vector<16xi32>
              %gather3A_731 = tpu.dynamic_gather %add3A_725[%gather3A_730] in [0] : vector<16xi32>, vector<16xi32> -> vector<16xi32>
              %slice3A_732 = vector.extract_strided_slice %gather3A_731 {offsets = [0], sizes = [1], strides = [1]} : vector<16xi32> to vector<1xi32>
              %squeeze3A_733 = vector.extract %slice3A_732[0] : i32 from vector<1xi32>
              %broadcast_in_dim3A_734 = vector.broadcast %while3A_647 : i32 to vector<16xi32>
              %add3A_735 = arith.addi %broadcast_in_dim3A_734, %sub3A_726 : vector<16xi32>
              %broadcast_in_dim3A_736 = arith.constant 127 : i32
              %broadcast_in_dim3A_737 = vector.broadcast %broadcast_in_dim3A_736 : i32 to vector<16xi32>
              %select_n3A_738 = arith.select %lt3A_654, %add3A_735, %broadcast_in_dim3A_737 : vector<16xi1>, vector<16xi32>
              %broadcast_in_dim3A_739 = arith.constant 100000 : i32
              %broadcast_in_dim3A_740 = vector.broadcast %broadcast_in_dim3A_739 : i32 to vector<16xi32>
              %select_n3A_741 = arith.select %lt3A_654, %add3A_652, %broadcast_in_dim3A_740 : vector<16xi1>, vector<16xi32>
              tpu.vector_store_idx %arg7[%select_n3A_738], %select_n3A_741 : memref<128xi32, #tpu.memory_space<vmem>>[vector<16xi32>], vector<16xi32>,
              tpu.vector_store_idx %arg8[%select_n3A_738], %broadcast_in_dim3A_656 : memref<128xi32, #tpu.memory_space<vmem>>[vector<16xi32>], vector<16xi32>,
              %add3A_742 = arith.addi %while3A_647, %squeeze3A_733 : i32
              %gt3A_743 = arith.constant 112 : i32
              %gt3A_744 = arith.cmpi sgt, %add3A_742, %gt3A_743 : i32
              %convert_element_type3A_745 = arith.extui %gt3A_744 : i1 to i32
              %cond3A_746 = arith.constant 0 : i32
              %cond3A_747 = arith.cmpi ne, %convert_element_type3A_745, %cond3A_746 : i32
              scf.if %cond3A_747 {
                "tpu.region"() ({
                  %run_scoped3A = tpu.sem_alloc : memref<!tpu.dma_semaphore, #tpu.memory_space<semaphore_mem>>
                  %dma_start3A = arith.constant 0 : i32
                  %dma_start3A_782 = tpu.memref_slice %arg4[%dma_start3A] : memref<100016xi32, #tpu.memory_space<hbm>> -> memref<100016xi32, #tpu.memory_space<hbm>>
                  tpu.enqueue_indirect_dma source(%arg8 : memref<128xi32, #tpu.memory_space<vmem>>) target(%dma_start3A_782 : memref<100016xi32, #tpu.memory_space<hbm>>) offsets(%arg7 : memref<128xi32, #tpu.memory_space<vmem>>) semaphore(%run_scoped3A : memref<!tpu.dma_semaphore, #tpu.memory_space<semaphore_mem>>)
                  %dma_wait3A = arith.constant 0 : i32
                  %dma_wait3A_783 = tpu.memref_slice %arg4[%dma_wait3A] : memref<100016xi32, #tpu.memory_space<hbm>> -> memref<100016xi32, #tpu.memory_space<hbm>>
                  tpu.wait_indirect_dma semaphore(%run_scoped3A : memref<!tpu.dma_semaphore, #tpu.memory_space<semaphore_mem>>) src(%arg8 : memref<128xi32, #tpu.memory_space<vmem>>) dst(%dma_wait3A_783 : memref<100016xi32, #tpu.memory_space<hbm>>)
                  tpu.yield
                }) : () -> ()
                %broadcast_in_dim3A_750 = arith.constant 100000 : i32
                %broadcast_in_dim3A_751 = vector.broadcast %broadcast_in_dim3A_750 : i32 to vector<16xi32>
                %swap3A_752 = arith.constant 0 : index
                %swap3A_753 = tpu.vector_load %arg7[%swap3A_752] {strides = array<i32>} : memref<128xi32, #tpu.memory_space<vmem>>, vector<16xi32>,
                tpu.vector_store %arg7[%swap3A_752], %broadcast_in_dim3A_751 {strides = array<i32>} : memref<128xi32, #tpu.memory_space<vmem>>, vector<16xi32>,
                %broadcast_in_dim3A_754 = arith.constant 100000 : i32
                %broadcast_in_dim3A_755 = vector.broadcast %broadcast_in_dim3A_754 : i32 to vector<16xi32>
                %swap3A_756 = arith.constant 16 : index
                %swap3A_757 = tpu.vector_load %arg7[%swap3A_756] {strides = array<i32>} : memref<128xi32, #tpu.memory_space<vmem>>, vector<16xi32>,
                tpu.vector_store %arg7[%swap3A_756], %broadcast_in_dim3A_755 {strides = array<i32>} : memref<128xi32, #tpu.memory_space<vmem>>, vector<16xi32>,
                %broadcast_in_dim3A_758 = arith.constant 100000 : i32
                %broadcast_in_dim3A_759 = vector.broadcast %broadcast_in_dim3A_758 : i32 to vector<16xi32>
                %swap3A_760 = arith.constant 32 : index
                %swap3A_761 = tpu.vector_load %arg7[%swap3A_760] {strides = array<i32>} : memref<128xi32, #tpu.memory_space<vmem>>, vector<16xi32>,
                tpu.vector_store %arg7[%swap3A_760], %broadcast_in_dim3A_759 {strides = array<i32>} : memref<128xi32, #tpu.memory_space<vmem>>, vector<16xi32>,
                %broadcast_in_dim3A_762 = arith.constant 100000 : i32
                %broadcast_in_dim3A_763 = vector.broadcast %broadcast_in_dim3A_762 : i32 to vector<16xi32>
                %swap3A_764 = arith.constant 48 : index
                %swap3A_765 = tpu.vector_load %arg7[%swap3A_764] {strides = array<i32>} : memref<128xi32, #tpu.memory_space<vmem>>, vector<16xi32>,
                tpu.vector_store %arg7[%swap3A_764], %broadcast_in_dim3A_763 {strides = array<i32>} : memref<128xi32, #tpu.memory_space<vmem>>, vector<16xi32>,
                %broadcast_in_dim3A_766 = arith.constant 100000 : i32
                %broadcast_in_dim3A_767 = vector.broadcast %broadcast_in_dim3A_766 : i32 to vector<16xi32>
                %swap3A_768 = arith.constant 64 : index
                %swap3A_769 = tpu.vector_load %arg7[%swap3A_768] {strides = array<i32>} : memref<128xi32, #tpu.memory_space<vmem>>, vector<16xi32>,
                tpu.vector_store %arg7[%swap3A_768], %broadcast_in_dim3A_767 {strides = array<i32>} : memref<128xi32, #tpu.memory_space<vmem>>, vector<16xi32>,
                %broadcast_in_dim3A_770 = arith.constant 100000 : i32
                %broadcast_in_dim3A_771 = vector.broadcast %broadcast_in_dim3A_770 : i32 to vector<16xi32>
                %swap3A_772 = arith.constant 80 : index
                %swap3A_773 = tpu.vector_load %arg7[%swap3A_772] {strides = array<i32>} : memref<128xi32, #tpu.memory_space<vmem>>, vector<16xi32>,
                tpu.vector_store %arg7[%swap3A_772], %broadcast_in_dim3A_771 {strides = array<i32>} : memref<128xi32, #tpu.memory_space<vmem>>, vector<16xi32>,
                %broadcast_in_dim3A_774 = arith.constant 100000 : i32
                %broadcast_in_dim3A_775 = vector.broadcast %broadcast_in_dim3A_774 : i32 to vector<16xi32>
                %swap3A_776 = arith.constant 96 : index
                %swap3A_777 = tpu.vector_load %arg7[%swap3A_776] {strides = array<i32>} : memref<128xi32, #tpu.memory_space<vmem>>, vector<16xi32>,
                tpu.vector_store %arg7[%swap3A_776], %broadcast_in_dim3A_775 {strides = array<i32>} : memref<128xi32, #tpu.memory_space<vmem>>, vector<16xi32>,
                %broadcast_in_dim3A_778 = arith.constant 100000 : i32
                %broadcast_in_dim3A_779 = vector.broadcast %broadcast_in_dim3A_778 : i32 to vector<16xi32>
                %swap3A_780 = arith.constant 112 : index
                %swap3A_781 = tpu.vector_load %arg7[%swap3A_780] {strides = array<i32>} : memref<128xi32, #tpu.memory_space<vmem>>, vector<16xi32>,
                tpu.vector_store %arg7[%swap3A_780], %broadcast_in_dim3A_779 {strides = array<i32>} : memref<128xi32, #tpu.memory_space<vmem>>, vector<16xi32>,
              } else {
              }
              %jit3A_748 = arith.constant 0 : i32
              %select_n3A_749 = arith.select %gt3A_744, %jit3A_748, %add3A_742 : i32
              scf.yield %select_n3A_749 : i32
            }
            scf.yield %while3A_645 : i32
          } else {
            scf.yield %scan3A_604 : i32
          }
          scf.yield %cond3A_630 : i32
        }
        %scan3A_602 = arith.constant 16 : i32
        scf.yield %scan3A_601 : i32
      } else {
        scf.yield %select_n3A_456 : i32
      }
      %jit3A_550 = arith.constant 1 : i32
      %jit3A_551 = arith.constant 0 : i32
      %broadcast_in_dim3A_552 = vector.broadcast %jit3A_550 : i32 to vector<16xi32>
      %broadcast_in_dim3A_553 = vector.broadcast %jit3A_551 : i32 to vector<16xi32>
      %select_n3A_554 = arith.select %ne3A, %broadcast_in_dim3A_552, %broadcast_in_dim3A_553 : vector<16xi1>, vector<16xi32>
      %broadcast_in_dim3A_555 = arith.constant 15 : i32
      %broadcast_in_dim3A_556 = vector.broadcast %broadcast_in_dim3A_555 : i32 to vector<16xi32>
      %reshape3A_557 = vector.shape_cast %broadcast_in_dim3A_556 : vector<16xi32> to vector<16x1xi32>
      %gather3A_558 = vector.shape_cast %reshape3A_557 : vector<16x1xi32> to vector<16xi32>
      %gather3A_559 = tpu.dynamic_gather %select_n3A_554[%gather3A_558] in [0] : vector<16xi32>, vector<16xi32> -> vector<16xi32>
      %eq3A_560 = arith.constant 0 : i32
      %eq3A_561 = vector.broadcast %eq3A_560 : i32 to vector<16xi32>
      %eq3A_562 = arith.cmpi eq, %gather3A_559, %eq3A_561 : vector<16xi32>
      %broadcast_in_dim3A_563 = arith.constant 15 : i32
      %broadcast_in_dim3A_564 = vector.broadcast %broadcast_in_dim3A_563 : i32 to vector<16xi32>
      %reshape3A_565 = vector.shape_cast %broadcast_in_dim3A_564 : vector<16xi32> to vector<16x1xi32>
      %gather3A_566 = vector.shape_cast %reshape3A_565 : vector<16x1xi32> to vector<16xi32>
      %gather3A_567 = tpu.dynamic_gather %get3A_133[%gather3A_566] in [0] : vector<16xi32>, vector<16xi32> -> vector<16xi32>
      %broadcast_in_dim3A_568 = arith.constant -1 : i32
      %broadcast_in_dim3A_569 = vector.broadcast %broadcast_in_dim3A_568 : i32 to vector<16xi32>
      %select_n3A_570 = arith.select %eq3A_562, %gather3A_567, %broadcast_in_dim3A_569 : vector<16xi1>, vector<16xi32>
      %broadcast_in_dim3A_571 = arith.constant 15 : i32
      %broadcast_in_dim3A_572 = vector.broadcast %broadcast_in_dim3A_571 : i32 to vector<16xi32>
      %reshape3A_573 = vector.shape_cast %broadcast_in_dim3A_572 : vector<16xi32> to vector<16x1xi32>
      %gather3A_574 = vector.shape_cast %reshape3A_573 : vector<16x1xi32> to vector<16xi32>
      %gather3A_575 = tpu.dynamic_gather %select_n3A_356[%gather3A_574] in [0] : vector<16xf32>, vector<16xi32> -> vector<16xf32>
      %broadcast_in_dim3A_576 = arith.constant 0.000000e+00 : f32
      %broadcast_in_dim3A_577 = vector.broadcast %broadcast_in_dim3A_576 : f32 to vector<16xf32>
      %select_n3A_578 = arith.select %eq3A_562, %gather3A_575, %broadcast_in_dim3A_577 : vector<16xi1>, vector<16xf32>
      %broadcast_in_dim3A_579 = arith.constant 15 : i32
      %broadcast_in_dim3A_580 = vector.broadcast %broadcast_in_dim3A_579 : i32 to vector<16xi32>
      %reshape3A_581 = vector.shape_cast %broadcast_in_dim3A_580 : vector<16xi32> to vector<16x1xi32>
      %gather3A_582 = vector.shape_cast %reshape3A_581 : vector<16x1xi32> to vector<16xi32>
      %gather3A_583 = tpu.dynamic_gather %select_n3A_357[%gather3A_582] in [0] : vector<16xi32>, vector<16xi32> -> vector<16xi32>
      %broadcast_in_dim3A_584 = arith.constant 0 : i32
      %broadcast_in_dim3A_585 = vector.broadcast %broadcast_in_dim3A_584 : i32 to vector<16xi32>
      %select_n3A_586 = arith.select %eq3A_562, %gather3A_583, %broadcast_in_dim3A_585 : vector<16xi1>, vector<16xi32>
      %broadcast_in_dim3A_587 = arith.constant 15 : i32
      %broadcast_in_dim3A_588 = vector.broadcast %broadcast_in_dim3A_587 : i32 to vector<16xi32>
      %reshape3A_589 = vector.shape_cast %broadcast_in_dim3A_588 : vector<16xi32> to vector<16x1xi32>
      %gather3A_590 = vector.shape_cast %reshape3A_589 : vector<16x1xi32> to vector<16xi32>
      %gather3A_591 = tpu.dynamic_gather %select_n3A_359[%gather3A_590] in [0] : vector<16xi32>, vector<16xi32> -> vector<16xi32>
      %broadcast_in_dim3A_592 = arith.constant 1600000 : i32
      %broadcast_in_dim3A_593 = vector.broadcast %broadcast_in_dim3A_592 : i32 to vector<16xi32>
      %select_n3A_594 = arith.select %eq3A_562, %gather3A_591, %broadcast_in_dim3A_593 : vector<16xi1>, vector<16xi32>
      %slice3A_595 = vector.extract_strided_slice %select_n3A_594 {offsets = [0], sizes = [1], strides = [1]} : vector<16xi32> to vector<1xi32>
      %squeeze3A_596 = vector.extract %slice3A_595[0] : i32 from vector<1xi32>
      scf.yield %cond3A_549, %select_n3A_570, %select_n3A_578, %select_n3A_586, %select_n3A_594, %squeeze3A_596 : i32, vector<16xi32>, vector<16xf32>, vector<16xi32>, vector<16xi32>, i32
    }
    %scan3A_84 = arith.constant 3125 : i32
    %scan3A_85 = arith.constant 1 : i32
    %while3A:7 = scf.while (%while3A_118 = %scan3A_83#0, %while3A_119 = %scan3A_83#1, %while3A_120 = %scan3A_83#2, %while3A_121 = %scan3A_83#3, %while3A_122 = %scan3A_83#4, %while3A_123 = %scan3A_83#5, %while3A_124 = %add3A_4) : (i32, vector<16xi32>, vector<16xf32>, vector<16xi32>, vector<16xi32>, i32, i32) -> (i32, vector<16xi32>, vector<16xf32>, vector<16xi32>, vector<16xi32>, i32, i32) {
      %ge3A = arith.cmpi sge, %while3A_123, %mul3A_2 : i32
      %lt3A_125 = arith.cmpi slt, %while3A_123, %add3A_4 : i32
      %and3A_126 = arith.andi %ge3A, %lt3A_125 : i1
      scf.condition(%and3A_126) %while3A_118, %while3A_119, %while3A_120, %while3A_121, %while3A_122, %while3A_123, %while3A_124 : i32, vector<16xi32>, vector<16xf32>, vector<16xi32>, vector<16xi32>, i32, i32
    } do {
    ^bb0(%while3A_118: i32, %while3A_119: vector<16xi32>, %while3A_120: vector<16xf32>, %while3A_121: vector<16xi32>, %while3A_122: vector<16xi32>, %while3A_123: i32, %while3A_124: i32):
      %multiple_of3A_125 = tpu.assume_multiple %while3A_124, 16 : i32
      "tpu.region"() ({
        %run_scoped3A = tpu.sem_alloc : memref<!tpu.dma_semaphore, #tpu.memory_space<semaphore_mem>>
        %dma_start3A = arith.constant 0 : i32
        %dma_start3A_610 = tpu.memref_slice %arg5[%dma_start3A] : memref<50000xf32, #tpu.memory_space<vmem>> -> memref<16xf32, #tpu.memory_space<vmem>>
        %dma_start3A_611 = tpu.memref_slice %arg2[%multiple_of3A_125] : memref<1600000xf32, #tpu.memory_space<hbm>> -> memref<16xf32, #tpu.memory_space<hbm>>
        %dma_start3A_612 = arith.constant 0 : i32
        %dma_start3A_613 = tpu.memref_slice %arg5[%dma_start3A_612] : memref<50000xf32, #tpu.memory_space<vmem>> -> memref<16xf32, #tpu.memory_space<vmem>>
        %dma_start3A_614 = tpu.memref_slice %arg2[%multiple_of3A_125] : memref<1600000xf32, #tpu.memory_space<hbm>> -> memref<16xf32, #tpu.memory_space<hbm>>
        tpu.enqueue_dma source(%dma_start3A_614 : memref<16xf32, #tpu.memory_space<hbm>>) target(%dma_start3A_613 : memref<16xf32, #tpu.memory_space<vmem>>) target_semaphore(%run_scoped3A : memref<!tpu.dma_semaphore, #tpu.memory_space<semaphore_mem>>)
        %dma_wait3A = arith.constant 0 : i32
        %dma_wait3A_615 = tpu.memref_slice %arg5[%dma_wait3A] : memref<50000xf32, #tpu.memory_space<vmem>> -> memref<16xf32, #tpu.memory_space<vmem>>
        %dma_wait3A_616 = tpu.memref_slice %arg2[%multiple_of3A_125] : memref<1600000xf32, #tpu.memory_space<hbm>> -> memref<16xf32, #tpu.memory_space<hbm>>
        %dma_wait3A_617 = arith.constant 0 : i32
        %dma_wait3A_618 = tpu.memref_slice %arg5[%dma_wait3A_617] : memref<50000xf32, #tpu.memory_space<vmem>> -> memref<16xf32, #tpu.memory_space<vmem>>
        %dma_wait3A_619 = tpu.memref_slice %arg2[%multiple_of3A_125] : memref<1600000xf32, #tpu.memory_space<hbm>> -> memref<16xf32, #tpu.memory_space<hbm>>
        tpu.wait_dma2 semaphore(%run_scoped3A : memref<!tpu.dma_semaphore, #tpu.memory_space<semaphore_mem>>) src(%dma_wait3A_619 : memref<16xf32, #tpu.memory_space<hbm>>) dst(%dma_wait3A_618 : memref<16xf32, #tpu.memory_space<vmem>>)
        tpu.yield
      }) : () -> ()
      "tpu.region"() ({
        %run_scoped3A = tpu.sem_alloc : memref<!tpu.dma_semaphore, #tpu.memory_space<semaphore_mem>>
        %dma_start3A = arith.constant 0 : i32
        %dma_start3A_610 = tpu.memref_slice %arg6[%dma_start3A] : memref<50016xi32, #tpu.memory_space<vmem>> -> memref<16xi32, #tpu.memory_space<vmem>>
        %dma_start3A_611 = tpu.memref_slice %arg3[%multiple_of3A_125] : memref<1600000xi32, #tpu.memory_space<hbm>> -> memref<16xi32, #tpu.memory_space<hbm>>
        %dma_start3A_612 = arith.constant 0 : i32
        %dma_start3A_613 = tpu.memref_slice %arg6[%dma_start3A_612] : memref<50016xi32, #tpu.memory_space<vmem>> -> memref<16xi32, #tpu.memory_space<vmem>>
        %dma_start3A_614 = tpu.memref_slice %arg3[%multiple_of3A_125] : memref<1600000xi32, #tpu.memory_space<hbm>> -> memref<16xi32, #tpu.memory_space<hbm>>
        tpu.enqueue_dma source(%dma_start3A_614 : memref<16xi32, #tpu.memory_space<hbm>>) target(%dma_start3A_613 : memref<16xi32, #tpu.memory_space<vmem>>) target_semaphore(%run_scoped3A : memref<!tpu.dma_semaphore, #tpu.memory_space<semaphore_mem>>)
        %dma_wait3A = arith.constant 0 : i32
        %dma_wait3A_615 = tpu.memref_slice %arg6[%dma_wait3A] : memref<50016xi32, #tpu.memory_space<vmem>> -> memref<16xi32, #tpu.memory_space<vmem>>
        %dma_wait3A_616 = tpu.memref_slice %arg3[%multiple_of3A_125] : memref<1600000xi32, #tpu.memory_space<hbm>> -> memref<16xi32, #tpu.memory_space<hbm>>
        %dma_wait3A_617 = arith.constant 0 : i32
        %dma_wait3A_618 = tpu.memref_slice %arg6[%dma_wait3A_617] : memref<50016xi32, #tpu.memory_space<vmem>> -> memref<16xi32, #tpu.memory_space<vmem>>
        %dma_wait3A_619 = tpu.memref_slice %arg3[%multiple_of3A_125] : memref<1600000xi32, #tpu.memory_space<hbm>> -> memref<16xi32, #tpu.memory_space<hbm>>
        tpu.wait_dma2 semaphore(%run_scoped3A : memref<!tpu.dma_semaphore, #tpu.memory_space<semaphore_mem>>) src(%dma_wait3A_619 : memref<16xi32, #tpu.memory_space<hbm>>) dst(%dma_wait3A_618 : memref<16xi32, #tpu.memory_space<vmem>>)
        tpu.yield
      }) : () -> ()
      %add3A_126 = arith.constant 16 : i32
      %add3A_127 = arith.addi %multiple_of3A_125, %add3A_126 : i32
      %lt3A_128 = arith.constant 1600000 : i32
      %lt3A_129 = arith.cmpi slt, %add3A_127, %lt3A_128 : i32
      %convert_element_type3A_130 = arith.extui %lt3A_129 : i1 to i32
      %cond3A_131 = arith.constant 0 : i32
      %cond3A_132 = arith.cmpi ne, %convert_element_type3A_130, %cond3A_131 : i32
      scf.if %cond3A_132 {
        %add3A_610 = arith.constant 16 : i32
        %add3A_611 = arith.addi %multiple_of3A_125, %add3A_610 : i32
        %multiple_of3A_612 = tpu.assume_multiple %add3A_611, 16 : i32
        "tpu.region"() ({
          %run_scoped3A = tpu.sem_alloc : memref<!tpu.dma_semaphore, #tpu.memory_space<semaphore_mem>>
          %dma_start3A = arith.constant 16 : i32
          %dma_start3A_613 = tpu.memref_slice %arg6[%dma_start3A] : memref<50016xi32, #tpu.memory_space<vmem>> -> memref<16xi32, #tpu.memory_space<vmem>>
          %dma_start3A_614 = tpu.memref_slice %arg3[%multiple_of3A_612] : memref<1600000xi32, #tpu.memory_space<hbm>> -> memref<16xi32, #tpu.memory_space<hbm>>
          %dma_start3A_615 = arith.constant 16 : i32
          %dma_start3A_616 = tpu.memref_slice %arg6[%dma_start3A_615] : memref<50016xi32, #tpu.memory_space<vmem>> -> memref<16xi32, #tpu.memory_space<vmem>>
          %dma_start3A_617 = tpu.memref_slice %arg3[%multiple_of3A_612] : memref<1600000xi32, #tpu.memory_space<hbm>> -> memref<16xi32, #tpu.memory_space<hbm>>
          tpu.enqueue_dma source(%dma_start3A_617 : memref<16xi32, #tpu.memory_space<hbm>>) target(%dma_start3A_616 : memref<16xi32, #tpu.memory_space<vmem>>) target_semaphore(%run_scoped3A : memref<!tpu.dma_semaphore, #tpu.memory_space<semaphore_mem>>)
          %dma_wait3A = arith.constant 16 : i32
          %dma_wait3A_618 = tpu.memref_slice %arg6[%dma_wait3A] : memref<50016xi32, #tpu.memory_space<vmem>> -> memref<16xi32, #tpu.memory_space<vmem>>
          %dma_wait3A_619 = tpu.memref_slice %arg3[%multiple_of3A_612] : memref<1600000xi32, #tpu.memory_space<hbm>> -> memref<16xi32, #tpu.memory_space<hbm>>
          %dma_wait3A_620 = arith.constant 16 : i32
          %dma_wait3A_621 = tpu.memref_slice %arg6[%dma_wait3A_620] : memref<50016xi32, #tpu.memory_space<vmem>> -> memref<16xi32, #tpu.memory_space<vmem>>
          %dma_wait3A_622 = tpu.memref_slice %arg3[%multiple_of3A_612] : memref<1600000xi32, #tpu.memory_space<hbm>> -> memref<16xi32, #tpu.memory_space<hbm>>
          tpu.wait_dma2 semaphore(%run_scoped3A : memref<!tpu.dma_semaphore, #tpu.memory_space<semaphore_mem>>) src(%dma_wait3A_622 : memref<16xi32, #tpu.memory_space<hbm>>) dst(%dma_wait3A_621 : memref<16xi32, #tpu.memory_space<vmem>>)
          tpu.yield
        }) : () -> ()
      } else {
      }
      %add3A_133 = arith.constant 16 : i32
      %add3A_134 = arith.addi %multiple_of3A_125, %add3A_133 : i32
      %eq3A_135 = arith.constant 1600000 : i32
      %eq3A_136 = arith.cmpi eq, %add3A_134, %eq3A_135 : i32
      %convert_element_type3A_137 = arith.extui %eq3A_136 : i1 to i32
      %cond3A_138 = arith.constant 0 : i32
      %cond3A_139 = arith.cmpi ne, %convert_element_type3A_137, %cond3A_138 : i32
      scf.if %cond3A_139 {
        %broadcast_in_dim3A_610 = arith.constant 100000 : i32
        %broadcast_in_dim3A_611 = vector.broadcast %broadcast_in_dim3A_610 : i32 to vector<16xi32>
        %swap3A_612 = arith.constant 16 : index
        %swap3A_613 = tpu.vector_load %arg6[%swap3A_612] {strides = array<i32>} : memref<50016xi32, #tpu.memory_space<vmem>>, vector<16xi32>,
        tpu.vector_store %arg6[%swap3A_612], %broadcast_in_dim3A_611 {strides = array<i32>} : memref<50016xi32, #tpu.memory_space<vmem>>, vector<16xi32>,
      } else {
      }
      %get3A_140 = arith.constant 0 : index
      %get3A_141 = tpu.vector_load %arg5[%get3A_140] {strides = array<i32>} : memref<50000xf32, #tpu.memory_space<vmem>>, vector<16xf32>,
      %get3A_142 = arith.constant 0 : index
      %get3A_143 = tpu.vector_load %arg6[%get3A_142] {strides = array<i32>} : memref<50016xi32, #tpu.memory_space<vmem>>, vector<16xi32>,
      %broadcast_in_dim3A_144 = arith.constant 0 : i32
      %broadcast_in_dim3A_145 = vector.broadcast %broadcast_in_dim3A_144 : i32 to vector<16xi32>
      %add3A_146 = arith.addi %broadcast_in_dim3A_145, %iota3A : vector<16xi32>
      %add3A_147 = arith.constant 1 : i32
      %add3A_148 = vector.broadcast %add3A_147 : i32 to vector<16xi32>
      %add3A_149 = arith.addi %add3A_146, %add3A_148 : vector<16xi32>
      %gather3A_150 = tpu.vector_load_idx %arg6[%add3A_149] : memref<50016xi32, #tpu.memory_space<vmem>>[vector<16xi32>], vector<16xi32>,
      %broadcast_in_dim3A_151 = vector.broadcast %multiple_of3A_125 : i32 to vector<16xi32>
      %add3A_152 = arith.addi %broadcast_in_dim3A_151, %iota3A : vector<16xi32>
      %sub3A_153 = arith.constant 1 : i32
      %sub3A_154 = vector.broadcast %sub3A_153 : i32 to vector<16xi32>
      %sub3A_155 = arith.subi %iota3A, %sub3A_154 : vector<16xi32>
      %max3A = arith.constant 0 : i32
      %max3A_156 = vector.broadcast %max3A : i32 to vector<16xi32>
      %max3A_157 = arith.maxsi %sub3A_155, %max3A_156 : vector<16xi32>
      %reshape3A_158 = vector.shape_cast %max3A_157 : vector<16xi32> to vector<16x1xi32>
      %gather3A_159 = vector.shape_cast %reshape3A_158 : vector<16x1xi32> to vector<16xi32>
      %gather3A_160 = tpu.dynamic_gather %get3A_143[%gather3A_159] in [0] : vector<16xi32>, vector<16xi32> -> vector<16xi32>
      %sub3A_161 = arith.constant 1 : i32
      %sub3A_162 = vector.broadcast %sub3A_161 : i32 to vector<16xi32>
      %sub3A_163 = arith.subi %iota3A, %sub3A_162 : vector<16xi32>
      %max3A_164 = arith.constant 0 : i32
      %max3A_165 = vector.broadcast %max3A_164 : i32 to vector<16xi32>
      %max3A_166 = arith.maxsi %sub3A_163, %max3A_165 : vector<16xi32>
      %reshape3A_167 = vector.shape_cast %max3A_166 : vector<16xi32> to vector<16x1xi32>
      %gather3A_168 = vector.shape_cast %reshape3A_167 : vector<16x1xi32> to vector<16xi32>
      %gather3A_169 = tpu.dynamic_gather %get3A_141[%gather3A_168] in [0] : vector<16xf32>, vector<16xi32> -> vector<16xf32>
      %sub3A_170 = arith.constant 1 : i32
      %sub3A_171 = vector.broadcast %sub3A_170 : i32 to vector<16xi32>
      %sub3A_172 = arith.subi %iota3A, %sub3A_171 : vector<16xi32>
      %max3A_173 = arith.constant 0 : i32
      %max3A_174 = vector.broadcast %max3A_173 : i32 to vector<16xi32>
      %max3A_175 = arith.maxsi %sub3A_172, %max3A_174 : vector<16xi32>
      %reshape3A_176 = vector.shape_cast %max3A_175 : vector<16xi32> to vector<16x1xi32>
      %gather3A_177 = vector.shape_cast %reshape3A_176 : vector<16x1xi32> to vector<16xi32>
      %gather3A_178 = tpu.dynamic_gather %add3A_152[%gather3A_177] in [0] : vector<16xi32>, vector<16xi32> -> vector<16xi32>
      %sub3A_179 = arith.constant 1 : i32
      %sub3A_180 = vector.broadcast %sub3A_179 : i32 to vector<16xi32>
      %sub3A_181 = arith.subi %iota3A, %sub3A_180 : vector<16xi32>
      %max3A_182 = arith.constant 0 : i32
      %max3A_183 = vector.broadcast %max3A_182 : i32 to vector<16xi32>
      %max3A_184 = arith.maxsi %sub3A_181, %max3A_183 : vector<16xi32>
      %reshape3A_185 = vector.shape_cast %max3A_184 : vector<16xi32> to vector<16x1xi32>
      %gather3A_186 = vector.shape_cast %reshape3A_185 : vector<16x1xi32> to vector<16xi32>
      %gather3A_187 = tpu.dynamic_gather %add3A_152[%gather3A_186] in [0] : vector<16xi32>, vector<16xi32> -> vector<16xi32>
      %ge3A = arith.constant 1 : i32
      %ge3A_188 = vector.broadcast %ge3A : i32 to vector<16xi32>
      %ge3A_189 = arith.cmpi sge, %iota3A, %ge3A_188 : vector<16xi32>
      %eq3A_190 = arith.cmpi eq, %gather3A_160, %get3A_143 : vector<16xi32>
      %and3A_191 = arith.andi %ge3A_189, %eq3A_190 : vector<16xi1>
      %gt3A_192 = arith.cmpf ogt, %gather3A_169, %get3A_141 : vector<16xf32>
      %eq3A_193 = arith.cmpf oeq, %gather3A_169, %get3A_141 : vector<16xf32>
      %lt3A_194 = arith.cmpi slt, %gather3A_178, %add3A_152 : vector<16xi32>
      %and3A_195 = arith.andi %eq3A_193, %lt3A_194 : vector<16xi1>
      %or3A = arith.ori %gt3A_192, %and3A_195 : vector<16xi1>
      %and3A_196 = arith.andi %and3A_191, %or3A : vector<16xi1>
      %select_n3A_197 = arith.select %and3A_196, %gather3A_169, %get3A_141 : vector<16xi1>, vector<16xf32>
      %select_n3A_198 = arith.select %and3A_196, %gather3A_178, %add3A_152 : vector<16xi1>, vector<16xi32>
      %min3A = arith.minsi %gather3A_187, %add3A_152 : vector<16xi32>
      %select_n3A_199 = arith.select %and3A_191, %min3A, %add3A_152 : vector<16xi1>, vector<16xi32>
      %sub3A_200 = arith.constant 2 : i32
      %sub3A_201 = vector.broadcast %sub3A_200 : i32 to vector<16xi32>
      %sub3A_202 = arith.subi %iota3A, %sub3A_201 : vector<16xi32>
      %max3A_203 = arith.constant 0 : i32
      %max3A_204 = vector.broadcast %max3A_203 : i32 to vector<16xi32>
      %max3A_205 = arith.maxsi %sub3A_202, %max3A_204 : vector<16xi32>
      %reshape3A_206 = vector.shape_cast %max3A_205 : vector<16xi32> to vector<16x1xi32>
      %gather3A_207 = vector.shape_cast %reshape3A_206 : vector<16x1xi32> to vector<16xi32>
      %gather3A_208 = tpu.dynamic_gather %get3A_143[%gather3A_207] in [0] : vector<16xi32>, vector<16xi32> -> vector<16xi32>
      %sub3A_209 = arith.constant 2 : i32
      %sub3A_210 = vector.broadcast %sub3A_209 : i32 to vector<16xi32>
      %sub3A_211 = arith.subi %iota3A, %sub3A_210 : vector<16xi32>
      %max3A_212 = arith.constant 0 : i32
      %max3A_213 = vector.broadcast %max3A_212 : i32 to vector<16xi32>
      %max3A_214 = arith.maxsi %sub3A_211, %max3A_213 : vector<16xi32>
      %reshape3A_215 = vector.shape_cast %max3A_214 : vector<16xi32> to vector<16x1xi32>
      %gather3A_216 = vector.shape_cast %reshape3A_215 : vector<16x1xi32> to vector<16xi32>
      %gather3A_217 = tpu.dynamic_gather %select_n3A_197[%gather3A_216] in [0] : vector<16xf32>, vector<16xi32> -> vector<16xf32>
      %sub3A_218 = arith.constant 2 : i32
      %sub3A_219 = vector.broadcast %sub3A_218 : i32 to vector<16xi32>
      %sub3A_220 = arith.subi %iota3A, %sub3A_219 : vector<16xi32>
      %max3A_221 = arith.constant 0 : i32
      %max3A_222 = vector.broadcast %max3A_221 : i32 to vector<16xi32>
      %max3A_223 = arith.maxsi %sub3A_220, %max3A_222 : vector<16xi32>
      %reshape3A_224 = vector.shape_cast %max3A_223 : vector<16xi32> to vector<16x1xi32>
      %gather3A_225 = vector.shape_cast %reshape3A_224 : vector<16x1xi32> to vector<16xi32>
      %gather3A_226 = tpu.dynamic_gather %select_n3A_198[%gather3A_225] in [0] : vector<16xi32>, vector<16xi32> -> vector<16xi32>
      %sub3A_227 = arith.constant 2 : i32
      %sub3A_228 = vector.broadcast %sub3A_227 : i32 to vector<16xi32>
      %sub3A_229 = arith.subi %iota3A, %sub3A_228 : vector<16xi32>
      %max3A_230 = arith.constant 0 : i32
      %max3A_231 = vector.broadcast %max3A_230 : i32 to vector<16xi32>
      %max3A_232 = arith.maxsi %sub3A_229, %max3A_231 : vector<16xi32>
      %reshape3A_233 = vector.shape_cast %max3A_232 : vector<16xi32> to vector<16x1xi32>
      %gather3A_234 = vector.shape_cast %reshape3A_233 : vector<16x1xi32> to vector<16xi32>
      %gather3A_235 = tpu.dynamic_gather %select_n3A_199[%gather3A_234] in [0] : vector<16xi32>, vector<16xi32> -> vector<16xi32>
      %ge3A_236 = arith.constant 2 : i32
      %ge3A_237 = vector.broadcast %ge3A_236 : i32 to vector<16xi32>
      %ge3A_238 = arith.cmpi sge, %iota3A, %ge3A_237 : vector<16xi32>
      %eq3A_239 = arith.cmpi eq, %gather3A_208, %get3A_143 : vector<16xi32>
      %and3A_240 = arith.andi %ge3A_238, %eq3A_239 : vector<16xi1>
      %gt3A_241 = arith.cmpf ogt, %gather3A_217, %select_n3A_197 : vector<16xf32>
      %eq3A_242 = arith.cmpf oeq, %gather3A_217, %select_n3A_197 : vector<16xf32>
      %lt3A_243 = arith.cmpi slt, %gather3A_226, %select_n3A_198 : vector<16xi32>
      %and3A_244 = arith.andi %eq3A_242, %lt3A_243 : vector<16xi1>
      %or3A_245 = arith.ori %gt3A_241, %and3A_244 : vector<16xi1>
      %and3A_246 = arith.andi %and3A_240, %or3A_245 : vector<16xi1>
      %select_n3A_247 = arith.select %and3A_246, %gather3A_217, %select_n3A_197 : vector<16xi1>, vector<16xf32>
      %select_n3A_248 = arith.select %and3A_246, %gather3A_226, %select_n3A_198 : vector<16xi1>, vector<16xi32>
      %min3A_249 = arith.minsi %gather3A_235, %select_n3A_199 : vector<16xi32>
      %select_n3A_250 = arith.select %and3A_240, %min3A_249, %select_n3A_199 : vector<16xi1>, vector<16xi32>
      %sub3A_251 = arith.constant 4 : i32
      %sub3A_252 = vector.broadcast %sub3A_251 : i32 to vector<16xi32>
      %sub3A_253 = arith.subi %iota3A, %sub3A_252 : vector<16xi32>
      %max3A_254 = arith.constant 0 : i32
      %max3A_255 = vector.broadcast %max3A_254 : i32 to vector<16xi32>
      %max3A_256 = arith.maxsi %sub3A_253, %max3A_255 : vector<16xi32>
      %reshape3A_257 = vector.shape_cast %max3A_256 : vector<16xi32> to vector<16x1xi32>
      %gather3A_258 = vector.shape_cast %reshape3A_257 : vector<16x1xi32> to vector<16xi32>
      %gather3A_259 = tpu.dynamic_gather %get3A_143[%gather3A_258] in [0] : vector<16xi32>, vector<16xi32> -> vector<16xi32>
      %sub3A_260 = arith.constant 4 : i32
      %sub3A_261 = vector.broadcast %sub3A_260 : i32 to vector<16xi32>
      %sub3A_262 = arith.subi %iota3A, %sub3A_261 : vector<16xi32>
      %max3A_263 = arith.constant 0 : i32
      %max3A_264 = vector.broadcast %max3A_263 : i32 to vector<16xi32>
      %max3A_265 = arith.maxsi %sub3A_262, %max3A_264 : vector<16xi32>
      %reshape3A_266 = vector.shape_cast %max3A_265 : vector<16xi32> to vector<16x1xi32>
      %gather3A_267 = vector.shape_cast %reshape3A_266 : vector<16x1xi32> to vector<16xi32>
      %gather3A_268 = tpu.dynamic_gather %select_n3A_247[%gather3A_267] in [0] : vector<16xf32>, vector<16xi32> -> vector<16xf32>
      %sub3A_269 = arith.constant 4 : i32
      %sub3A_270 = vector.broadcast %sub3A_269 : i32 to vector<16xi32>
      %sub3A_271 = arith.subi %iota3A, %sub3A_270 : vector<16xi32>
      %max3A_272 = arith.constant 0 : i32
      %max3A_273 = vector.broadcast %max3A_272 : i32 to vector<16xi32>
      %max3A_274 = arith.maxsi %sub3A_271, %max3A_273 : vector<16xi32>
      %reshape3A_275 = vector.shape_cast %max3A_274 : vector<16xi32> to vector<16x1xi32>
      %gather3A_276 = vector.shape_cast %reshape3A_275 : vector<16x1xi32> to vector<16xi32>
      %gather3A_277 = tpu.dynamic_gather %select_n3A_248[%gather3A_276] in [0] : vector<16xi32>, vector<16xi32> -> vector<16xi32>
      %sub3A_278 = arith.constant 4 : i32
      %sub3A_279 = vector.broadcast %sub3A_278 : i32 to vector<16xi32>
      %sub3A_280 = arith.subi %iota3A, %sub3A_279 : vector<16xi32>
      %max3A_281 = arith.constant 0 : i32
      %max3A_282 = vector.broadcast %max3A_281 : i32 to vector<16xi32>
      %max3A_283 = arith.maxsi %sub3A_280, %max3A_282 : vector<16xi32>
      %reshape3A_284 = vector.shape_cast %max3A_283 : vector<16xi32> to vector<16x1xi32>
      %gather3A_285 = vector.shape_cast %reshape3A_284 : vector<16x1xi32> to vector<16xi32>
      %gather3A_286 = tpu.dynamic_gather %select_n3A_250[%gather3A_285] in [0] : vector<16xi32>, vector<16xi32> -> vector<16xi32>
      %ge3A_287 = arith.constant 4 : i32
      %ge3A_288 = vector.broadcast %ge3A_287 : i32 to vector<16xi32>
      %ge3A_289 = arith.cmpi sge, %iota3A, %ge3A_288 : vector<16xi32>
      %eq3A_290 = arith.cmpi eq, %gather3A_259, %get3A_143 : vector<16xi32>
      %and3A_291 = arith.andi %ge3A_289, %eq3A_290 : vector<16xi1>
      %gt3A_292 = arith.cmpf ogt, %gather3A_268, %select_n3A_247 : vector<16xf32>
      %eq3A_293 = arith.cmpf oeq, %gather3A_268, %select_n3A_247 : vector<16xf32>
      %lt3A_294 = arith.cmpi slt, %gather3A_277, %select_n3A_248 : vector<16xi32>
      %and3A_295 = arith.andi %eq3A_293, %lt3A_294 : vector<16xi1>
      %or3A_296 = arith.ori %gt3A_292, %and3A_295 : vector<16xi1>
      %and3A_297 = arith.andi %and3A_291, %or3A_296 : vector<16xi1>
      %select_n3A_298 = arith.select %and3A_297, %gather3A_268, %select_n3A_247 : vector<16xi1>, vector<16xf32>
      %select_n3A_299 = arith.select %and3A_297, %gather3A_277, %select_n3A_248 : vector<16xi1>, vector<16xi32>
      %min3A_300 = arith.minsi %gather3A_286, %select_n3A_250 : vector<16xi32>
      %select_n3A_301 = arith.select %and3A_291, %min3A_300, %select_n3A_250 : vector<16xi1>, vector<16xi32>
      %sub3A_302 = arith.constant 8 : i32
      %sub3A_303 = vector.broadcast %sub3A_302 : i32 to vector<16xi32>
      %sub3A_304 = arith.subi %iota3A, %sub3A_303 : vector<16xi32>
      %max3A_305 = arith.constant 0 : i32
      %max3A_306 = vector.broadcast %max3A_305 : i32 to vector<16xi32>
      %max3A_307 = arith.maxsi %sub3A_304, %max3A_306 : vector<16xi32>
      %reshape3A_308 = vector.shape_cast %max3A_307 : vector<16xi32> to vector<16x1xi32>
      %gather3A_309 = vector.shape_cast %reshape3A_308 : vector<16x1xi32> to vector<16xi32>
      %gather3A_310 = tpu.dynamic_gather %get3A_143[%gather3A_309] in [0] : vector<16xi32>, vector<16xi32> -> vector<16xi32>
      %sub3A_311 = arith.constant 8 : i32
      %sub3A_312 = vector.broadcast %sub3A_311 : i32 to vector<16xi32>
      %sub3A_313 = arith.subi %iota3A, %sub3A_312 : vector<16xi32>
      %max3A_314 = arith.constant 0 : i32
      %max3A_315 = vector.broadcast %max3A_314 : i32 to vector<16xi32>
      %max3A_316 = arith.maxsi %sub3A_313, %max3A_315 : vector<16xi32>
      %reshape3A_317 = vector.shape_cast %max3A_316 : vector<16xi32> to vector<16x1xi32>
      %gather3A_318 = vector.shape_cast %reshape3A_317 : vector<16x1xi32> to vector<16xi32>
      %gather3A_319 = tpu.dynamic_gather %select_n3A_298[%gather3A_318] in [0] : vector<16xf32>, vector<16xi32> -> vector<16xf32>
      %sub3A_320 = arith.constant 8 : i32
      %sub3A_321 = vector.broadcast %sub3A_320 : i32 to vector<16xi32>
      %sub3A_322 = arith.subi %iota3A, %sub3A_321 : vector<16xi32>
      %max3A_323 = arith.constant 0 : i32
      %max3A_324 = vector.broadcast %max3A_323 : i32 to vector<16xi32>
      %max3A_325 = arith.maxsi %sub3A_322, %max3A_324 : vector<16xi32>
      %reshape3A_326 = vector.shape_cast %max3A_325 : vector<16xi32> to vector<16x1xi32>
      %gather3A_327 = vector.shape_cast %reshape3A_326 : vector<16x1xi32> to vector<16xi32>
      %gather3A_328 = tpu.dynamic_gather %select_n3A_299[%gather3A_327] in [0] : vector<16xi32>, vector<16xi32> -> vector<16xi32>
      %sub3A_329 = arith.constant 8 : i32
      %sub3A_330 = vector.broadcast %sub3A_329 : i32 to vector<16xi32>
      %sub3A_331 = arith.subi %iota3A, %sub3A_330 : vector<16xi32>
      %max3A_332 = arith.constant 0 : i32
      %max3A_333 = vector.broadcast %max3A_332 : i32 to vector<16xi32>
      %max3A_334 = arith.maxsi %sub3A_331, %max3A_333 : vector<16xi32>
      %reshape3A_335 = vector.shape_cast %max3A_334 : vector<16xi32> to vector<16x1xi32>
      %gather3A_336 = vector.shape_cast %reshape3A_335 : vector<16x1xi32> to vector<16xi32>
      %gather3A_337 = tpu.dynamic_gather %select_n3A_301[%gather3A_336] in [0] : vector<16xi32>, vector<16xi32> -> vector<16xi32>
      %ge3A_338 = arith.constant 8 : i32
      %ge3A_339 = vector.broadcast %ge3A_338 : i32 to vector<16xi32>
      %ge3A_340 = arith.cmpi sge, %iota3A, %ge3A_339 : vector<16xi32>
      %eq3A_341 = arith.cmpi eq, %gather3A_310, %get3A_143 : vector<16xi32>
      %and3A_342 = arith.andi %ge3A_340, %eq3A_341 : vector<16xi1>
      %gt3A_343 = arith.cmpf ogt, %gather3A_319, %select_n3A_298 : vector<16xf32>
      %eq3A_344 = arith.cmpf oeq, %gather3A_319, %select_n3A_298 : vector<16xf32>
      %lt3A_345 = arith.cmpi slt, %gather3A_328, %select_n3A_299 : vector<16xi32>
      %and3A_346 = arith.andi %eq3A_344, %lt3A_345 : vector<16xi1>
      %or3A_347 = arith.ori %gt3A_343, %and3A_346 : vector<16xi1>
      %and3A_348 = arith.andi %and3A_342, %or3A_347 : vector<16xi1>
      %select_n3A_349 = arith.select %and3A_348, %gather3A_319, %select_n3A_298 : vector<16xi1>, vector<16xf32>
      %select_n3A_350 = arith.select %and3A_348, %gather3A_328, %select_n3A_299 : vector<16xi1>, vector<16xi32>
      %min3A_351 = arith.minsi %gather3A_337, %select_n3A_301 : vector<16xi32>
      %select_n3A_352 = arith.select %and3A_342, %min3A_351, %select_n3A_301 : vector<16xi1>, vector<16xi32>
      %broadcast_in_dim3A_353 = arith.constant 0 : i32
      %broadcast_in_dim3A_354 = vector.broadcast %broadcast_in_dim3A_353 : i32 to vector<16xi32>
      %reshape3A_355 = vector.shape_cast %broadcast_in_dim3A_354 : vector<16xi32> to vector<16x1xi32>
      %gather3A_356 = vector.shape_cast %reshape3A_355 : vector<16x1xi32> to vector<16xi32>
      %gather3A_357 = tpu.dynamic_gather %get3A_143[%gather3A_356] in [0] : vector<16xi32>, vector<16xi32> -> vector<16xi32>
      %eq3A_358 = arith.cmpi eq, %get3A_143, %gather3A_357 : vector<16xi32>
      %eq3A_359 = arith.cmpi eq, %while3A_119, %gather3A_357 : vector<16xi32>
      %and3A_360 = arith.andi %eq3A_358, %eq3A_359 : vector<16xi1>
      %gt3A_361 = arith.cmpf ogt, %while3A_120, %select_n3A_349 : vector<16xf32>
      %eq3A_362 = arith.cmpf oeq, %while3A_120, %select_n3A_349 : vector<16xf32>
      %lt3A_363 = arith.cmpi slt, %while3A_121, %select_n3A_350 : vector<16xi32>
      %and3A_364 = arith.andi %eq3A_362, %lt3A_363 : vector<16xi1>
      %or3A_365 = arith.ori %gt3A_361, %and3A_364 : vector<16xi1>
      %and3A_366 = arith.andi %and3A_360, %or3A_365 : vector<16xi1>
      %select_n3A_367 = arith.select %and3A_366, %while3A_120, %select_n3A_349 : vector<16xi1>, vector<16xf32>
      %select_n3A_368 = arith.select %and3A_366, %while3A_121, %select_n3A_350 : vector<16xi1>, vector<16xi32>
      %min3A_369 = arith.minsi %select_n3A_352, %while3A_122 : vector<16xi32>
      %select_n3A_370 = arith.select %and3A_360, %min3A_369, %select_n3A_352 : vector<16xi1>, vector<16xi32>
      %ne3A = arith.cmpi ne, %get3A_143, %gather3A_150 : vector<16xi32>
      %broadcast_in_dim3A_371 = vector.broadcast %mul3A_2 : i32 to vector<16xi32>
      %ge3A_372 = arith.cmpi sge, %select_n3A_370, %broadcast_in_dim3A_371 : vector<16xi32>
      %broadcast_in_dim3A_373 = vector.broadcast %add3A_4 : i32 to vector<16xi32>
      %lt3A_374 = arith.cmpi slt, %select_n3A_370, %broadcast_in_dim3A_373 : vector<16xi32>
      %and3A_375 = arith.andi %ge3A_372, %lt3A_374 : vector<16xi1>
      %and3A_376 = arith.andi %ne3A, %and3A_375 : vector<16xi1>
      %sub3A_377 = arith.subi %select_n3A_368, %select_n3A_370 : vector<16xi32>
      %jit3A = arith.constant 1 : i32
      %jit3A_378 = arith.constant 0 : i32
      %broadcast_in_dim3A_379 = vector.broadcast %jit3A : i32 to vector<16xi32>
      %broadcast_in_dim3A_380 = vector.broadcast %jit3A_378 : i32 to vector<16xi32>
      %select_n3A_381 = arith.select %and3A_376, %broadcast_in_dim3A_379, %broadcast_in_dim3A_380 : vector<16xi1>, vector<16xi32>
      %sub3A_382 = arith.constant 1 : i32
      %sub3A_383 = vector.broadcast %sub3A_382 : i32 to vector<16xi32>
      %sub3A_384 = arith.subi %iota3A, %sub3A_383 : vector<16xi32>
      %max3A_385 = arith.constant 0 : i32
      %max3A_386 = vector.broadcast %max3A_385 : i32 to vector<16xi32>
      %max3A_387 = arith.maxsi %sub3A_384, %max3A_386 : vector<16xi32>
      %reshape3A_388 = vector.shape_cast %max3A_387 : vector<16xi32> to vector<16x1xi32>
      %gather3A_389 = vector.shape_cast %reshape3A_388 : vector<16x1xi32> to vector<16xi32>
      %gather3A_390 = tpu.dynamic_gather %select_n3A_381[%gather3A_389] in [0] : vector<16xi32>, vector<16xi32> -> vector<16xi32>
      %ge3A_391 = arith.constant 1 : i32
      %ge3A_392 = vector.broadcast %ge3A_391 : i32 to vector<16xi32>
      %ge3A_393 = arith.cmpi sge, %iota3A, %ge3A_392 : vector<16xi32>
      %jit3A_394 = arith.constant 0 : i32
      %broadcast_in_dim3A_395 = vector.broadcast %jit3A_394 : i32 to vector<16xi32>
      %select_n3A_396 = arith.select %ge3A_393, %gather3A_390, %broadcast_in_dim3A_395 : vector<16xi1>, vector<16xi32>
      %add3A_397 = arith.addi %select_n3A_381, %select_n3A_396 : vector<16xi32>
      %sub3A_398 = arith.constant 2 : i32
      %sub3A_399 = vector.broadcast %sub3A_398 : i32 to vector<16xi32>
      %sub3A_400 = arith.subi %iota3A, %sub3A_399 : vector<16xi32>
      %max3A_401 = arith.constant 0 : i32
      %max3A_402 = vector.broadcast %max3A_401 : i32 to vector<16xi32>
      %max3A_403 = arith.maxsi %sub3A_400, %max3A_402 : vector<16xi32>
      %reshape3A_404 = vector.shape_cast %max3A_403 : vector<16xi32> to vector<16x1xi32>
      %gather3A_405 = vector.shape_cast %reshape3A_404 : vector<16x1xi32> to vector<16xi32>
      %gather3A_406 = tpu.dynamic_gather %add3A_397[%gather3A_405] in [0] : vector<16xi32>, vector<16xi32> -> vector<16xi32>
      %ge3A_407 = arith.constant 2 : i32
      %ge3A_408 = vector.broadcast %ge3A_407 : i32 to vector<16xi32>
      %ge3A_409 = arith.cmpi sge, %iota3A, %ge3A_408 : vector<16xi32>
      %jit3A_410 = arith.constant 0 : i32
      %broadcast_in_dim3A_411 = vector.broadcast %jit3A_410 : i32 to vector<16xi32>
      %select_n3A_412 = arith.select %ge3A_409, %gather3A_406, %broadcast_in_dim3A_411 : vector<16xi1>, vector<16xi32>
      %add3A_413 = arith.addi %add3A_397, %select_n3A_412 : vector<16xi32>
      %sub3A_414 = arith.constant 4 : i32
      %sub3A_415 = vector.broadcast %sub3A_414 : i32 to vector<16xi32>
      %sub3A_416 = arith.subi %iota3A, %sub3A_415 : vector<16xi32>
      %max3A_417 = arith.constant 0 : i32
      %max3A_418 = vector.broadcast %max3A_417 : i32 to vector<16xi32>
      %max3A_419 = arith.maxsi %sub3A_416, %max3A_418 : vector<16xi32>
      %reshape3A_420 = vector.shape_cast %max3A_419 : vector<16xi32> to vector<16x1xi32>
      %gather3A_421 = vector.shape_cast %reshape3A_420 : vector<16x1xi32> to vector<16xi32>
      %gather3A_422 = tpu.dynamic_gather %add3A_413[%gather3A_421] in [0] : vector<16xi32>, vector<16xi32> -> vector<16xi32>
      %ge3A_423 = arith.constant 4 : i32
      %ge3A_424 = vector.broadcast %ge3A_423 : i32 to vector<16xi32>
      %ge3A_425 = arith.cmpi sge, %iota3A, %ge3A_424 : vector<16xi32>
      %jit3A_426 = arith.constant 0 : i32
      %broadcast_in_dim3A_427 = vector.broadcast %jit3A_426 : i32 to vector<16xi32>
      %select_n3A_428 = arith.select %ge3A_425, %gather3A_422, %broadcast_in_dim3A_427 : vector<16xi1>, vector<16xi32>
      %add3A_429 = arith.addi %add3A_413, %select_n3A_428 : vector<16xi32>
      %sub3A_430 = arith.constant 8 : i32
      %sub3A_431 = vector.broadcast %sub3A_430 : i32 to vector<16xi32>
      %sub3A_432 = arith.subi %iota3A, %sub3A_431 : vector<16xi32>
      %max3A_433 = arith.constant 0 : i32
      %max3A_434 = vector.broadcast %max3A_433 : i32 to vector<16xi32>
      %max3A_435 = arith.maxsi %sub3A_432, %max3A_434 : vector<16xi32>
      %reshape3A_436 = vector.shape_cast %max3A_435 : vector<16xi32> to vector<16x1xi32>
      %gather3A_437 = vector.shape_cast %reshape3A_436 : vector<16x1xi32> to vector<16xi32>
      %gather3A_438 = tpu.dynamic_gather %add3A_429[%gather3A_437] in [0] : vector<16xi32>, vector<16xi32> -> vector<16xi32>
      %ge3A_439 = arith.constant 8 : i32
      %ge3A_440 = vector.broadcast %ge3A_439 : i32 to vector<16xi32>
      %ge3A_441 = arith.cmpi sge, %iota3A, %ge3A_440 : vector<16xi32>
      %jit3A_442 = arith.constant 0 : i32
      %broadcast_in_dim3A_443 = vector.broadcast %jit3A_442 : i32 to vector<16xi32>
      %select_n3A_444 = arith.select %ge3A_441, %gather3A_438, %broadcast_in_dim3A_443 : vector<16xi1>, vector<16xi32>
      %add3A_445 = arith.addi %add3A_429, %select_n3A_444 : vector<16xi32>
      %sub3A_446 = arith.subi %add3A_445, %select_n3A_381 : vector<16xi32>
      %broadcast_in_dim3A_447 = arith.constant 15 : i32
      %broadcast_in_dim3A_448 = vector.broadcast %broadcast_in_dim3A_447 : i32 to vector<16xi32>
      %reshape3A_449 = vector.shape_cast %broadcast_in_dim3A_448 : vector<16xi32> to vector<16x1xi32>
      %gather3A_450 = vector.shape_cast %reshape3A_449 : vector<16x1xi32> to vector<16xi32>
      %gather3A_451 = tpu.dynamic_gather %add3A_445[%gather3A_450] in [0] : vector<16xi32>, vector<16xi32> -> vector<16xi32>
      %slice3A = vector.extract_strided_slice %gather3A_451 {offsets = [0], sizes = [1], strides = [1]} : vector<16xi32> to vector<1xi32>
      %squeeze3A = vector.extract %slice3A[0] : i32 from vector<1xi32>
      %broadcast_in_dim3A_452 = vector.broadcast %while3A_118 : i32 to vector<16xi32>
      %add3A_453 = arith.addi %broadcast_in_dim3A_452, %sub3A_446 : vector<16xi32>
      %broadcast_in_dim3A_454 = arith.constant 127 : i32
      %broadcast_in_dim3A_455 = vector.broadcast %broadcast_in_dim3A_454 : i32 to vector<16xi32>
      %select_n3A_456 = arith.select %and3A_376, %add3A_453, %broadcast_in_dim3A_455 : vector<16xi1>, vector<16xi32>
      %broadcast_in_dim3A_457 = arith.constant 100000 : i32
      %broadcast_in_dim3A_458 = vector.broadcast %broadcast_in_dim3A_457 : i32 to vector<16xi32>
      %select_n3A_459 = arith.select %and3A_376, %get3A_143, %broadcast_in_dim3A_458 : vector<16xi1>, vector<16xi32>
      tpu.vector_store_idx %arg7[%select_n3A_456], %select_n3A_459 : memref<128xi32, #tpu.memory_space<vmem>>[vector<16xi32>], vector<16xi32>,
      tpu.vector_store_idx %arg8[%select_n3A_456], %sub3A_377 : memref<128xi32, #tpu.memory_space<vmem>>[vector<16xi32>], vector<16xi32>,
      %add3A_460 = arith.addi %while3A_118, %squeeze3A : i32
      %gt3A_461 = arith.constant 112 : i32
      %gt3A_462 = arith.cmpi sgt, %add3A_460, %gt3A_461 : i32
      %convert_element_type3A_463 = arith.extui %gt3A_462 : i1 to i32
      %cond3A_464 = arith.constant 0 : i32
      %cond3A_465 = arith.cmpi ne, %convert_element_type3A_463, %cond3A_464 : i32
      scf.if %cond3A_465 {
        "tpu.region"() ({
          %run_scoped3A = tpu.sem_alloc : memref<!tpu.dma_semaphore, #tpu.memory_space<semaphore_mem>>
          %dma_start3A = arith.constant 0 : i32
          %dma_start3A_642 = tpu.memref_slice %arg4[%dma_start3A] : memref<100016xi32, #tpu.memory_space<hbm>> -> memref<100016xi32, #tpu.memory_space<hbm>>
          tpu.enqueue_indirect_dma source(%arg8 : memref<128xi32, #tpu.memory_space<vmem>>) target(%dma_start3A_642 : memref<100016xi32, #tpu.memory_space<hbm>>) offsets(%arg7 : memref<128xi32, #tpu.memory_space<vmem>>) semaphore(%run_scoped3A : memref<!tpu.dma_semaphore, #tpu.memory_space<semaphore_mem>>)
          %dma_wait3A = arith.constant 0 : i32
          %dma_wait3A_643 = tpu.memref_slice %arg4[%dma_wait3A] : memref<100016xi32, #tpu.memory_space<hbm>> -> memref<100016xi32, #tpu.memory_space<hbm>>
          tpu.wait_indirect_dma semaphore(%run_scoped3A : memref<!tpu.dma_semaphore, #tpu.memory_space<semaphore_mem>>) src(%arg8 : memref<128xi32, #tpu.memory_space<vmem>>) dst(%dma_wait3A_643 : memref<100016xi32, #tpu.memory_space<hbm>>)
          tpu.yield
        }) : () -> ()
        %broadcast_in_dim3A_610 = arith.constant 100000 : i32
        %broadcast_in_dim3A_611 = vector.broadcast %broadcast_in_dim3A_610 : i32 to vector<16xi32>
        %swap3A_612 = arith.constant 0 : index
        %swap3A_613 = tpu.vector_load %arg7[%swap3A_612] {strides = array<i32>} : memref<128xi32, #tpu.memory_space<vmem>>, vector<16xi32>,
        tpu.vector_store %arg7[%swap3A_612], %broadcast_in_dim3A_611 {strides = array<i32>} : memref<128xi32, #tpu.memory_space<vmem>>, vector<16xi32>,
        %broadcast_in_dim3A_614 = arith.constant 100000 : i32
        %broadcast_in_dim3A_615 = vector.broadcast %broadcast_in_dim3A_614 : i32 to vector<16xi32>
        %swap3A_616 = arith.constant 16 : index
        %swap3A_617 = tpu.vector_load %arg7[%swap3A_616] {strides = array<i32>} : memref<128xi32, #tpu.memory_space<vmem>>, vector<16xi32>,
        tpu.vector_store %arg7[%swap3A_616], %broadcast_in_dim3A_615 {strides = array<i32>} : memref<128xi32, #tpu.memory_space<vmem>>, vector<16xi32>,
        %broadcast_in_dim3A_618 = arith.constant 100000 : i32
        %broadcast_in_dim3A_619 = vector.broadcast %broadcast_in_dim3A_618 : i32 to vector<16xi32>
        %swap3A_620 = arith.constant 32 : index
        %swap3A_621 = tpu.vector_load %arg7[%swap3A_620] {strides = array<i32>} : memref<128xi32, #tpu.memory_space<vmem>>, vector<16xi32>,
        tpu.vector_store %arg7[%swap3A_620], %broadcast_in_dim3A_619 {strides = array<i32>} : memref<128xi32, #tpu.memory_space<vmem>>, vector<16xi32>,
        %broadcast_in_dim3A_622 = arith.constant 100000 : i32
        %broadcast_in_dim3A_623 = vector.broadcast %broadcast_in_dim3A_622 : i32 to vector<16xi32>
        %swap3A_624 = arith.constant 48 : index
        %swap3A_625 = tpu.vector_load %arg7[%swap3A_624] {strides = array<i32>} : memref<128xi32, #tpu.memory_space<vmem>>, vector<16xi32>,
        tpu.vector_store %arg7[%swap3A_624], %broadcast_in_dim3A_623 {strides = array<i32>} : memref<128xi32, #tpu.memory_space<vmem>>, vector<16xi32>,
        %broadcast_in_dim3A_626 = arith.constant 100000 : i32
        %broadcast_in_dim3A_627 = vector.broadcast %broadcast_in_dim3A_626 : i32 to vector<16xi32>
        %swap3A_628 = arith.constant 64 : index
        %swap3A_629 = tpu.vector_load %arg7[%swap3A_628] {strides = array<i32>} : memref<128xi32, #tpu.memory_space<vmem>>, vector<16xi32>,
        tpu.vector_store %arg7[%swap3A_628], %broadcast_in_dim3A_627 {strides = array<i32>} : memref<128xi32, #tpu.memory_space<vmem>>, vector<16xi32>,
        %broadcast_in_dim3A_630 = arith.constant 100000 : i32
        %broadcast_in_dim3A_631 = vector.broadcast %broadcast_in_dim3A_630 : i32 to vector<16xi32>
        %swap3A_632 = arith.constant 80 : index
        %swap3A_633 = tpu.vector_load %arg7[%swap3A_632] {strides = array<i32>} : memref<128xi32, #tpu.memory_space<vmem>>, vector<16xi32>,
        tpu.vector_store %arg7[%swap3A_632], %broadcast_in_dim3A_631 {strides = array<i32>} : memref<128xi32, #tpu.memory_space<vmem>>, vector<16xi32>,
        %broadcast_in_dim3A_634 = arith.constant 100000 : i32
        %broadcast_in_dim3A_635 = vector.broadcast %broadcast_in_dim3A_634 : i32 to vector<16xi32>
        %swap3A_636 = arith.constant 96 : index
        %swap3A_637 = tpu.vector_load %arg7[%swap3A_636] {strides = array<i32>} : memref<128xi32, #tpu.memory_space<vmem>>, vector<16xi32>,
        tpu.vector_store %arg7[%swap3A_636], %broadcast_in_dim3A_635 {strides = array<i32>} : memref<128xi32, #tpu.memory_space<vmem>>, vector<16xi32>,
        %broadcast_in_dim3A_638 = arith.constant 100000 : i32
        %broadcast_in_dim3A_639 = vector.broadcast %broadcast_in_dim3A_638 : i32 to vector<16xi32>
        %swap3A_640 = arith.constant 112 : index
        %swap3A_641 = tpu.vector_load %arg7[%swap3A_640] {strides = array<i32>} : memref<128xi32, #tpu.memory_space<vmem>>, vector<16xi32>,
        tpu.vector_store %arg7[%swap3A_640], %broadcast_in_dim3A_639 {strides = array<i32>} : memref<128xi32, #tpu.memory_space<vmem>>, vector<16xi32>,
      } else {
      }
      %jit3A_466 = arith.constant 0 : i32
      %select_n3A_467 = arith.select %gt3A_462, %jit3A_466, %add3A_460 : i32
      %add3A_468 = arith.constant 1 : i32
      %add3A_469 = vector.broadcast %add3A_468 : i32 to vector<16xi32>
      %add3A_470 = arith.addi %get3A_143, %add3A_469 : vector<16xi32>
      %gt3A_471 = arith.cmpi sgt, %gather3A_150, %add3A_470 : vector<16xi32>
      %and3A_472 = arith.andi %and3A_376, %gt3A_471 : vector<16xi1>
      %jit3A_473 = arith.constant 1 : i32
      %jit3A_474 = arith.constant 0 : i32
      %broadcast_in_dim3A_475 = vector.broadcast %jit3A_473 : i32 to vector<16xi32>
      %broadcast_in_dim3A_476 = vector.broadcast %jit3A_474 : i32 to vector<16xi32>
      %select_n3A_477 = arith.select %and3A_472, %broadcast_in_dim3A_475, %broadcast_in_dim3A_476 : vector<16xi1>, vector<16xi32>
      %jit3A_478 = arith.constant 1 : i32
      %jit3A_479 = arith.constant 0 : i32
      %broadcast_in_dim3A_480 = vector.broadcast %jit3A_478 : i32 to vector<16xi32>
      %broadcast_in_dim3A_481 = vector.broadcast %jit3A_479 : i32 to vector<16xi32>
      %select_n3A_482 = arith.select %and3A_472, %broadcast_in_dim3A_480, %broadcast_in_dim3A_481 : vector<16xi1>, vector<16xi32>
      %sub3A_483 = arith.constant 1 : i32
      %sub3A_484 = vector.broadcast %sub3A_483 : i32 to vector<16xi32>
      %sub3A_485 = arith.subi %iota3A, %sub3A_484 : vector<16xi32>
      %max3A_486 = arith.constant 0 : i32
      %max3A_487 = vector.broadcast %max3A_486 : i32 to vector<16xi32>
      %max3A_488 = arith.maxsi %sub3A_485, %max3A_487 : vector<16xi32>
      %reshape3A_489 = vector.shape_cast %max3A_488 : vector<16xi32> to vector<16x1xi32>
      %gather3A_490 = vector.shape_cast %reshape3A_489 : vector<16x1xi32> to vector<16xi32>
      %gather3A_491 = tpu.dynamic_gather %select_n3A_482[%gather3A_490] in [0] : vector<16xi32>, vector<16xi32> -> vector<16xi32>
      %ge3A_492 = arith.constant 1 : i32
      %ge3A_493 = vector.broadcast %ge3A_492 : i32 to vector<16xi32>
      %ge3A_494 = arith.cmpi sge, %iota3A, %ge3A_493 : vector<16xi32>
      %jit3A_495 = arith.constant 0 : i32
      %broadcast_in_dim3A_496 = vector.broadcast %jit3A_495 : i32 to vector<16xi32>
      %select_n3A_497 = arith.select %ge3A_494, %gather3A_491, %broadcast_in_dim3A_496 : vector<16xi1>, vector<16xi32>
      %add3A_498 = arith.addi %select_n3A_482, %select_n3A_497 : vector<16xi32>
      %sub3A_499 = arith.constant 2 : i32
      %sub3A_500 = vector.broadcast %sub3A_499 : i32 to vector<16xi32>
      %sub3A_501 = arith.subi %iota3A, %sub3A_500 : vector<16xi32>
      %max3A_502 = arith.constant 0 : i32
      %max3A_503 = vector.broadcast %max3A_502 : i32 to vector<16xi32>
      %max3A_504 = arith.maxsi %sub3A_501, %max3A_503 : vector<16xi32>
      %reshape3A_505 = vector.shape_cast %max3A_504 : vector<16xi32> to vector<16x1xi32>
      %gather3A_506 = vector.shape_cast %reshape3A_505 : vector<16x1xi32> to vector<16xi32>
      %gather3A_507 = tpu.dynamic_gather %add3A_498[%gather3A_506] in [0] : vector<16xi32>, vector<16xi32> -> vector<16xi32>
      %ge3A_508 = arith.constant 2 : i32
      %ge3A_509 = vector.broadcast %ge3A_508 : i32 to vector<16xi32>
      %ge3A_510 = arith.cmpi sge, %iota3A, %ge3A_509 : vector<16xi32>
      %jit3A_511 = arith.constant 0 : i32
      %broadcast_in_dim3A_512 = vector.broadcast %jit3A_511 : i32 to vector<16xi32>
      %select_n3A_513 = arith.select %ge3A_510, %gather3A_507, %broadcast_in_dim3A_512 : vector<16xi1>, vector<16xi32>
      %add3A_514 = arith.addi %add3A_498, %select_n3A_513 : vector<16xi32>
      %sub3A_515 = arith.constant 4 : i32
      %sub3A_516 = vector.broadcast %sub3A_515 : i32 to vector<16xi32>
      %sub3A_517 = arith.subi %iota3A, %sub3A_516 : vector<16xi32>
      %max3A_518 = arith.constant 0 : i32
      %max3A_519 = vector.broadcast %max3A_518 : i32 to vector<16xi32>
      %max3A_520 = arith.maxsi %sub3A_517, %max3A_519 : vector<16xi32>
      %reshape3A_521 = vector.shape_cast %max3A_520 : vector<16xi32> to vector<16x1xi32>
      %gather3A_522 = vector.shape_cast %reshape3A_521 : vector<16x1xi32> to vector<16xi32>
      %gather3A_523 = tpu.dynamic_gather %add3A_514[%gather3A_522] in [0] : vector<16xi32>, vector<16xi32> -> vector<16xi32>
      %ge3A_524 = arith.constant 4 : i32
      %ge3A_525 = vector.broadcast %ge3A_524 : i32 to vector<16xi32>
      %ge3A_526 = arith.cmpi sge, %iota3A, %ge3A_525 : vector<16xi32>
      %jit3A_527 = arith.constant 0 : i32
      %broadcast_in_dim3A_528 = vector.broadcast %jit3A_527 : i32 to vector<16xi32>
      %select_n3A_529 = arith.select %ge3A_526, %gather3A_523, %broadcast_in_dim3A_528 : vector<16xi1>, vector<16xi32>
      %add3A_530 = arith.addi %add3A_514, %select_n3A_529 : vector<16xi32>
      %sub3A_531 = arith.constant 8 : i32
      %sub3A_532 = vector.broadcast %sub3A_531 : i32 to vector<16xi32>
      %sub3A_533 = arith.subi %iota3A, %sub3A_532 : vector<16xi32>
      %max3A_534 = arith.constant 0 : i32
      %max3A_535 = vector.broadcast %max3A_534 : i32 to vector<16xi32>
      %max3A_536 = arith.maxsi %sub3A_533, %max3A_535 : vector<16xi32>
      %reshape3A_537 = vector.shape_cast %max3A_536 : vector<16xi32> to vector<16x1xi32>
      %gather3A_538 = vector.shape_cast %reshape3A_537 : vector<16x1xi32> to vector<16xi32>
      %gather3A_539 = tpu.dynamic_gather %add3A_530[%gather3A_538] in [0] : vector<16xi32>, vector<16xi32> -> vector<16xi32>
      %ge3A_540 = arith.constant 8 : i32
      %ge3A_541 = vector.broadcast %ge3A_540 : i32 to vector<16xi32>
      %ge3A_542 = arith.cmpi sge, %iota3A, %ge3A_541 : vector<16xi32>
      %jit3A_543 = arith.constant 0 : i32
      %broadcast_in_dim3A_544 = vector.broadcast %jit3A_543 : i32 to vector<16xi32>
      %select_n3A_545 = arith.select %ge3A_542, %gather3A_539, %broadcast_in_dim3A_544 : vector<16xi1>, vector<16xi32>
      %add3A_546 = arith.addi %add3A_530, %select_n3A_545 : vector<16xi32>
      %sub3A_547 = arith.subi %add3A_546, %select_n3A_482 : vector<16xi32>
      %broadcast_in_dim3A_548 = arith.constant 15 : i32
      %broadcast_in_dim3A_549 = vector.broadcast %broadcast_in_dim3A_548 : i32 to vector<16xi32>
      %reshape3A_550 = vector.shape_cast %broadcast_in_dim3A_549 : vector<16xi32> to vector<16x1xi32>
      %gather3A_551 = vector.shape_cast %reshape3A_550 : vector<16x1xi32> to vector<16xi32>
      %gather3A_552 = tpu.dynamic_gather %add3A_546[%gather3A_551] in [0] : vector<16xi32>, vector<16xi32> -> vector<16xi32>
      %slice3A_553 = vector.extract_strided_slice %gather3A_552 {offsets = [0], sizes = [1], strides = [1]} : vector<16xi32> to vector<1xi32>
      %squeeze3A_554 = vector.extract %slice3A_553[0] : i32 from vector<1xi32>
      %gt3A_555 = arith.constant 0 : i32
      %gt3A_556 = arith.cmpi sgt, %squeeze3A_554, %gt3A_555 : i32
      %convert_element_type3A_557 = arith.extui %gt3A_556 : i1 to i32
      %cond3A_558 = arith.constant 0 : i32
      %cond3A_559 = arith.cmpi ne, %convert_element_type3A_557, %cond3A_558 : i32
      %cond3A_560 = scf.if %cond3A_559 -> (i32) {
        %scan3A_610 = arith.constant 0 : i32
        %scan3A_611 = arith.constant 16 : i32
        %scan3A_612 = arith.addi %scan3A_610, %scan3A_611 : i32
        %scan3A_613 = arith.constant 1 : i32
        %scan3A_614 = scf.for %scan3A_616 = %scan3A_610 to %scan3A_612 step %scan3A_613 iter_args(%scan3A_617 = %select_n3A_467) -> (i32)  : i32 {
          %broadcast_in_dim3A_618 = vector.broadcast %scan3A_616 : i32 to vector<16xi32>
          %reshape3A_619 = vector.shape_cast %broadcast_in_dim3A_618 : vector<16xi32> to vector<16x1xi32>
          %gather3A_620 = vector.shape_cast %reshape3A_619 : vector<16x1xi32> to vector<16xi32>
          %gather3A_621 = tpu.dynamic_gather %select_n3A_477[%gather3A_620] in [0] : vector<16xi32>, vector<16xi32> -> vector<16xi32>
          %slice3A_622 = vector.extract_strided_slice %gather3A_621 {offsets = [0], sizes = [1], strides = [1]} : vector<16xi32> to vector<1xi32>
          %squeeze3A_623 = vector.extract %slice3A_622[0] : i32 from vector<1xi32>
          %broadcast_in_dim3A_624 = vector.broadcast %scan3A_616 : i32 to vector<16xi32>
          %reshape3A_625 = vector.shape_cast %broadcast_in_dim3A_624 : vector<16xi32> to vector<16x1xi32>
          %gather3A_626 = vector.shape_cast %reshape3A_625 : vector<16x1xi32> to vector<16xi32>
          %gather3A_627 = tpu.dynamic_gather %get3A_143[%gather3A_626] in [0] : vector<16xi32>, vector<16xi32> -> vector<16xi32>
          %slice3A_628 = vector.extract_strided_slice %gather3A_627 {offsets = [0], sizes = [1], strides = [1]} : vector<16xi32> to vector<1xi32>
          %squeeze3A_629 = vector.extract %slice3A_628[0] : i32 from vector<1xi32>
          %add3A_630 = arith.constant 1 : i32
          %add3A_631 = arith.addi %squeeze3A_629, %add3A_630 : i32
          %broadcast_in_dim3A_632 = vector.broadcast %scan3A_616 : i32 to vector<16xi32>
          %reshape3A_633 = vector.shape_cast %broadcast_in_dim3A_632 : vector<16xi32> to vector<16x1xi32>
          %gather3A_634 = vector.shape_cast %reshape3A_633 : vector<16x1xi32> to vector<16xi32>
          %gather3A_635 = tpu.dynamic_gather %gather3A_150[%gather3A_634] in [0] : vector<16xi32>, vector<16xi32> -> vector<16xi32>
          %slice3A_636 = vector.extract_strided_slice %gather3A_635 {offsets = [0], sizes = [1], strides = [1]} : vector<16xi32> to vector<1xi32>
          %squeeze3A_637 = vector.extract %slice3A_636[0] : i32 from vector<1xi32>
          %gt3A_638 = arith.constant 0 : i32
          %gt3A_639 = arith.cmpi sgt, %squeeze3A_623, %gt3A_638 : i32
          %convert_element_type3A_640 = arith.extui %gt3A_639 : i1 to i32
          %cond3A_641 = arith.constant 0 : i32
          %cond3A_642 = arith.cmpi ne, %convert_element_type3A_640, %cond3A_641 : i32
          %cond3A_643 = scf.if %cond3A_642 -> (i32) {
            %sub3A_644 = arith.subi %squeeze3A_637, %add3A_631 : i32
            %add3A_645 = arith.constant 15 : i32
            %add3A_646 = arith.addi %sub3A_644, %add3A_645 : i32
            %div3A = arith.constant 16 : i32
            %div3A_647 = arith.divsi %add3A_646, %div3A : i32
            %while3A_648 = arith.constant 0 : i32
            %while3A_649 = arith.subi %div3A_647, %while3A_648 : i32
            %while3A_650 = arith.addi %while3A_648, %while3A_649 : i32
            %while3A_651 = arith.constant 1 : i32
            %while3A_652 = arith.divsi %while3A_649, %while3A_651 : i32
            %while3A_653 = arith.muli %while3A_652, %while3A_651 : i32
            %while3A_654 = arith.addi %while3A_648, %while3A_653 : i32
            %while3A_655 = arith.constant 1 : i32
            %while3A_656 = scf.for %while3A_659 = %while3A_648 to %while3A_654 step %while3A_655 iter_args(%while3A_660 = %scan3A_617) -> (i32)  : i32 {
              %mul3A_661 = arith.constant 16 : i32
              %mul3A_662 = arith.muli %while3A_659, %mul3A_661 : i32
              %add3A_663 = arith.addi %add3A_631, %mul3A_662 : i32
              %broadcast_in_dim3A_664 = vector.broadcast %add3A_663 : i32 to vector<16xi32>
              %add3A_665 = arith.addi %broadcast_in_dim3A_664, %iota3A : vector<16xi32>
              %broadcast_in_dim3A_666 = vector.broadcast %squeeze3A_637 : i32 to vector<16xi32>
              %lt3A_667 = arith.cmpi slt, %add3A_665, %broadcast_in_dim3A_666 : vector<16xi32>
              %broadcast_in_dim3A_668 = arith.constant 2147483647 : i32
              %broadcast_in_dim3A_669 = vector.broadcast %broadcast_in_dim3A_668 : i32 to vector<16xi32>
              %jit3A_670 = arith.constant 1 : i32
              %jit3A_671 = arith.constant 0 : i32
              %broadcast_in_dim3A_672 = vector.broadcast %jit3A_670 : i32 to vector<16xi32>
              %broadcast_in_dim3A_673 = vector.broadcast %jit3A_671 : i32 to vector<16xi32>
              %select_n3A_674 = arith.select %lt3A_667, %broadcast_in_dim3A_672, %broadcast_in_dim3A_673 : vector<16xi1>, vector<16xi32>
              %sub3A_675 = arith.constant 1 : i32
              %sub3A_676 = vector.broadcast %sub3A_675 : i32 to vector<16xi32>
              %sub3A_677 = arith.subi %iota3A, %sub3A_676 : vector<16xi32>
              %max3A_678 = arith.constant 0 : i32
              %max3A_679 = vector.broadcast %max3A_678 : i32 to vector<16xi32>
              %max3A_680 = arith.maxsi %sub3A_677, %max3A_679 : vector<16xi32>
              %reshape3A_681 = vector.shape_cast %max3A_680 : vector<16xi32> to vector<16x1xi32>
              %gather3A_682 = vector.shape_cast %reshape3A_681 : vector<16x1xi32> to vector<16xi32>
              %gather3A_683 = tpu.dynamic_gather %select_n3A_674[%gather3A_682] in [0] : vector<16xi32>, vector<16xi32> -> vector<16xi32>
              %ge3A_684 = arith.constant 1 : i32
              %ge3A_685 = vector.broadcast %ge3A_684 : i32 to vector<16xi32>
              %ge3A_686 = arith.cmpi sge, %iota3A, %ge3A_685 : vector<16xi32>
              %jit3A_687 = arith.constant 0 : i32
              %broadcast_in_dim3A_688 = vector.broadcast %jit3A_687 : i32 to vector<16xi32>
              %select_n3A_689 = arith.select %ge3A_686, %gather3A_683, %broadcast_in_dim3A_688 : vector<16xi1>, vector<16xi32>
              %add3A_690 = arith.addi %select_n3A_674, %select_n3A_689 : vector<16xi32>
              %sub3A_691 = arith.constant 2 : i32
              %sub3A_692 = vector.broadcast %sub3A_691 : i32 to vector<16xi32>
              %sub3A_693 = arith.subi %iota3A, %sub3A_692 : vector<16xi32>
              %max3A_694 = arith.constant 0 : i32
              %max3A_695 = vector.broadcast %max3A_694 : i32 to vector<16xi32>
              %max3A_696 = arith.maxsi %sub3A_693, %max3A_695 : vector<16xi32>
              %reshape3A_697 = vector.shape_cast %max3A_696 : vector<16xi32> to vector<16x1xi32>
              %gather3A_698 = vector.shape_cast %reshape3A_697 : vector<16x1xi32> to vector<16xi32>
              %gather3A_699 = tpu.dynamic_gather %add3A_690[%gather3A_698] in [0] : vector<16xi32>, vector<16xi32> -> vector<16xi32>
              %ge3A_700 = arith.constant 2 : i32
              %ge3A_701 = vector.broadcast %ge3A_700 : i32 to vector<16xi32>
              %ge3A_702 = arith.cmpi sge, %iota3A, %ge3A_701 : vector<16xi32>
              %jit3A_703 = arith.constant 0 : i32
              %broadcast_in_dim3A_704 = vector.broadcast %jit3A_703 : i32 to vector<16xi32>
              %select_n3A_705 = arith.select %ge3A_702, %gather3A_699, %broadcast_in_dim3A_704 : vector<16xi1>, vector<16xi32>
              %add3A_706 = arith.addi %add3A_690, %select_n3A_705 : vector<16xi32>
              %sub3A_707 = arith.constant 4 : i32
              %sub3A_708 = vector.broadcast %sub3A_707 : i32 to vector<16xi32>
              %sub3A_709 = arith.subi %iota3A, %sub3A_708 : vector<16xi32>
              %max3A_710 = arith.constant 0 : i32
              %max3A_711 = vector.broadcast %max3A_710 : i32 to vector<16xi32>
              %max3A_712 = arith.maxsi %sub3A_709, %max3A_711 : vector<16xi32>
              %reshape3A_713 = vector.shape_cast %max3A_712 : vector<16xi32> to vector<16x1xi32>
              %gather3A_714 = vector.shape_cast %reshape3A_713 : vector<16x1xi32> to vector<16xi32>
              %gather3A_715 = tpu.dynamic_gather %add3A_706[%gather3A_714] in [0] : vector<16xi32>, vector<16xi32> -> vector<16xi32>
              %ge3A_716 = arith.constant 4 : i32
              %ge3A_717 = vector.broadcast %ge3A_716 : i32 to vector<16xi32>
              %ge3A_718 = arith.cmpi sge, %iota3A, %ge3A_717 : vector<16xi32>
              %jit3A_719 = arith.constant 0 : i32
              %broadcast_in_dim3A_720 = vector.broadcast %jit3A_719 : i32 to vector<16xi32>
              %select_n3A_721 = arith.select %ge3A_718, %gather3A_715, %broadcast_in_dim3A_720 : vector<16xi1>, vector<16xi32>
              %add3A_722 = arith.addi %add3A_706, %select_n3A_721 : vector<16xi32>
              %sub3A_723 = arith.constant 8 : i32
              %sub3A_724 = vector.broadcast %sub3A_723 : i32 to vector<16xi32>
              %sub3A_725 = arith.subi %iota3A, %sub3A_724 : vector<16xi32>
              %max3A_726 = arith.constant 0 : i32
              %max3A_727 = vector.broadcast %max3A_726 : i32 to vector<16xi32>
              %max3A_728 = arith.maxsi %sub3A_725, %max3A_727 : vector<16xi32>
              %reshape3A_729 = vector.shape_cast %max3A_728 : vector<16xi32> to vector<16x1xi32>
              %gather3A_730 = vector.shape_cast %reshape3A_729 : vector<16x1xi32> to vector<16xi32>
              %gather3A_731 = tpu.dynamic_gather %add3A_722[%gather3A_730] in [0] : vector<16xi32>, vector<16xi32> -> vector<16xi32>
              %ge3A_732 = arith.constant 8 : i32
              %ge3A_733 = vector.broadcast %ge3A_732 : i32 to vector<16xi32>
              %ge3A_734 = arith.cmpi sge, %iota3A, %ge3A_733 : vector<16xi32>
              %jit3A_735 = arith.constant 0 : i32
              %broadcast_in_dim3A_736 = vector.broadcast %jit3A_735 : i32 to vector<16xi32>
              %select_n3A_737 = arith.select %ge3A_734, %gather3A_731, %broadcast_in_dim3A_736 : vector<16xi1>, vector<16xi32>
              %add3A_738 = arith.addi %add3A_722, %select_n3A_737 : vector<16xi32>
              %sub3A_739 = arith.subi %add3A_738, %select_n3A_674 : vector<16xi32>
              %broadcast_in_dim3A_740 = arith.constant 15 : i32
              %broadcast_in_dim3A_741 = vector.broadcast %broadcast_in_dim3A_740 : i32 to vector<16xi32>
              %reshape3A_742 = vector.shape_cast %broadcast_in_dim3A_741 : vector<16xi32> to vector<16x1xi32>
              %gather3A_743 = vector.shape_cast %reshape3A_742 : vector<16x1xi32> to vector<16xi32>
              %gather3A_744 = tpu.dynamic_gather %add3A_738[%gather3A_743] in [0] : vector<16xi32>, vector<16xi32> -> vector<16xi32>
              %slice3A_745 = vector.extract_strided_slice %gather3A_744 {offsets = [0], sizes = [1], strides = [1]} : vector<16xi32> to vector<1xi32>
              %squeeze3A_746 = vector.extract %slice3A_745[0] : i32 from vector<1xi32>
              %broadcast_in_dim3A_747 = vector.broadcast %while3A_660 : i32 to vector<16xi32>
              %add3A_748 = arith.addi %broadcast_in_dim3A_747, %sub3A_739 : vector<16xi32>
              %broadcast_in_dim3A_749 = arith.constant 127 : i32
              %broadcast_in_dim3A_750 = vector.broadcast %broadcast_in_dim3A_749 : i32 to vector<16xi32>
              %select_n3A_751 = arith.select %lt3A_667, %add3A_748, %broadcast_in_dim3A_750 : vector<16xi1>, vector<16xi32>
              %broadcast_in_dim3A_752 = arith.constant 100000 : i32
              %broadcast_in_dim3A_753 = vector.broadcast %broadcast_in_dim3A_752 : i32 to vector<16xi32>
              %select_n3A_754 = arith.select %lt3A_667, %add3A_665, %broadcast_in_dim3A_753 : vector<16xi1>, vector<16xi32>
              tpu.vector_store_idx %arg7[%select_n3A_751], %select_n3A_754 : memref<128xi32, #tpu.memory_space<vmem>>[vector<16xi32>], vector<16xi32>,
              tpu.vector_store_idx %arg8[%select_n3A_751], %broadcast_in_dim3A_669 : memref<128xi32, #tpu.memory_space<vmem>>[vector<16xi32>], vector<16xi32>,
              %add3A_755 = arith.addi %while3A_660, %squeeze3A_746 : i32
              %gt3A_756 = arith.constant 112 : i32
              %gt3A_757 = arith.cmpi sgt, %add3A_755, %gt3A_756 : i32
              %convert_element_type3A_758 = arith.extui %gt3A_757 : i1 to i32
              %cond3A_759 = arith.constant 0 : i32
              %cond3A_760 = arith.cmpi ne, %convert_element_type3A_758, %cond3A_759 : i32
              scf.if %cond3A_760 {
                "tpu.region"() ({
                  %run_scoped3A = tpu.sem_alloc : memref<!tpu.dma_semaphore, #tpu.memory_space<semaphore_mem>>
                  %dma_start3A = arith.constant 0 : i32
                  %dma_start3A_795 = tpu.memref_slice %arg4[%dma_start3A] : memref<100016xi32, #tpu.memory_space<hbm>> -> memref<100016xi32, #tpu.memory_space<hbm>>
                  tpu.enqueue_indirect_dma source(%arg8 : memref<128xi32, #tpu.memory_space<vmem>>) target(%dma_start3A_795 : memref<100016xi32, #tpu.memory_space<hbm>>) offsets(%arg7 : memref<128xi32, #tpu.memory_space<vmem>>) semaphore(%run_scoped3A : memref<!tpu.dma_semaphore, #tpu.memory_space<semaphore_mem>>)
                  %dma_wait3A = arith.constant 0 : i32
                  %dma_wait3A_796 = tpu.memref_slice %arg4[%dma_wait3A] : memref<100016xi32, #tpu.memory_space<hbm>> -> memref<100016xi32, #tpu.memory_space<hbm>>
                  tpu.wait_indirect_dma semaphore(%run_scoped3A : memref<!tpu.dma_semaphore, #tpu.memory_space<semaphore_mem>>) src(%arg8 : memref<128xi32, #tpu.memory_space<vmem>>) dst(%dma_wait3A_796 : memref<100016xi32, #tpu.memory_space<hbm>>)
                  tpu.yield
                }) : () -> ()
                %broadcast_in_dim3A_763 = arith.constant 100000 : i32
                %broadcast_in_dim3A_764 = vector.broadcast %broadcast_in_dim3A_763 : i32 to vector<16xi32>
                %swap3A_765 = arith.constant 0 : index
                %swap3A_766 = tpu.vector_load %arg7[%swap3A_765] {strides = array<i32>} : memref<128xi32, #tpu.memory_space<vmem>>, vector<16xi32>,
                tpu.vector_store %arg7[%swap3A_765], %broadcast_in_dim3A_764 {strides = array<i32>} : memref<128xi32, #tpu.memory_space<vmem>>, vector<16xi32>,
                %broadcast_in_dim3A_767 = arith.constant 100000 : i32
                %broadcast_in_dim3A_768 = vector.broadcast %broadcast_in_dim3A_767 : i32 to vector<16xi32>
                %swap3A_769 = arith.constant 16 : index
                %swap3A_770 = tpu.vector_load %arg7[%swap3A_769] {strides = array<i32>} : memref<128xi32, #tpu.memory_space<vmem>>, vector<16xi32>,
                tpu.vector_store %arg7[%swap3A_769], %broadcast_in_dim3A_768 {strides = array<i32>} : memref<128xi32, #tpu.memory_space<vmem>>, vector<16xi32>,
                %broadcast_in_dim3A_771 = arith.constant 100000 : i32
                %broadcast_in_dim3A_772 = vector.broadcast %broadcast_in_dim3A_771 : i32 to vector<16xi32>
                %swap3A_773 = arith.constant 32 : index
                %swap3A_774 = tpu.vector_load %arg7[%swap3A_773] {strides = array<i32>} : memref<128xi32, #tpu.memory_space<vmem>>, vector<16xi32>,
                tpu.vector_store %arg7[%swap3A_773], %broadcast_in_dim3A_772 {strides = array<i32>} : memref<128xi32, #tpu.memory_space<vmem>>, vector<16xi32>,
                %broadcast_in_dim3A_775 = arith.constant 100000 : i32
                %broadcast_in_dim3A_776 = vector.broadcast %broadcast_in_dim3A_775 : i32 to vector<16xi32>
                %swap3A_777 = arith.constant 48 : index
                %swap3A_778 = tpu.vector_load %arg7[%swap3A_777] {strides = array<i32>} : memref<128xi32, #tpu.memory_space<vmem>>, vector<16xi32>,
                tpu.vector_store %arg7[%swap3A_777], %broadcast_in_dim3A_776 {strides = array<i32>} : memref<128xi32, #tpu.memory_space<vmem>>, vector<16xi32>,
                %broadcast_in_dim3A_779 = arith.constant 100000 : i32
                %broadcast_in_dim3A_780 = vector.broadcast %broadcast_in_dim3A_779 : i32 to vector<16xi32>
                %swap3A_781 = arith.constant 64 : index
                %swap3A_782 = tpu.vector_load %arg7[%swap3A_781] {strides = array<i32>} : memref<128xi32, #tpu.memory_space<vmem>>, vector<16xi32>,
                tpu.vector_store %arg7[%swap3A_781], %broadcast_in_dim3A_780 {strides = array<i32>} : memref<128xi32, #tpu.memory_space<vmem>>, vector<16xi32>,
                %broadcast_in_dim3A_783 = arith.constant 100000 : i32
                %broadcast_in_dim3A_784 = vector.broadcast %broadcast_in_dim3A_783 : i32 to vector<16xi32>
                %swap3A_785 = arith.constant 80 : index
                %swap3A_786 = tpu.vector_load %arg7[%swap3A_785] {strides = array<i32>} : memref<128xi32, #tpu.memory_space<vmem>>, vector<16xi32>,
                tpu.vector_store %arg7[%swap3A_785], %broadcast_in_dim3A_784 {strides = array<i32>} : memref<128xi32, #tpu.memory_space<vmem>>, vector<16xi32>,
                %broadcast_in_dim3A_787 = arith.constant 100000 : i32
                %broadcast_in_dim3A_788 = vector.broadcast %broadcast_in_dim3A_787 : i32 to vector<16xi32>
                %swap3A_789 = arith.constant 96 : index
                %swap3A_790 = tpu.vector_load %arg7[%swap3A_789] {strides = array<i32>} : memref<128xi32, #tpu.memory_space<vmem>>, vector<16xi32>,
                tpu.vector_store %arg7[%swap3A_789], %broadcast_in_dim3A_788 {strides = array<i32>} : memref<128xi32, #tpu.memory_space<vmem>>, vector<16xi32>,
                %broadcast_in_dim3A_791 = arith.constant 100000 : i32
                %broadcast_in_dim3A_792 = vector.broadcast %broadcast_in_dim3A_791 : i32 to vector<16xi32>
                %swap3A_793 = arith.constant 112 : index
                %swap3A_794 = tpu.vector_load %arg7[%swap3A_793] {strides = array<i32>} : memref<128xi32, #tpu.memory_space<vmem>>, vector<16xi32>,
                tpu.vector_store %arg7[%swap3A_793], %broadcast_in_dim3A_792 {strides = array<i32>} : memref<128xi32, #tpu.memory_space<vmem>>, vector<16xi32>,
              } else {
              }
              %jit3A_761 = arith.constant 0 : i32
              %select_n3A_762 = arith.select %gt3A_757, %jit3A_761, %add3A_755 : i32
              scf.yield %select_n3A_762 : i32
            }
            %while3A_657 = arith.constant 1 : i32
            %while3A_658 = scf.for %while3A_659 = %while3A_654 to %while3A_650 step %while3A_657 iter_args(%while3A_660 = %while3A_656) -> (i32)  : i32 {
              %mul3A_661 = arith.constant 16 : i32
              %mul3A_662 = arith.muli %while3A_659, %mul3A_661 : i32
              %add3A_663 = arith.addi %add3A_631, %mul3A_662 : i32
              %broadcast_in_dim3A_664 = vector.broadcast %add3A_663 : i32 to vector<16xi32>
              %add3A_665 = arith.addi %broadcast_in_dim3A_664, %iota3A : vector<16xi32>
              %broadcast_in_dim3A_666 = vector.broadcast %squeeze3A_637 : i32 to vector<16xi32>
              %lt3A_667 = arith.cmpi slt, %add3A_665, %broadcast_in_dim3A_666 : vector<16xi32>
              %broadcast_in_dim3A_668 = arith.constant 2147483647 : i32
              %broadcast_in_dim3A_669 = vector.broadcast %broadcast_in_dim3A_668 : i32 to vector<16xi32>
              %jit3A_670 = arith.constant 1 : i32
              %jit3A_671 = arith.constant 0 : i32
              %broadcast_in_dim3A_672 = vector.broadcast %jit3A_670 : i32 to vector<16xi32>
              %broadcast_in_dim3A_673 = vector.broadcast %jit3A_671 : i32 to vector<16xi32>
              %select_n3A_674 = arith.select %lt3A_667, %broadcast_in_dim3A_672, %broadcast_in_dim3A_673 : vector<16xi1>, vector<16xi32>
              %sub3A_675 = arith.constant 1 : i32
              %sub3A_676 = vector.broadcast %sub3A_675 : i32 to vector<16xi32>
              %sub3A_677 = arith.subi %iota3A, %sub3A_676 : vector<16xi32>
              %max3A_678 = arith.constant 0 : i32
              %max3A_679 = vector.broadcast %max3A_678 : i32 to vector<16xi32>
              %max3A_680 = arith.maxsi %sub3A_677, %max3A_679 : vector<16xi32>
              %reshape3A_681 = vector.shape_cast %max3A_680 : vector<16xi32> to vector<16x1xi32>
              %gather3A_682 = vector.shape_cast %reshape3A_681 : vector<16x1xi32> to vector<16xi32>
              %gather3A_683 = tpu.dynamic_gather %select_n3A_674[%gather3A_682] in [0] : vector<16xi32>, vector<16xi32> -> vector<16xi32>
              %ge3A_684 = arith.constant 1 : i32
              %ge3A_685 = vector.broadcast %ge3A_684 : i32 to vector<16xi32>
              %ge3A_686 = arith.cmpi sge, %iota3A, %ge3A_685 : vector<16xi32>
              %jit3A_687 = arith.constant 0 : i32
              %broadcast_in_dim3A_688 = vector.broadcast %jit3A_687 : i32 to vector<16xi32>
              %select_n3A_689 = arith.select %ge3A_686, %gather3A_683, %broadcast_in_dim3A_688 : vector<16xi1>, vector<16xi32>
              %add3A_690 = arith.addi %select_n3A_674, %select_n3A_689 : vector<16xi32>
              %sub3A_691 = arith.constant 2 : i32
              %sub3A_692 = vector.broadcast %sub3A_691 : i32 to vector<16xi32>
              %sub3A_693 = arith.subi %iota3A, %sub3A_692 : vector<16xi32>
              %max3A_694 = arith.constant 0 : i32
              %max3A_695 = vector.broadcast %max3A_694 : i32 to vector<16xi32>
              %max3A_696 = arith.maxsi %sub3A_693, %max3A_695 : vector<16xi32>
              %reshape3A_697 = vector.shape_cast %max3A_696 : vector<16xi32> to vector<16x1xi32>
              %gather3A_698 = vector.shape_cast %reshape3A_697 : vector<16x1xi32> to vector<16xi32>
              %gather3A_699 = tpu.dynamic_gather %add3A_690[%gather3A_698] in [0] : vector<16xi32>, vector<16xi32> -> vector<16xi32>
              %ge3A_700 = arith.constant 2 : i32
              %ge3A_701 = vector.broadcast %ge3A_700 : i32 to vector<16xi32>
              %ge3A_702 = arith.cmpi sge, %iota3A, %ge3A_701 : vector<16xi32>
              %jit3A_703 = arith.constant 0 : i32
              %broadcast_in_dim3A_704 = vector.broadcast %jit3A_703 : i32 to vector<16xi32>
              %select_n3A_705 = arith.select %ge3A_702, %gather3A_699, %broadcast_in_dim3A_704 : vector<16xi1>, vector<16xi32>
              %add3A_706 = arith.addi %add3A_690, %select_n3A_705 : vector<16xi32>
              %sub3A_707 = arith.constant 4 : i32
              %sub3A_708 = vector.broadcast %sub3A_707 : i32 to vector<16xi32>
              %sub3A_709 = arith.subi %iota3A, %sub3A_708 : vector<16xi32>
              %max3A_710 = arith.constant 0 : i32
              %max3A_711 = vector.broadcast %max3A_710 : i32 to vector<16xi32>
              %max3A_712 = arith.maxsi %sub3A_709, %max3A_711 : vector<16xi32>
              %reshape3A_713 = vector.shape_cast %max3A_712 : vector<16xi32> to vector<16x1xi32>
              %gather3A_714 = vector.shape_cast %reshape3A_713 : vector<16x1xi32> to vector<16xi32>
              %gather3A_715 = tpu.dynamic_gather %add3A_706[%gather3A_714] in [0] : vector<16xi32>, vector<16xi32> -> vector<16xi32>
              %ge3A_716 = arith.constant 4 : i32
              %ge3A_717 = vector.broadcast %ge3A_716 : i32 to vector<16xi32>
              %ge3A_718 = arith.cmpi sge, %iota3A, %ge3A_717 : vector<16xi32>
              %jit3A_719 = arith.constant 0 : i32
              %broadcast_in_dim3A_720 = vector.broadcast %jit3A_719 : i32 to vector<16xi32>
              %select_n3A_721 = arith.select %ge3A_718, %gather3A_715, %broadcast_in_dim3A_720 : vector<16xi1>, vector<16xi32>
              %add3A_722 = arith.addi %add3A_706, %select_n3A_721 : vector<16xi32>
              %sub3A_723 = arith.constant 8 : i32
              %sub3A_724 = vector.broadcast %sub3A_723 : i32 to vector<16xi32>
              %sub3A_725 = arith.subi %iota3A, %sub3A_724 : vector<16xi32>
              %max3A_726 = arith.constant 0 : i32
              %max3A_727 = vector.broadcast %max3A_726 : i32 to vector<16xi32>
              %max3A_728 = arith.maxsi %sub3A_725, %max3A_727 : vector<16xi32>
              %reshape3A_729 = vector.shape_cast %max3A_728 : vector<16xi32> to vector<16x1xi32>
              %gather3A_730 = vector.shape_cast %reshape3A_729 : vector<16x1xi32> to vector<16xi32>
              %gather3A_731 = tpu.dynamic_gather %add3A_722[%gather3A_730] in [0] : vector<16xi32>, vector<16xi32> -> vector<16xi32>
              %ge3A_732 = arith.constant 8 : i32
              %ge3A_733 = vector.broadcast %ge3A_732 : i32 to vector<16xi32>
              %ge3A_734 = arith.cmpi sge, %iota3A, %ge3A_733 : vector<16xi32>
              %jit3A_735 = arith.constant 0 : i32
              %broadcast_in_dim3A_736 = vector.broadcast %jit3A_735 : i32 to vector<16xi32>
              %select_n3A_737 = arith.select %ge3A_734, %gather3A_731, %broadcast_in_dim3A_736 : vector<16xi1>, vector<16xi32>
              %add3A_738 = arith.addi %add3A_722, %select_n3A_737 : vector<16xi32>
              %sub3A_739 = arith.subi %add3A_738, %select_n3A_674 : vector<16xi32>
              %broadcast_in_dim3A_740 = arith.constant 15 : i32
              %broadcast_in_dim3A_741 = vector.broadcast %broadcast_in_dim3A_740 : i32 to vector<16xi32>
              %reshape3A_742 = vector.shape_cast %broadcast_in_dim3A_741 : vector<16xi32> to vector<16x1xi32>
              %gather3A_743 = vector.shape_cast %reshape3A_742 : vector<16x1xi32> to vector<16xi32>
              %gather3A_744 = tpu.dynamic_gather %add3A_738[%gather3A_743] in [0] : vector<16xi32>, vector<16xi32> -> vector<16xi32>
              %slice3A_745 = vector.extract_strided_slice %gather3A_744 {offsets = [0], sizes = [1], strides = [1]} : vector<16xi32> to vector<1xi32>
              %squeeze3A_746 = vector.extract %slice3A_745[0] : i32 from vector<1xi32>
              %broadcast_in_dim3A_747 = vector.broadcast %while3A_660 : i32 to vector<16xi32>
              %add3A_748 = arith.addi %broadcast_in_dim3A_747, %sub3A_739 : vector<16xi32>
              %broadcast_in_dim3A_749 = arith.constant 127 : i32
              %broadcast_in_dim3A_750 = vector.broadcast %broadcast_in_dim3A_749 : i32 to vector<16xi32>
              %select_n3A_751 = arith.select %lt3A_667, %add3A_748, %broadcast_in_dim3A_750 : vector<16xi1>, vector<16xi32>
              %broadcast_in_dim3A_752 = arith.constant 100000 : i32
              %broadcast_in_dim3A_753 = vector.broadcast %broadcast_in_dim3A_752 : i32 to vector<16xi32>
              %select_n3A_754 = arith.select %lt3A_667, %add3A_665, %broadcast_in_dim3A_753 : vector<16xi1>, vector<16xi32>
              tpu.vector_store_idx %arg7[%select_n3A_751], %select_n3A_754 : memref<128xi32, #tpu.memory_space<vmem>>[vector<16xi32>], vector<16xi32>,
              tpu.vector_store_idx %arg8[%select_n3A_751], %broadcast_in_dim3A_669 : memref<128xi32, #tpu.memory_space<vmem>>[vector<16xi32>], vector<16xi32>,
              %add3A_755 = arith.addi %while3A_660, %squeeze3A_746 : i32
              %gt3A_756 = arith.constant 112 : i32
              %gt3A_757 = arith.cmpi sgt, %add3A_755, %gt3A_756 : i32
              %convert_element_type3A_758 = arith.extui %gt3A_757 : i1 to i32
              %cond3A_759 = arith.constant 0 : i32
              %cond3A_760 = arith.cmpi ne, %convert_element_type3A_758, %cond3A_759 : i32
              scf.if %cond3A_760 {
                "tpu.region"() ({
                  %run_scoped3A = tpu.sem_alloc : memref<!tpu.dma_semaphore, #tpu.memory_space<semaphore_mem>>
                  %dma_start3A = arith.constant 0 : i32
                  %dma_start3A_795 = tpu.memref_slice %arg4[%dma_start3A] : memref<100016xi32, #tpu.memory_space<hbm>> -> memref<100016xi32, #tpu.memory_space<hbm>>
                  tpu.enqueue_indirect_dma source(%arg8 : memref<128xi32, #tpu.memory_space<vmem>>) target(%dma_start3A_795 : memref<100016xi32, #tpu.memory_space<hbm>>) offsets(%arg7 : memref<128xi32, #tpu.memory_space<vmem>>) semaphore(%run_scoped3A : memref<!tpu.dma_semaphore, #tpu.memory_space<semaphore_mem>>)
                  %dma_wait3A = arith.constant 0 : i32
                  %dma_wait3A_796 = tpu.memref_slice %arg4[%dma_wait3A] : memref<100016xi32, #tpu.memory_space<hbm>> -> memref<100016xi32, #tpu.memory_space<hbm>>
                  tpu.wait_indirect_dma semaphore(%run_scoped3A : memref<!tpu.dma_semaphore, #tpu.memory_space<semaphore_mem>>) src(%arg8 : memref<128xi32, #tpu.memory_space<vmem>>) dst(%dma_wait3A_796 : memref<100016xi32, #tpu.memory_space<hbm>>)
                  tpu.yield
                }) : () -> ()
                %broadcast_in_dim3A_763 = arith.constant 100000 : i32
                %broadcast_in_dim3A_764 = vector.broadcast %broadcast_in_dim3A_763 : i32 to vector<16xi32>
                %swap3A_765 = arith.constant 0 : index
                %swap3A_766 = tpu.vector_load %arg7[%swap3A_765] {strides = array<i32>} : memref<128xi32, #tpu.memory_space<vmem>>, vector<16xi32>,
                tpu.vector_store %arg7[%swap3A_765], %broadcast_in_dim3A_764 {strides = array<i32>} : memref<128xi32, #tpu.memory_space<vmem>>, vector<16xi32>,
                %broadcast_in_dim3A_767 = arith.constant 100000 : i32
                %broadcast_in_dim3A_768 = vector.broadcast %broadcast_in_dim3A_767 : i32 to vector<16xi32>
                %swap3A_769 = arith.constant 16 : index
                %swap3A_770 = tpu.vector_load %arg7[%swap3A_769] {strides = array<i32>} : memref<128xi32, #tpu.memory_space<vmem>>, vector<16xi32>,
                tpu.vector_store %arg7[%swap3A_769], %broadcast_in_dim3A_768 {strides = array<i32>} : memref<128xi32, #tpu.memory_space<vmem>>, vector<16xi32>,
                %broadcast_in_dim3A_771 = arith.constant 100000 : i32
                %broadcast_in_dim3A_772 = vector.broadcast %broadcast_in_dim3A_771 : i32 to vector<16xi32>
                %swap3A_773 = arith.constant 32 : index
                %swap3A_774 = tpu.vector_load %arg7[%swap3A_773] {strides = array<i32>} : memref<128xi32, #tpu.memory_space<vmem>>, vector<16xi32>,
                tpu.vector_store %arg7[%swap3A_773], %broadcast_in_dim3A_772 {strides = array<i32>} : memref<128xi32, #tpu.memory_space<vmem>>, vector<16xi32>,
                %broadcast_in_dim3A_775 = arith.constant 100000 : i32
                %broadcast_in_dim3A_776 = vector.broadcast %broadcast_in_dim3A_775 : i32 to vector<16xi32>
                %swap3A_777 = arith.constant 48 : index
                %swap3A_778 = tpu.vector_load %arg7[%swap3A_777] {strides = array<i32>} : memref<128xi32, #tpu.memory_space<vmem>>, vector<16xi32>,
                tpu.vector_store %arg7[%swap3A_777], %broadcast_in_dim3A_776 {strides = array<i32>} : memref<128xi32, #tpu.memory_space<vmem>>, vector<16xi32>,
                %broadcast_in_dim3A_779 = arith.constant 100000 : i32
                %broadcast_in_dim3A_780 = vector.broadcast %broadcast_in_dim3A_779 : i32 to vector<16xi32>
                %swap3A_781 = arith.constant 64 : index
                %swap3A_782 = tpu.vector_load %arg7[%swap3A_781] {strides = array<i32>} : memref<128xi32, #tpu.memory_space<vmem>>, vector<16xi32>,
                tpu.vector_store %arg7[%swap3A_781], %broadcast_in_dim3A_780 {strides = array<i32>} : memref<128xi32, #tpu.memory_space<vmem>>, vector<16xi32>,
                %broadcast_in_dim3A_783 = arith.constant 100000 : i32
                %broadcast_in_dim3A_784 = vector.broadcast %broadcast_in_dim3A_783 : i32 to vector<16xi32>
                %swap3A_785 = arith.constant 80 : index
                %swap3A_786 = tpu.vector_load %arg7[%swap3A_785] {strides = array<i32>} : memref<128xi32, #tpu.memory_space<vmem>>, vector<16xi32>,
                tpu.vector_store %arg7[%swap3A_785], %broadcast_in_dim3A_784 {strides = array<i32>} : memref<128xi32, #tpu.memory_space<vmem>>, vector<16xi32>,
                %broadcast_in_dim3A_787 = arith.constant 100000 : i32
                %broadcast_in_dim3A_788 = vector.broadcast %broadcast_in_dim3A_787 : i32 to vector<16xi32>
                %swap3A_789 = arith.constant 96 : index
                %swap3A_790 = tpu.vector_load %arg7[%swap3A_789] {strides = array<i32>} : memref<128xi32, #tpu.memory_space<vmem>>, vector<16xi32>,
                tpu.vector_store %arg7[%swap3A_789], %broadcast_in_dim3A_788 {strides = array<i32>} : memref<128xi32, #tpu.memory_space<vmem>>, vector<16xi32>,
                %broadcast_in_dim3A_791 = arith.constant 100000 : i32
                %broadcast_in_dim3A_792 = vector.broadcast %broadcast_in_dim3A_791 : i32 to vector<16xi32>
                %swap3A_793 = arith.constant 112 : index
                %swap3A_794 = tpu.vector_load %arg7[%swap3A_793] {strides = array<i32>} : memref<128xi32, #tpu.memory_space<vmem>>, vector<16xi32>,
                tpu.vector_store %arg7[%swap3A_793], %broadcast_in_dim3A_792 {strides = array<i32>} : memref<128xi32, #tpu.memory_space<vmem>>, vector<16xi32>,
              } else {
              }
              %jit3A_761 = arith.constant 0 : i32
              %select_n3A_762 = arith.select %gt3A_757, %jit3A_761, %add3A_755 : i32
              scf.yield %select_n3A_762 : i32
            }
            scf.yield %while3A_658 : i32
          } else {
            scf.yield %scan3A_617 : i32
          }
          scf.yield %cond3A_643 : i32
        }
        %scan3A_615 = arith.constant 16 : i32
        scf.yield %scan3A_614 : i32
      } else {
        scf.yield %select_n3A_467 : i32
      }
      %jit3A_561 = arith.constant 1 : i32
      %jit3A_562 = arith.constant 0 : i32
      %broadcast_in_dim3A_563 = vector.broadcast %jit3A_561 : i32 to vector<16xi32>
      %broadcast_in_dim3A_564 = vector.broadcast %jit3A_562 : i32 to vector<16xi32>
      %select_n3A_565 = arith.select %ne3A, %broadcast_in_dim3A_563, %broadcast_in_dim3A_564 : vector<16xi1>, vector<16xi32>
      %broadcast_in_dim3A_566 = arith.constant 15 : i32
      %broadcast_in_dim3A_567 = vector.broadcast %broadcast_in_dim3A_566 : i32 to vector<16xi32>
      %reshape3A_568 = vector.shape_cast %broadcast_in_dim3A_567 : vector<16xi32> to vector<16x1xi32>
      %gather3A_569 = vector.shape_cast %reshape3A_568 : vector<16x1xi32> to vector<16xi32>
      %gather3A_570 = tpu.dynamic_gather %select_n3A_565[%gather3A_569] in [0] : vector<16xi32>, vector<16xi32> -> vector<16xi32>
      %eq3A_571 = arith.constant 0 : i32
      %eq3A_572 = vector.broadcast %eq3A_571 : i32 to vector<16xi32>
      %eq3A_573 = arith.cmpi eq, %gather3A_570, %eq3A_572 : vector<16xi32>
      %broadcast_in_dim3A_574 = arith.constant 15 : i32
      %broadcast_in_dim3A_575 = vector.broadcast %broadcast_in_dim3A_574 : i32 to vector<16xi32>
      %reshape3A_576 = vector.shape_cast %broadcast_in_dim3A_575 : vector<16xi32> to vector<16x1xi32>
      %gather3A_577 = vector.shape_cast %reshape3A_576 : vector<16x1xi32> to vector<16xi32>
      %gather3A_578 = tpu.dynamic_gather %get3A_143[%gather3A_577] in [0] : vector<16xi32>, vector<16xi32> -> vector<16xi32>
      %broadcast_in_dim3A_579 = arith.constant -1 : i32
      %broadcast_in_dim3A_580 = vector.broadcast %broadcast_in_dim3A_579 : i32 to vector<16xi32>
      %select_n3A_581 = arith.select %eq3A_573, %gather3A_578, %broadcast_in_dim3A_580 : vector<16xi1>, vector<16xi32>
      %broadcast_in_dim3A_582 = arith.constant 15 : i32
      %broadcast_in_dim3A_583 = vector.broadcast %broadcast_in_dim3A_582 : i32 to vector<16xi32>
      %reshape3A_584 = vector.shape_cast %broadcast_in_dim3A_583 : vector<16xi32> to vector<16x1xi32>
      %gather3A_585 = vector.shape_cast %reshape3A_584 : vector<16x1xi32> to vector<16xi32>
      %gather3A_586 = tpu.dynamic_gather %select_n3A_367[%gather3A_585] in [0] : vector<16xf32>, vector<16xi32> -> vector<16xf32>
      %broadcast_in_dim3A_587 = arith.constant 0.000000e+00 : f32
      %broadcast_in_dim3A_588 = vector.broadcast %broadcast_in_dim3A_587 : f32 to vector<16xf32>
      %select_n3A_589 = arith.select %eq3A_573, %gather3A_586, %broadcast_in_dim3A_588 : vector<16xi1>, vector<16xf32>
      %broadcast_in_dim3A_590 = arith.constant 15 : i32
      %broadcast_in_dim3A_591 = vector.broadcast %broadcast_in_dim3A_590 : i32 to vector<16xi32>
      %reshape3A_592 = vector.shape_cast %broadcast_in_dim3A_591 : vector<16xi32> to vector<16x1xi32>
      %gather3A_593 = vector.shape_cast %reshape3A_592 : vector<16x1xi32> to vector<16xi32>
      %gather3A_594 = tpu.dynamic_gather %select_n3A_368[%gather3A_593] in [0] : vector<16xi32>, vector<16xi32> -> vector<16xi32>
      %broadcast_in_dim3A_595 = arith.constant 0 : i32
      %broadcast_in_dim3A_596 = vector.broadcast %broadcast_in_dim3A_595 : i32 to vector<16xi32>
      %select_n3A_597 = arith.select %eq3A_573, %gather3A_594, %broadcast_in_dim3A_596 : vector<16xi1>, vector<16xi32>
      %broadcast_in_dim3A_598 = arith.constant 15 : i32
      %broadcast_in_dim3A_599 = vector.broadcast %broadcast_in_dim3A_598 : i32 to vector<16xi32>
      %reshape3A_600 = vector.shape_cast %broadcast_in_dim3A_599 : vector<16xi32> to vector<16x1xi32>
      %gather3A_601 = vector.shape_cast %reshape3A_600 : vector<16x1xi32> to vector<16xi32>
      %gather3A_602 = tpu.dynamic_gather %select_n3A_370[%gather3A_601] in [0] : vector<16xi32>, vector<16xi32> -> vector<16xi32>
      %broadcast_in_dim3A_603 = arith.constant 1600000 : i32
      %broadcast_in_dim3A_604 = vector.broadcast %broadcast_in_dim3A_603 : i32 to vector<16xi32>
      %select_n3A_605 = arith.select %eq3A_573, %gather3A_602, %broadcast_in_dim3A_604 : vector<16xi1>, vector<16xi32>
      %slice3A_606 = vector.extract_strided_slice %select_n3A_605 {offsets = [0], sizes = [1], strides = [1]} : vector<16xi32> to vector<1xi32>
      %squeeze3A_607 = vector.extract %slice3A_606[0] : i32 from vector<1xi32>
      %add3A_608 = arith.constant 16 : i32
      %add3A_609 = arith.addi %multiple_of3A_125, %add3A_608 : i32
      scf.yield %cond3A_560, %select_n3A_581, %select_n3A_589, %select_n3A_597, %select_n3A_605, %squeeze3A_607, %add3A_609 : i32, vector<16xi32>, vector<16xf32>, vector<16xi32>, vector<16xi32>, i32, i32
    }
    "tpu.region"() ({
      %run_scoped3A = tpu.sem_alloc : memref<!tpu.dma_semaphore, #tpu.memory_space<semaphore_mem>>
      %dma_start3A = arith.constant 0 : i32
      %dma_start3A_118 = tpu.memref_slice %arg4[%dma_start3A] : memref<100016xi32, #tpu.memory_space<hbm>> -> memref<100016xi32, #tpu.memory_space<hbm>>
      tpu.enqueue_indirect_dma source(%arg8 : memref<128xi32, #tpu.memory_space<vmem>>) target(%dma_start3A_118 : memref<100016xi32, #tpu.memory_space<hbm>>) offsets(%arg7 : memref<128xi32, #tpu.memory_space<vmem>>) semaphore(%run_scoped3A : memref<!tpu.dma_semaphore, #tpu.memory_space<semaphore_mem>>)
      %dma_wait3A = arith.constant 0 : i32
      %dma_wait3A_119 = tpu.memref_slice %arg4[%dma_wait3A] : memref<100016xi32, #tpu.memory_space<hbm>> -> memref<100016xi32, #tpu.memory_space<hbm>>
      tpu.wait_indirect_dma semaphore(%run_scoped3A : memref<!tpu.dma_semaphore, #tpu.memory_space<semaphore_mem>>) src(%arg8 : memref<128xi32, #tpu.memory_space<vmem>>) dst(%dma_wait3A_119 : memref<100016xi32, #tpu.memory_space<hbm>>)
      tpu.yield
    }) : () -> ()
    %broadcast_in_dim3A_86 = arith.constant 100000 : i32
    %broadcast_in_dim3A_87 = vector.broadcast %broadcast_in_dim3A_86 : i32 to vector<16xi32>
    %swap3A_88 = arith.constant 0 : index
    %swap3A_89 = tpu.vector_load %arg7[%swap3A_88] {strides = array<i32>} : memref<128xi32, #tpu.memory_space<vmem>>, vector<16xi32>,
    tpu.vector_store %arg7[%swap3A_88], %broadcast_in_dim3A_87 {strides = array<i32>} : memref<128xi32, #tpu.memory_space<vmem>>, vector<16xi32>,
    %broadcast_in_dim3A_90 = arith.constant 100000 : i32
    %broadcast_in_dim3A_91 = vector.broadcast %broadcast_in_dim3A_90 : i32 to vector<16xi32>
    %swap3A_92 = arith.constant 16 : index
    %swap3A_93 = tpu.vector_load %arg7[%swap3A_92] {strides = array<i32>} : memref<128xi32, #tpu.memory_space<vmem>>, vector<16xi32>,
    tpu.vector_store %arg7[%swap3A_92], %broadcast_in_dim3A_91 {strides = array<i32>} : memref<128xi32, #tpu.memory_space<vmem>>, vector<16xi32>,
    %broadcast_in_dim3A_94 = arith.constant 100000 : i32
    %broadcast_in_dim3A_95 = vector.broadcast %broadcast_in_dim3A_94 : i32 to vector<16xi32>
    %swap3A_96 = arith.constant 32 : index
    %swap3A_97 = tpu.vector_load %arg7[%swap3A_96] {strides = array<i32>} : memref<128xi32, #tpu.memory_space<vmem>>, vector<16xi32>,
    tpu.vector_store %arg7[%swap3A_96], %broadcast_in_dim3A_95 {strides = array<i32>} : memref<128xi32, #tpu.memory_space<vmem>>, vector<16xi32>,
    %broadcast_in_dim3A_98 = arith.constant 100000 : i32
    %broadcast_in_dim3A_99 = vector.broadcast %broadcast_in_dim3A_98 : i32 to vector<16xi32>
    %swap3A_100 = arith.constant 48 : index
    %swap3A_101 = tpu.vector_load %arg7[%swap3A_100] {strides = array<i32>} : memref<128xi32, #tpu.memory_space<vmem>>, vector<16xi32>,
    tpu.vector_store %arg7[%swap3A_100], %broadcast_in_dim3A_99 {strides = array<i32>} : memref<128xi32, #tpu.memory_space<vmem>>, vector<16xi32>,
    %broadcast_in_dim3A_102 = arith.constant 100000 : i32
    %broadcast_in_dim3A_103 = vector.broadcast %broadcast_in_dim3A_102 : i32 to vector<16xi32>
    %swap3A_104 = arith.constant 64 : index
    %swap3A_105 = tpu.vector_load %arg7[%swap3A_104] {strides = array<i32>} : memref<128xi32, #tpu.memory_space<vmem>>, vector<16xi32>,
    tpu.vector_store %arg7[%swap3A_104], %broadcast_in_dim3A_103 {strides = array<i32>} : memref<128xi32, #tpu.memory_space<vmem>>, vector<16xi32>,
    %broadcast_in_dim3A_106 = arith.constant 100000 : i32
    %broadcast_in_dim3A_107 = vector.broadcast %broadcast_in_dim3A_106 : i32 to vector<16xi32>
    %swap3A_108 = arith.constant 80 : index
    %swap3A_109 = tpu.vector_load %arg7[%swap3A_108] {strides = array<i32>} : memref<128xi32, #tpu.memory_space<vmem>>, vector<16xi32>,
    tpu.vector_store %arg7[%swap3A_108], %broadcast_in_dim3A_107 {strides = array<i32>} : memref<128xi32, #tpu.memory_space<vmem>>, vector<16xi32>,
    %broadcast_in_dim3A_110 = arith.constant 100000 : i32
    %broadcast_in_dim3A_111 = vector.broadcast %broadcast_in_dim3A_110 : i32 to vector<16xi32>
    %swap3A_112 = arith.constant 96 : index
    %swap3A_113 = tpu.vector_load %arg7[%swap3A_112] {strides = array<i32>} : memref<128xi32, #tpu.memory_space<vmem>>, vector<16xi32>,
    tpu.vector_store %arg7[%swap3A_112], %broadcast_in_dim3A_111 {strides = array<i32>} : memref<128xi32, #tpu.memory_space<vmem>>, vector<16xi32>,
    %broadcast_in_dim3A_114 = arith.constant 100000 : i32
    %broadcast_in_dim3A_115 = vector.broadcast %broadcast_in_dim3A_114 : i32 to vector<16xi32>
    %swap3A_116 = arith.constant 112 : index
    %swap3A_117 = tpu.vector_load %arg7[%swap3A_116] {strides = array<i32>} : memref<128xi32, #tpu.memory_space<vmem>>, vector<16xi32>,
    tpu.vector_store %arg7[%swap3A_116], %broadcast_in_dim3A_115 {strides = array<i32>} : memref<128xi32, #tpu.memory_space<vmem>>, vector<16xi32>,
    return
  }
}

</mosaic_0001>

<sc_bundles>
// kernel: _run.3.cloned.1.call-start
scs
__scs_entry_jumppad:
0x0: {  	(pc) =	sbr.rel $0x88, $3  }
0x1: {  	(tag) =	ssettag $0x0;
	lr =	simm.s32 $0x1  }
0x2: {  	[smem:$0x3F9F] =	sst lr;
	_ =	strace $0xD0000000  }
0x3: {  	_ = 	snop  }
0x4: {  	_ = 	snop  }
0x5: {  	_ = 	snop  }
0x6: {  	_ = 	snop  }
0x7: {  	_ = 	snop  }
__scs_overlays_trampoline_lowered:
0x8: {  	[smem:$0x3FAE] =	sst s0  }
0x9: {  	[smem:$0x3FAF] =	sst s1  }
0xa: {  	[smem:$0x3FB0] =	sst s2  }
0xb: {  	[smem:$0x3FB1] =	sst s3  }
0xc: {  	[smem:$0x3FB2] =	sst s4  }
0xd: {  	[smem:$0x3FB3] =	sst s5  }
0xe: {  	[smem:$0x3FB4] =	sst s6  }
0xf: {  	[smem:$0x3FB5] =	sst s7  }
0x10: {  	[smem:$0x3FB6] =	sst s8  }
0x11: {  	[smem:$0x3FB7] =	sst s9;
	s0 =	simm.s32 @!p0 $0x0  }
0x12: {  	s1 =	sld [smem:$0x3F9D];
	s0 =	simm.s32 @p0 $0x1  }
0x13: {  	[smem:$0x3FB8] =	sst s0;
	s0 =	simm.s32 @!p1 $0x0  }
0x14: {  	s2 =	sld [smem:$0x3F9C];
	s0 =	simm.s32 @p1 $0x1  }
0x15: {  	[smem:$0x3FB9] =	sst s0;
	s0 =	simm.s32 @!p2 $0x0  }
0x16: {  	s3 =	sld [smem:$0x3FDB];
	s0 =	simm.s32 @p2 $0x1  }
0x17: {  	s4 =	simm.s32 $0x1BF5;
	[smem:$0x3FBB] =	sst s0  }
0x18: {  	s0 =	sld [smem:$0x3F9E];
	_ =	swait.ge [sflag:s4], $0x0  }
0x19: {  	s7 =	sld [smem:$0x3F9F]  }
0x1a: {  	s8 =	sadd.s32 $0xFFFFE003, lr  }
0x1b: {  	s9 =	sadd.s32 $0xFFFFFEF7, lr;
	s5 =	simm.s32 $0xFFFFFFFF;
	p2 =	slt.u32 s8, $0xFFFFF086  }
0x1c: {  	p1 =	slt.u32 s9, $0xF7A;
	s5 =	simm.s32 @!p2 $0x0  }
0x1d: {  	s5 =	simm.s32 @p1 $0x1;
	p0 =	seq.s32 s7, s2  }
0x1e: {  	s7 =	smul.u32 @!p0 $0xF7A, s2;
	p2 =	seq.s32 @!p0 s5, $0x0  }
0x1f: {  	s9 =	smul.u32 $0xF7A, s1;
	s8 =	simm.s32 @!p0 $0x1BF5;
	p2 =	por !p2, p0  }
0x20: {  	[sflag:s8] =	ssyncset.s32 @!p0 $0xFFFFF086;
	s6 =	sadd.s32 @!p0 s3, s7;
	s7 =	simm.s32 @!p0 $0x108  }
0x21: {  	s3 =	sadd.s32 s3, s9;
	s6 =	sadd.s32 @!p0 $0x88, s6;
	s7 =	simm.s32 @p2 $0x1082  }
0x22: {  	[simem:s7], [sflag:s8] =	dma.local @!p0 [hbm:s6], $0xF7A  }
0x23: {  	s9 =	sor.u32 $0xD0000000, s2;
	s6 =	simm.s32 $0x108;
	_ =	swait.ge @!p0 [sflag:s8], $0x0  }
0x24: {  	s3 =	sadd.s32 $0x88, s3;
	s6 =	simm.s32 @!p1 $0x1082;
	[sflag:s4] =	ssyncset.s32 $0xFFFFF086  }
0x25: {  	[simem:s6], [sflag:s4] =	dma.local [hbm:s3], $0xF7A  }
0x26: {  	[smem:$0x3F9F] =	sst s1;
	(tag) =	ssettag s2;
	_ =	strace s9  }
0x27: {  	s1 =	sld [smem:$0x3FAF]  }
0x28: {  	s2 =	sld [smem:$0x3FB0]  }
0x29: {  	s4 =	sld [smem:$0x3FB2]  }
0x2a: {  	p0 =	seq.s32 s5, $0x0;
	s5 =	sld [smem:$0x3FB3]  }
0x2b: {  	s6 =	sld [smem:$0x3FB4]  }
0x2c: {  	s7 =	sld [smem:$0x3FB5]  }
0x2d: {  	s3 =	simm.s32 $0x108;
	s8 =	sld [smem:$0x3FB6]  }
0x2e: {  	s3 =	simm.s32 @!p0 $0x1082;
	s9 =	sld [smem:$0x3FB7]  }
0x2f: {  	lr =	sadd.s32 s0, s3;
	s0 =	sld [smem:$0x3FAE]  }
0x30: {  	s3 =	sld [smem:$0x3FB1]  }
0x31: {  	[smem:$0x3FBA] =	sst s10  }
0x32: {  	s10 =	sld [smem:$0x3FB8];
	_ =	sdelay $0x3  }
0x33: {  	p0 =	seq.s32 s10, $0x1;
	s10 =	sld [smem:$0x3FBA];
	_ =	sdelay $0x3  }
0x34: {  	[smem:$0x3FBA] =	sst s10  }
0x35: {  	s10 =	sld [smem:$0x3FB9];
	_ =	sdelay $0x3  }
0x36: {  	p1 =	seq.s32 s10, $0x1;
	s10 =	sld [smem:$0x3FBA];
	_ =	sdelay $0x3  }
0x37: {  	[smem:$0x3FBA] =	sst s10  }
0x38: {  	s10 =	sld [smem:$0x3FBB]  }
0x39: {  	_ = 	snop;
	(pc) =	sbr.ind lr, $3  }
0x3a: {  	_ = 	snop  }
0x3b: {  	_ = 	snop  }
0x3c: {  	p2 =	seq.s32 s10, $0x1;
	s10 =	sld [smem:$0x3FBA]  }
0x3d: {  	_ =	shalt  }
0x3e: {  	_ =	shalt  }
0x3f: {  	_ =	shalt  }
0x40: {  	_ =	shalt  }
0x41: {  	_ =	shalt  }
0x42: {  	_ =	shalt  }
0x43: {  	_ =	shalt  }
0x44: {  	_ =	shalt  }
0x45: {  	_ =	shalt  }
0x46: {  	_ =	shalt  }
0x47: {  	_ =	shalt  }
0x48: {  	_ =	shalt  }
0x49: {  	_ =	shalt  }
0x4a: {  	_ =	shalt  }
0x4b: {  	_ =	shalt  }
0x4c: {  	_ =	shalt  }
0x4d: {  	_ =	shalt  }
0x4e: {  	_ =	shalt  }
0x4f: {  	_ =	shalt  }
0x50: {  	_ =	shalt  }
0x51: {  	_ =	shalt  }
0x52: {  	_ =	shalt  }
0x53: {  	_ =	shalt  }
0x54: {  	_ =	shalt  }
0x55: {  	_ =	shalt  }
0x56: {  	_ =	shalt  }
0x57: {  	_ =	shalt  }
0x58: {  	_ =	shalt  }
0x59: {  	_ =	shalt  }
0x5a: {  	_ =	shalt  }
0x5b: {  	_ =	shalt  }
0x5c: {  	_ =	shalt  }
0x5d: {  	_ =	shalt  }
0x5e: {  	_ =	shalt  }
0x5f: {  	_ =	shalt  }
0x60: {  	_ =	shalt  }
0x61: {  	_ =	shalt  }
0x62: {  	_ =	shalt  }
0x63: {  	_ =	shalt  }
0x64: {  	_ =	shalt  }
0x65: {  	_ =	shalt  }
0x66: {  	_ =	shalt  }
0x67: {  	_ =	shalt  }
0x68: {  	_ =	shalt  }
0x69: {  	_ =	shalt  }
0x6a: {  	_ =	shalt  }
0x6b: {  	_ =	shalt  }
0x6c: {  	_ =	shalt  }
0x6d: {  	_ =	shalt  }
0x6e: {  	_ =	shalt  }
0x6f: {  	_ =	shalt  }
0x70: {  	_ =	shalt  }
0x71: {  	_ =	shalt  }
0x72: {  	_ =	shalt  }
0x73: {  	_ =	shalt  }
0x74: {  	_ =	shalt  }
0x75: {  	_ =	shalt  }
0x76: {  	_ =	shalt  }
0x77: {  	_ =	shalt  }
0x78: {  	_ =	shalt  }
0x79: {  	_ =	shalt  }
0x7a: {  	_ =	shalt  }
0x7b: {  	_ =	shalt  }
0x7c: {  	_ =	shalt  }
0x7d: {  	_ =	shalt  }
0x7e: {  	_ =	shalt  }
0x7f: {  	_ =	shalt  }
0x80: {  	_ =	shalt  }
0x81: {  	_ =	shalt  }
0x82: {  	_ =	shalt  }
0x83: {  	_ =	shalt  }
0x84: {  	_ =	shalt  }
0x85: {  	_ =	shalt  }
0x86: {  	_ =	shalt  }
0x87: {  	_ =	shalt  }
.Lfunc_end0:
.L_simem_size_0:
called_computation_lowered:
.L_overlay_start_0:
0x88: {  	s2 =	sld [smem:$0x3FD9]  }
0x89: {  	s3 =	sld [smem:$0x3FFE];
	_ =	sdelay $0x1  }
0x8a: {  	s1 =	srdreg.scid  }
0x8b: {  	s0 =	sand.u32 $0x1, s1  }
0x8c: {  	s18 =	sshll.u32 s0, $0xA;
	s2 =	sadd.s32 s3, s2  }
0x8d: {  	s2 =	sadd.s32 s2, s18  }
0x8e: {  	[smem:$0x3FC6] =	sst s2  }
0x8f: {  	_ = 	snop  }
0x90: {  	s2 =	sld [smem:$0x3FC9]  }
0x91: {  	s19 =	sld [smem:$0x3FC8]  }
0x92: {  	s4 =	sld [smem:$0x3FD0];
	(tm) =	ssettm $0x1  }
0x93: {  	s5 =	sld [smem:$0x3FFB];
	_ =	sdelay $0x3  }
0x94: {  	_ =	strace s5  }
0x95: {  	s5 =	sld [smem:$0x3FFC];
	_ =	sdelay $0x3  }
0x96: {  	_ =	strace s5  }
0x97: {  	s5 =	sld [smem:$0x3FFD];
	_ =	sdelay $0x3  }
0x98: {  	_ =	strace s5  }
0x99: {  	_ =	strace $0x8FFFFFFF  }
0x9a: {  	s20 =	sld [smem:$0x3FDB];
	_ =	sdelay $0x1  }
0x9b: {  	s6 =	simm.s32 $_scs_section_size  }
0x9c: {  	s7 =	simm.s32 $_size__tile_overlayer_lowered;
	s8 =	simm.s32 $_tile_overlayer_lowered  }
0x9d: {  	s23 =	simm.s32 $0x1BFF;
	s22 =	sshll.u32 s8, $0x1;
	s5 =	sadd.s32 s6, s20  }
0x9e: {  	s9 =	simm.s32 $0x0;
	s21 =	sshll.u32 s7, $0x1;
	s7 =	sadd.s32 s22, s5  }
0x9f: {  	[timem:s9], [sflag:s23] =	dma.local [hbm:s7], s21  }
0xa0: {  	_ =	swait.ge [sflag:s23], s21  }
0xa1: {  	s6 =	ssub.s32 $0x0, s21;
	[sflag:s23] =	ssyncset.done $0x0  }
0xa2: {  	[sflag:s23] =	ssyncadd.s32 s6;
	_ =	sdelay $0x1  }
0xa3: {  	s24 =	simm.s32 $0x1B8B  }
0xa4: {  	_ =	swait.ge [sflag:s24], $0x1  }
0xa5: {  	[sflag:s24] =	ssyncset.done $0x0  }
0xa6: {  	s25 =	simm.s32 $0x1B8E;
	[sflag:s24] =	ssyncadd.s32 $0xFFFFFFFF  }
0xa7: {  	s26 =	simm.s32 $execute0_lowered;
	[smem:$0x3FD2] =	sst s25  }
0xa8: {  	s6 =	sshll.u32 s26, $0x1;
	_ =	strace $0x80000046;
	[dreg:$0x1] =	wrdreg $0xFFFFFFFF  }
0xa9: {  	s28 =	simm.s32 $_size_execute0_lowered;
	s5 =	sadd.s32 s5, s6;
	[dreg:$0x0] =	wrdreg $0x0  }
0xaa: {  	s6 =	sshll.u32 s28, $0x1;
	[dreg:$0x2] =	wrdreg s5  }
0xab: {  	[dreg:$0x3] =	wrdreg s6  }
0xac: {  	[dreg:$0x4] =	wrdreg $0xC0  }
0xad: {  	_ =	task [dreg:s9], $0x5FFFF  }
0xae: {  	[dreg:$0x1] =	wrdreg $0xFFFFFFFF  }
0xaf: {  	[dreg:$0x0] =	wrdreg $0x60  }
0xb0: {  	[dreg:$0x2] =	wrdreg s2  }
0xb1: {  	[dreg:$0x3] =	wrdreg s19  }
0xb2: {  	[dreg:$0x4] =	wrdreg s4  }
0xb3: {  	[dreg:$0x5] =	wrdreg $0x9  }
0xb4: {  	_ =	task.clear_ibuf [dreg:s9], $0x6FFFF;
	_ =	strace $0x90000046  }
0xb5: {  	s29 =	simm.s32 $0x9;
	_ =	strace $0x80000048  }
0xb6: {  	_ =	swait.ge [sflag:s29], $0x1  }
0xb7: {  	[sflag:s29] =	ssyncadd.s32 $0xFFFFFFFF  }
0xb8: {  	_ =	strace $0x90000048  }
0xb9: {  	_ =	sfence  }
0xba: {  	s30 =	sld [smem:$0x0];
	_ =	sdelay $0x2  }
0xbb: {  	s31 =	sshll.u32 s1, $0xD;
	s1 =	sshrl.u32 s1, $0x2  }
0xbc: {  	s3 =	sand.u32 $0x4000, s31;
	s1 =	sadd.s32 s1, s30  }
0xbd: {  	s0 =	sor.u32 s3, s0;
	s1 =	sshll.u32 s1, $0x11  }
0xbe: {  	s0 =	sor.u32 s1, s0  }
0xbf: {  	s0 =	sadd.s32 $0x8F2B, s0  }
0xc0: {  	[sflag:s0] =	ssyncadd.remote.s32 $0x1  }
0xc1: {  	_ =	sfence.sel $0xFFFF  }
0xc2: {  	[dreg:$0x0] =	wrdreg $0xFFFFFFFF;
	(pc) =	sbr.abs _section_cstart, $3  }
0xc3: {  	[dreg:$0x1] =	wrdreg $0xFFFFFFFF  }
0xc4: {  	_ =	task.clear_ibuf [dreg:s9], $0x2FFFF;
	_ =	strace $0x9FFFFFFF  }
0xc5: {  	(tm) =	ssettm $0x7FFFFFFF  }
tec
execute0_lowered:
.L_overlay_start_1:
0x0: {  	(tag) =	ssettag $0x1  }
0x1: {  	s4 =	rddreg [dreg:$0x1]  }
0x2: {  	s1 =	srdreg.scid;
	v1 =	vimm.s32 $0xEDCBA987;
	v3 =	vimm.s32 $0x65432100;
	v4 =	vimm.s32 $0xF;
	s6 =	rddreg [dreg:$0x2]  }
0x3: {  	s0 =	stileid.u32;
	v8 =	vimm.s32 $0xDCBA9876;
	v9 =	vimm.s32 $0x54321000;
	v10 =	vimm.s32 $0xBA987654;
	s5 =	rddreg [dreg:$0x3]  }
0x4: {  	s7 =	simm.s32 $0x0;
	vm0 =	vmmov $0x3;
	vm2 =	vcmask $0x3F30;
	s14 =	simm.s32 $0xC380;
	s15 =	simm.s32 $0x18700;
	v5 =	vunpack.c.l.s4.s8 v1  }
0x5: {  	vm1 =	vmmov $0xf;
	s16 =	simm.s32 $0x18780;
	vm4 =	vcmask $0x3F08;
	s8 =	sand.u32 $0x1, s1;
	s30 =	sshll.u32 s0, $0x1;
	v6 =	vunpack.c.l.s4.s8 v3  }
0x6: {  	vm5 =	vcmask $0x3F10;
	s17 =	simm.s32 $0x80;
	s18 =	simm.s32 $0x0;
	v8 =	vunpack.c.l.s4.s8 v8;
	s13 =	sor.u32 s8, s30;
	v7 =	vunpack.c.0.s8.s32 v5  }
0x7: {  	vm6 =	vcmask $0x3F20;
	v3 =	vimm.s32 $0x186A0;
	[smem:$0x7FF] =	sst s7;
	s8 =	ssub.s32 $0x2, s8;
	s1 =	smul.u32 $0xC350, s13;
	v6 =	vunpack.c.0.s8.s32 v6  }
0x8: {  	v10 =	vunpack.c.l.s4.s8 v10;
	v8 =	vunpack.c.0.s8.s32 v8;
	s10 =	sshrl.u32 s8, $0x1;
	p0 =	sgt.s32 s13, $0x0;
	p1 =	seq.s32 s13, $0x0;
	v7 =	vand.u32 $0xF, v7  }
0x9: {  	s12 =	ssub.s32 s8, s10;
	s3 =	sadd.s32 $0xFFFFFFFF, s1;
	s9 =	sadd.s32 $0xFFFFFFF0, s1;
	v6 =	vcombine.low v6, v7;
	v7 =	vunpack.c.l.s4.s8 v9;
	v9 =	vimm.s32 $0xE40000  }
0xa: {  	v5 =	vlaneseq.u32;
	v10 =	vunpack.c.0.s8.s32 v10;
	s2 =	sadd.s32 $0xC350, s1;
	s31 =	sshrl.u32 s1, $0x3;
	s9 =	sshrl.u32 s9, $0x3;
	v9 =	vunpack.c.l.s2.s4 v9  }
0xb: {  	v8 =	vand.u32 $0xF, v8;
	s12 =	smax.u32 s12, $0x1;
	s8 =	sadd.s32 s4, s9;
	s9 =	simm.s32 @!p0 $0x0;
	v11 =	vunpack.c.0.s8.s32 v7;
	v7 =	vimm.s32 $0x32100000  }
0xc: {  	v0 =	vmov s3;
	s3 =	rddreg [dreg:$0x0];
	s9 =	simm.s32 @p0 $0x1;
	p0 =	seq.s32 s13, $0x1F;
	v12 =	vunpack.c.l.s4.s8 v7;
	v9 =	vunpack.c.l.s4.s8 v9  }
.Ltmp0:
0xd: {  	v1 =	vmov s1;
	v2 =	vmov s2;
	_ =	strace $0x80000047;
	s13 =	simm.s32 @!p0 $0x0;
	v8 =	vcombine.low v11, v8;
	(pc) =	sbr.rel .LBB2_1-.Ltmp0, $4  }
0xe: {  	s11 =	sshrl.u32 s2, $0x3;
	s13 =	simm.s32 @p0 $0x1;
	p0 =	sne.s32 s2, $0x186A00;
	v11 =	vunpack.c.0.s8.s32 v12;
	v12 =	vimm.s32 $0x7060504;
	v13 =	vunpack.c.0.s8.s32 v9  }
0xf: {  	s10 =	sadd.s32 s4, s31;
	v7 =	vimm.s32 $0x0;
	v9 =	vand.u32 $0xF, v10;
	[smem:$0x7FC] =	sst s13;
	s13 =	simm.s32 @!p0 $0x0;
	v10 =	vunpack.c.0.s8.s32 v12  }
0x10: {  	s11 =	sadd.s32 s4, s11;
	[smem:$0x7FB] =	sst s9;
	s13 =	simm.s32 @p0 $0x1;
	v12 =	vadd.s32 $0x1, v5;
	v9 =	vcombine.low v11, v9;
	v11 =	vand.u32 $0x3, v13  }
0x11: {  	s9 =	sadd.s32 s3, s31;
	[smem:$0x7FD] =	sst s13;
	s13 =	simm.s32 $0x1;
	v10 =	vsel vm2, v10, v11;
	vm2 =	vmmov $0xff;
	v11 =	vimm.s32 $0x7FFFFFFF  }
.LBB2_48:
0x12: {  	[hbm4b:s6+s17] =	stream.indirect.scatter [tilespmem:s16], [sflag:$0x1], $0x1, s15, s17, $0xb8;
	[tilespmem:$0x18800] =	vst v63  }
0x13: {  	_ =	swait.ge [sflag:s13], $0x80  }
0x14: {  	[sflag:s13] =	ssyncset.done $0x0  }
0x15: {  	[sflag:s13] =	ssyncadd.s32 $0xFFFFFF80  }
0x16: {  	[tilespmem:$0x18700] =	vst v3  }
0x17: {  	s18 =	sadd.s32 $0x1, s18;
	[tilespmem:$0x18710] =	vst v3  }
0x18: {  	p0 =	sne.s32 s18, s12;
	[tilespmem:$0x18720] =	vst v3  }
.Ltmp1:
0x19: {  	[tilespmem:$0x18730] =	vst v3;
	(pc) =	sbr.rel @!p0 .LBB2_49-.Ltmp1, $4  }
0x1a: {  	[tilespmem:$0x18740] =	vst v3  }
0x1b: {  	[tilespmem:$0x18750] =	vst v3  }
0x1c: {  	[tilespmem:$0x18760] =	vst v3  }
0x1d: {  	[tilespmem:$0x18770] =	vst v3  }
.LBB2_1:
0x1e: {  	[tilespmem:$0x18700] =	vst v3  }
0x1f: {  	[tilespmem:$0x18710] =	vst v3  }
0x20: {  	[tilespmem:$0x18720] =	vst v3  }
0x21: {  	[tilespmem:$0x18730] =	vst v3  }
0x22: {  	[tilespmem:$0x18740] =	vst v3  }
0x23: {  	[tilespmem:$0x18750] =	vst v3  }
0x24: {  	[tilespmem:$0x18760] =	vst v3  }
0x25: {  	[tilespmem:$0x18770] =	vst v3;
	s19 =	simm.s32 @!p1 $0x0;
	s20 =	simm.s32 @!p1 $0xC380  }
0x26: {  	[tilespmem:s20], [sflag:$0x1] =	stream.linear.gather @!p1 [hbm4b:s8+s19], $0x10, $0x38;
	[tilespmem:$0x18800] =	vst v63  }
0x27: {  	s19 =	simm.s32 @!p1 $0x1  }
0x28: {  	_ =	swait.ge @!p1 [sflag:s19], $0x10  }
0x29: {  	[sflag:s19] =	ssyncset.done @!p1 $0x0  }
0x2a: {  	[sflag:s19] =	ssyncadd.s32 @!p1 $0xFFFFFFF0  }
0x2b: {  	v13 =	vld [tilespmem:$0xC380];
	[tilespmem:s7], [sflag:$0x1] =	stream.linear.gather [hbm4b:s9+s7], $0xC350, $0x38  }
0x2c: {  	_ =	swait.ge [sflag:s13], $0xC350  }
0x2d: {  	[sflag:s13] =	ssyncset.done $0x0  }
0x2e: {  	[sflag:s13] =	ssyncadd.s32 $0xFFFF3CB0  }
0x2f: {  	[tilespmem:s14], [sflag:$0x1] =	stream.linear.gather [hbm4b:s10+s7], $0xC350, $0x38;
	[tilespmem:$0x18800] =	vst v63  }
0x30: {  	_ =	swait.ge [sflag:s13], $0xC350  }
0x31: {  	s30 =	sld [smem:$0x7FC];
	_ =	sdelay $0x2  }
0x32: {  	[sflag:s13] =	ssyncset.done $0x0;
	p0 =	seq.s32 s30, $0x1  }
0x33: {  	[sflag:s13] =	ssyncadd.s32 $0xFFFF3CB0;
	s19 =	simm.s32 @!p0 $0x0;
	s20 =	simm.s32 @!p0 $0x186D0  }
0x34: {  	[tilespmem:s20], [sflag:$0x1] =	stream.linear.gather @!p0 [hbm4b:s11+s19], $0x10, $0x38;
	[tilespmem:$0x18800] =	vst v63  }
0x35: {  	s19 =	simm.s32 @!p0 $0x1  }
0x36: {  	_ =	swait.ge @!p0 [sflag:s19], $0x10  }
0x37: {  	[sflag:s19] =	ssyncset.done @!p0 $0x0  }
0x38: {  	[sflag:s19] =	ssyncadd.s32 @!p0 $0xFFFFFFF0  }
0x39: {  	v14 =	vld @p1 [tilespmem:$0xC380];
	_ =	sdelay $0x4  }
0x3a: {  	(v2sf) =	vpush @p1 v14, $0x0;
	_ =	sdelay $0xe  }
0x3b: {  	s19 =	spop @p1 (v2sf)  }
0x3c: {  	s19 =	sadd.s32 @p1 $0xF, s19  }
0x3d: {  	p0 =	slt.s32 @p1 s19, $0x10  }
0x3e: {  	s31 =	sld [smem:$0x7FD];
	p0 =	por !p1, p0  }
.Ltmp2:
0x3f: {  	_ = 	snop;
	(pc) =	sbr.rel @p0 .LBB2_2-.Ltmp2, $4  }
0x40: {  	_ = 	snop  }
0x41: {  	p2 =	seq.s32 s31, $0x1  }
0x42: {  	v15 =	vimm.s32 @!p2 $0x186A0  }
0x43: {  	[tilespmem:$0x186D0] =	vst @!p2 v15  }
0x44: {  	s20 =	sshra.s32 @p1 s19, $0x1F  }
0x45: {  	s20 =	sshrl.u32 @p1 s20, $0x1C  }
0x46: {  	s19 =	sadd.s32 @p1 s20, s19  }
0x47: {  	s20 =	sshra.s32 @p1 s19, $0x4  }
0x48: {  	s20 =	sadd.s32 $0xFFFFFFFF, s20  }
0x49: {  	p0 =	seq.s32 s20, $0x0  }
.Ltmp3:
0x4a: {  	_ = 	snop;
	(pc) =	sbr.rel @p0 .LBB2_8-.Ltmp3, $4  }
0x4b: {  	_ = 	snop  }
0x4c: {  	v18 =	vbroadcast v14, $0x0;
	s19 =	simm.s32 $0x0  }
0x4d: {  	v15 =	vor.u32 s19, v5  }
0x4e: {  	p4 =	por $0x0, $0x0;
	p5 =	por $0x0, $0x0;
	p6 =	por $0x0, $0x0;
	vm7 =	vlt.s32 v15, v18  }
0x4f: {  	v14 =	vsel vm7, $0x1, v7  }
0x50: {  	v16 =	vperm.xlane v14, v6  }
0x51: {  	vm9 =	veq.s32 v5, $0x0  }
0x52: {  	v16 =	vsel vm9, $0x0, v16  }
0x53: {  	v14 =	vadd.s32 v14, v16  }
0x54: {  	v16 =	vperm.xlane v14, v8;
	_ =	sdelay $0x1  }
0x55: {  	s20 =	sadd.s32 $0xFFFFFFFF, s20;
	v16 =	vsel vm0, $0x0, v16  }
0x56: {  	p0 =	seq.s32 s20, $0x0;
	v14 =	vadd.s32 v16, v14  }
.Ltmp4:
0x57: {  	v16 =	vperm.xlane v14, v9;
	(pc) =	sbr.rel @p0 .LBB2_10-.Ltmp4, $4  }
0x58: {  	_ = 	snop  }
0x59: {  	s21 =	simm.s32 $0x10;
	v16 =	vsel vm1, $0x0, v16  }
0x5a: {  	v17 =	vor.u32 s21, v5;
	v20 =	vadd.s32 v16, v14  }
0x5b: {  	vm8 =	vmmov vm7;
	p4 =	por $0x1, $0x1;
	vm7 =	vlt.s32 v17, v18;
	v21 =	vperm.xlane v20, v10  }
0x5c: {  	v14 =	vsel vm7, $0x1, v7  }
0x5d: {  	v16 =	vperm.xlane v14, v6;
	_ =	sdelay $0x1  }
0x5e: {  	v16 =	vsel vm9, $0x0, v16  }
0x5f: {  	v14 =	vadd.s32 v14, v16  }
0x60: {  	v16 =	vperm.xlane v14, v8;
	_ =	sdelay $0x1  }
0x61: {  	s21 =	sadd.s32 $0xFFFFFFFF, s20;
	v19 =	vsel vm2, $0x0, v21;
	v16 =	vsel vm0, $0x0, v16  }
0x62: {  	p0 =	seq.s32 s21, $0x0;
	v19 =	vadd.s32 v19, v20;
	v14 =	vadd.s32 v16, v14  }
.Ltmp5:
0x63: {  	v16 =	vperm.xlane v19, v4;
	v20 =	vperm.xlane v14, v9;
	(pc) =	sbr.rel @p0 .LBB2_12-.Ltmp5, $4  }
0x64: {  	vm9 =	vmmov vm8;
	vm8 =	vmmov vm7  }
0x65: {  	s31 =	simm.s32 $0x20;
	(v2sf) =	vpush v16, $0x0;
	v16 =	vsel vm9, $0xFFFFFFFF, v7;
	v20 =	vsel vm1, $0x0, v20  }
0x66: {  	v16 =	vadd.s32 s19, v16;
	v20 =	vadd.s32 v20, v14;
	v14 =	vor.u32 s31, v5  }
0x67: {  	p5 =	por $0x1, $0x1;
	v16 =	vadd.s32 v19, v16;
	vm7 =	vlt.s32 v14, v18;
	v21 =	vperm.xlane v20, v10  }
0x68: {  	_ =	sdelay $0x1  }
0x69: {  	v19 =	vsel vm7, $0x1, v7  }
0x6a: {  	v22 =	vperm.xlane v19, v6  }
0x6b: {  	vm11 =	veq.s32 v5, $0x0  }
0x6c: {  	v22 =	vsel vm11, $0x0, v22  }
0x6d: {  	v19 =	vadd.s32 v19, v22  }
0x6e: {  	v22 =	vperm.xlane v19, v8  }
0x6f: {  	v21 =	vsel vm2, $0x0, v21  }
0x70: {  	v20 =	vadd.s32 v21, v20;
	v22 =	vsel vm0, $0x0, v22  }
0x71: {  	v21 =	vadd.s32 v22, v19;
	v22 =	vperm.xlane v20, v4;
	_ =	sdelay $0x1  }
0x72: {  	s20 =	spop (v2sf);
	(v2sf) =	vpush v22, $0x0;
	_ =	sdelay $0x1  }
0x73: {  	s24 =	sadd.s32 $0xFFFFFFFF, s21  }
0x74: {  	vm12 =	vmmov vm9;
	p2 =	seq.s32 s24, $0x0;
	s20 =	sadd.s32 $0x0, s20  }
.Ltmp6:
0x75: {  	vm10 =	vmmov vm8;
	v19 =	vnsel vm12, $0x7F, v16;
	v23 =	vperm.xlane v21, v9;
	p0 =	slt.s32 s20, $0x71;
	(pc) =	sbr.rel @p2 .LBB2_14-.Ltmp6, $4  }
0x76: {  	v24 =	vsel vm10, $0xFFFFFFFF, v7;
	s20 =	simm.s32 @!p0 $0x0  }
0x77: {  	vm8 =	vmmov vm7;
	s26 =	simm.s32 $0x30;
	v23 =	vsel vm1, $0x0, v23;
	v22 =	vadd.s32 s20, v24  }
0x78: {  	p6 =	por $0x1, $0x1;
	s22 =	simm.s32 @!p0 $0x80;
	s21 =	simm.s32 @!p0 $0x18700;
	v24 =	vor.u32 s26, v5;
	v22 =	vadd.s32 v20, v22;
	v20 =	vadd.s32 v23, v21  }
0x79: {  	s23 =	simm.s32 @!p0 $0x18780;
	s25 =	simm.s32 @!p0 $0x1;
	p0 =	por p0, p0;
	vm7 =	vlt.s32 v24, v18;
	v23 =	vnsel vm12, $0x186A0, v15;
	v21 =	vperm.xlane v20, v10  }
.LBB2_15:
0x7a: {  	s24 =	sadd.s32 $0xFFFFFFFF, s24;
	v25 =	vsel vm7, $0x1, v7;
	[tilespmem:v19+s15+$0x0] =	vst.idx.msk $0xffff, v23;
	v26 =	vmovc v14;
	v14 =	vmovc v24;
	vm12 =	vmmov vm10;
	vm10 =	vmmov vm8  }
0x7b: {  	vm8 =	vmmov vm7;
	p3 =	seq.s32 s24, $0x0;
	v23 =	vperm.xlane v25, v6;
	v21 =	vsel vm2, $0x0, v21;
	[tilespmem:v19+s16+$0x0] =	vst.idx.msk $0xffff, v11  }
0x7c: {  	v20 =	vadd.s32 v21, v20;
	[hbm4b:s6+s22] =	stream.indirect.scatter @!p0 [tilespmem:s23], [sflag:$0x1], $0x1, s21, s22, $0xb8;
	[tilespmem:$0x18800] =	vst v63  }
0x7d: {  	v19 =	vnsel vm12, $0x7F, v22;
	v21 =	vsel vm11, $0x0, v23;
	v23 =	vperm.xlane v20, v4;
	_ =	swait.ge @!p0 [sflag:s25], $0x80  }
0x7e: {  	v21 =	vadd.s32 v25, v21;
	[sflag:s25] =	ssyncset.done @!p0 $0x0  }
0x7f: {  	v25 =	vimm.s32 @!p0 $0x186A0;
	v22 =	vperm.xlane v21, v8;
	(v2sf) =	vpush v23, $0x0;
	[sflag:s25] =	ssyncadd.s32 @!p0 $0xFFFFFF80  }
0x80: {  	s21 =	spop (v2sf)  }
0x81: {  	[tilespmem:$0x18700] =	vst @!p0 v25;
	s20 =	sadd.s32 s20, s21  }
0x82: {  	v22 =	vsel vm0, $0x0, v22;
	[tilespmem:$0x18770] =	vst @!p0 v25;
	p2 =	slt.s32 s20, $0x71  }
0x83: {  	v21 =	vadd.s32 v22, v21;
	[tilespmem:$0x18760] =	vst @!p0 v25;
	s22 =	simm.s32 @!p2 $0x80  }
.Ltmp7:
0x84: {  	v23 =	vsel vm10, $0xFFFFFFFF, v7;
	v22 =	vperm.xlane v21, v9;
	s21 =	simm.s32 @!p2 $0x18700;
	s20 =	simm.s32 @!p2 $0x0;
	[tilespmem:$0x18750] =	vst @!p0 v25;
	(pc) =	sbr.rel @!p3 .LBB2_15-.Ltmp7, $4  }
0x85: {  	s23 =	simm.s32 @!p2 $0x18780;
	v23 =	vadd.s32 s20, v23;
	[tilespmem:$0x18740] =	vst @!p0 v25  }
0x86: {  	s26 =	sadd.s32 $0x10, s26;
	s25 =	simm.s32 @!p2 $0x1;
	v27 =	vsel vm1, $0x0, v22;
	v22 =	vadd.s32 v20, v23;
	[tilespmem:$0x18730] =	vst @!p0 v25  }
0x87: {  	v24 =	vor.u32 s26, v5;
	v20 =	vadd.s32 v27, v21;
	[tilespmem:$0x18720] =	vst @!p0 v25  }
0x88: {  	vm7 =	vlt.s32 v24, v18;
	v23 =	vnsel vm12, $0x186A0, v17;
	v17 =	vmovc v26;
	v21 =	vperm.xlane v20, v10;
	[tilespmem:$0x18710] =	vst @!p0 v25;
	p0 =	por p2, p2  }
0x89: {  	v18 =	vmov v14;
	v14 =	vmov v24  }
.LBB2_17:
0x8a: {  	_ =	sdelay $0x3  }
0x8b: {  	[tilespmem:v19+s15+$0x0] =	vst.idx.msk @p6 $0xffff, v23  }
0x8c: {  	p0 =	por p0, !p6;
	[tilespmem:v19+s16+$0x0] =	vst.idx.msk @p6 $0xffff, v11  }
0x8d: {  	[hbm4b:s6+s22] =	stream.indirect.scatter @!p0 [tilespmem:s23], [sflag:$0x1], $0x1, s21, s22, $0xb8;
	[tilespmem:$0x18800] =	vst v63  }
0x8e: {  	_ =	swait.ge @!p0 [sflag:s25], $0x80  }
0x8f: {  	[sflag:s25] =	ssyncset.done @!p0 $0x0  }
0x90: {  	v19 =	vsel @p4 vm2, $0x0, v21;
	v23 =	vimm.s32 @!p0 $0x186A0;
	[sflag:s25] =	ssyncadd.s32 @!p0 $0xFFFFFF80  }
0x91: {  	v19 =	vadd.s32 @p4 v19, v20;
	[tilespmem:$0x18700] =	vst @!p0 v23  }
0x92: {  	v56 =	vsel vm7, $0x1, v7;
	v21 =	vperm.xlane @p4 v19, v4;
	[tilespmem:$0x18770] =	vst @!p0 v23  }
0x93: {  	vm10 =	vmmov @p5 vm10;
	v24 =	vperm.xlane v56, v6;
	[tilespmem:$0x18760] =	vst @!p0 v23  }
0x94: {  	vm11 =	veq.s32 v5, $0x0;
	v22 =	vnsel @p5 vm10, $0x7F, v22;
	s21 =	spop @p5 (v2sf);
	(v2sf) =	vpush @p4 v21, $0x0;
	[tilespmem:$0x18750] =	vst @!p0 v23  }
0x95: {  	v57 =	vsel vm11, $0x0, v24;
	s20 =	sadd.s32 @p5 s20, s21;
	v21 =	vpsel p5, v22, v0;
	[tilespmem:$0x18740] =	vst @!p0 v23  }
0x96: {  	v20 =	vadd.s32 v56, v57;
	p6 =	slt.s32 @p5 s20, $0x71;
	[tilespmem:$0x18730] =	vst @!p0 v23  }
0x97: {  	v58 =	vperm.xlane v20, v8;
	[tilespmem:$0x18720] =	vst @!p0 v23;
	p3 =	por p6, !p5  }
0x98: {  	v17 =	vnsel @p5 vm10, $0x186A0, v17;
	[tilespmem:$0x18710] =	vst @!p0 v23;
	p0 =	por @p5 p6, p6;
	s21 =	simm.s32 @!p3 $0x80  }
0x99: {  	v17 =	vpsel p5, v17, v0;
	v22 =	vsel vm0, $0x0, v58;
	s22 =	simm.s32 @!p3 $0x18700;
	s23 =	simm.s32 @!p3 $0x18780;
	s24 =	simm.s32 @!p3 $0x1  }
0x9a: {  	v20 =	vadd.s32 v22, v20;
	p0 =	por @!p5 p0, p0;
	s23 =	smov.u32 @p5 s23;
	s22 =	smov.u32 @p5 s22;
	[tilespmem:v21+s15+$0x0] =	vst.idx.msk @p5 $0xffff, v17  }
0x9b: {  	v22 =	vperm.xlane v20, v9;
	s21 =	smov.u32 @p5 s21;
	s24 =	smov.u32 @p5 s24;
	p0 =	por p0, !p5;
	[tilespmem:v21+s16+$0x0] =	vst.idx.msk @p5 $0xffff, v11  }
0x9c: {  	[hbm4b:s6+s21] =	stream.indirect.scatter @!p0 [tilespmem:s23], [sflag:$0x1], $0x1, s22, s21, $0xb8;
	[tilespmem:$0x18800] =	vst v63  }
0x9d: {  	p2 =	por !p6, !p5;
	v59 =	vsel vm1, $0x0, v22;
	_ =	swait.ge @!p0 [sflag:s24], $0x80  }
0x9e: {  	vm8 =	vmmov @p4 vm8;
	s20 =	simm.s32 @p2 $0x0;
	s21 =	simm.s32 $0x0;
	v17 =	vadd.s32 v59, v20;
	[sflag:s24] =	ssyncset.done @!p0 $0x0  }
0x9f: {  	v22 =	vimm.s32 @!p0 $0x186A0;
	v20 =	vsel @p4 vm8, $0xFFFFFFFF, v7;
	s21 =	smov.u32 @p5 s20;
	v60 =	vperm.xlane v17, v10;
	[sflag:s24] =	ssyncadd.s32 @!p0 $0xFFFFFF80  }
0xa0: {  	v20 =	vadd.s32 @p4 s21, v20;
	[tilespmem:$0x18700] =	vst @!p0 v22  }
0xa1: {  	vm9 =	vmmov @p4 vm8;
	v19 =	vadd.s32 @p4 v19, v20;
	v61 =	vsel vm2, $0x0, v60;
	[tilespmem:$0x18770] =	vst @!p0 v22  }
0xa2: {  	vm8 =	vmmov @p4 vm9;
	v16 =	vpsel p4, v19, v16;
	v17 =	vadd.s32 v61, v17;
	[tilespmem:$0x18760] =	vst @!p0 v22  }
0xa3: {  	[tilespmem:$0x18750] =	vst @!p0 v22;
	v62 =	vperm.xlane v17, v4;
	v16 =	vnsel @p4 vm8, $0x7F, v16;
	s20 =	spop @p4 (v2sf)  }
0xa4: {  	[tilespmem:$0x18740] =	vst @!p0 v22;
	v16 =	vpsel p4, v16, v0;
	s20 =	sadd.s32 @p4 s21, s20  }
0xa5: {  	[tilespmem:$0x18730] =	vst @!p0 v22;
	(v2sf) =	vpush v62, $0x0;
	p2 =	slt.s32 @p4 s20, $0x71  }
0xa6: {  	v15 =	vpsel p4, v18, v15;
	[tilespmem:$0x18720] =	vst @!p0 v22;
	p3 =	por p2, !p4  }
0xa7: {  	v15 =	vnsel @p4 vm8, $0x186A0, v15;
	[tilespmem:$0x18710] =	vst @!p0 v22;
	p0 =	por @p4 p2, p2;
	s21 =	simm.s32 @!p3 $0x80  }
0xa8: {  	v15 =	vpsel p4, v15, v0;
	s22 =	simm.s32 @!p3 $0x18780;
	s23 =	simm.s32 @!p3 $0x18700;
	s24 =	simm.s32 @!p3 $0x1  }
0xa9: {  	[tilespmem:v16+s15+$0x0] =	vst.idx.msk @p4 $0xffff, v15;
	p0 =	por @!p4 p0, p0;
	s22 =	smov.u32 @p4 s22;
	s23 =	smov.u32 @p4 s23  }
0xaa: {  	[tilespmem:v16+s16+$0x0] =	vst.idx.msk @p4 $0xffff, v11;
	s21 =	smov.u32 @p4 s21;
	s24 =	smov.u32 @p4 s24;
	p0 =	por p0, !p4  }
0xab: {  	[hbm4b:s6+s21] =	stream.indirect.scatter @!p0 [tilespmem:s22], [sflag:$0x1], $0x1, s23, s21, $0xb8;
	[tilespmem:$0x18800] =	vst v63  }
0xac: {  	_ =	swait.ge @!p0 [sflag:s24], $0x80  }
0xad: {  	vm7 =	vmmov vm7;
	p2 =	por !p2, !p4;
	[sflag:s24] =	ssyncset.done @!p0 $0x0  }
0xae: {  	vm7 =	vmmov vm7;
	s20 =	simm.s32 @p2 $0x0;
	v15 =	vimm.s32 @!p0 $0x186A0;
	[sflag:s24] =	ssyncadd.s32 @!p0 $0xFFFFFF80  }
0xaf: {  	v63 =	vsel vm7, $0xFFFFFFFF, v7;
	s19 =	smov.u32 @p4 s20;
	[tilespmem:$0x18700] =	vst @!p0 v15  }
0xb0: {  	v16 =	vadd.s32 s19, v63;
	[tilespmem:$0x18770] =	vst @!p0 v15  }
0xb1: {  	vm7 =	vmmov vm7;
	v16 =	vadd.s32 v17, v16;
	[tilespmem:$0x18760] =	vst @!p0 v15  }
0xb2: {  	v16 =	vnsel vm7, $0x7F, v16;
	[tilespmem:$0x18750] =	vst @!p0 v15  }
0xb3: {  	[tilespmem:$0x18740] =	vst @!p0 v15  }
0xb4: {  	[tilespmem:$0x18730] =	vst @!p0 v15;
	s31 =	spop (v2sf)  }
0xb5: {  	[tilespmem:$0x18720] =	vst @!p0 v15;
	s19 =	sadd.s32 s19, s31  }
0xb6: {  	v14 =	vnsel vm7, $0x186A0, v14;
	[tilespmem:$0x18710] =	vst @!p0 v15;
	p2 =	slt.s32 s19, $0x71  }
0xb7: {  	[tilespmem:v16+s15+$0x0] =	vst.idx.msk $0xffff, v14;
	s20 =	simm.s32 @!p2 $0x80;
	s21 =	simm.s32 @!p2 $0x18700  }
0xb8: {  	[tilespmem:v16+s16+$0x0] =	vst.idx.msk $0xffff, v11;
	s22 =	simm.s32 @!p2 $0x18780;
	s23 =	simm.s32 @!p2 $0x1;
	p0 =	por p2, p2  }
0xb9: {  	[hbm4b:s6+s20] =	stream.indirect.scatter @!p0 [tilespmem:s22], [sflag:$0x1], $0x1, s21, s20, $0xb8;
	[tilespmem:$0x18800] =	vst v63  }
0xba: {  	_ =	swait.ge @!p0 [sflag:s23], $0x80  }
0xbb: {  	[sflag:s23] =	ssyncset.done @!p0 $0x0  }
0xbc: {  	v14 =	vimm.s32 @!p0 $0x186A0;
	[sflag:s23] =	ssyncadd.s32 @!p0 $0xFFFFFF80  }
0xbd: {  	[tilespmem:$0x18700] =	vst @!p0 v14  }
0xbe: {  	[tilespmem:$0x18770] =	vst @!p0 v14  }
0xbf: {  	[tilespmem:$0x18760] =	vst @!p0 v14  }
.Ltmp8:
0xc0: {  	[tilespmem:$0x18750] =	vst @!p0 v14;
	(pc) =	sbr.rel .LBB2_3-.Ltmp8, $4  }
0xc1: {  	[tilespmem:$0x18740] =	vst @!p0 v14  }
0xc2: {  	[tilespmem:$0x18730] =	vst @!p0 v14  }
0xc3: {  	[tilespmem:$0x18720] =	vst @!p0 v14  }
0xc4: {  	s19 =	simm.s32 @!p2 $0x0;
	[tilespmem:$0x18710] =	vst @!p0 v14  }
.LBB2_2:
0xc5: {  	s19 =	simm.s32 $0x0  }
0xc6: {  	s19 =	simm.s32 @p1 $0x0  }
.LBB2_3:
.Ltmp9:
0xc7: {  	s20 =	sld [smem:$0x7FB];
	(pc) =	sbr.rel .LBB2_4-.Ltmp9, $4  }
0xc8: {  	_ = 	snop  }
0xc9: {  	v13 =	vperm.xlane v13, v4  }
0xca: {  	p0 =	seq.s32 s20, $0x1  }
0xcb: {  	v19 =	vimm.s32 $0x0;
	v17 =	vmovc v0;
	s20 =	simm.s32 $0x0;
	v18 =	vpsel !p0, $0xFFFFFFFF, v13;
	v13 =	vimm.f32 $-Inf  }
.LBB2_30:
0xcc: {  	s20 =	sadd.s32 $0x1, s20  }
0xcd: {  	v16 =	vsel vm7, $0x1, v7;
	p0 =	seq.s32 s20, $0xC35  }
.Ltmp10:
0xce: {  	v16 =	vperm.xlane v16, v4;
	(pc) =	sbr.rel @p0 .LBB2_31-.Ltmp10, $4  }
0xcf: {  	v13 =	vsel vm8, v13, v18;
	v14 =	vperm.xlane v14, v4;
	v15 =	vperm.xlane v15, v4  }
0xd0: {  	v13 =	vperm.xlane v13, v4;
	vm3 =	veq.s32 v16, $0x0;
	v16 =	vperm.xlane v19, v4  }
0xd1: {  	v18 =	vnsel vm3, $0xFFFFFFFF, v14  }
0xd2: {  	v13 =	vnsel vm3, $0x0, v13;
	v17 =	vnsel vm3, $0x186A00, v15;
	v19 =	vnsel vm3, $0x0, v16  }
.LBB2_4:
0xd3: {  	s21 =	sshll.u32 s20, $0x4  }
0xd4: {  	v14 =	vld [tilespmem:s21+$0xC380];
	_ =	sdelay $0x2  }
0xd5: {  	s22 =	sadd.s32 s1, s21  }
0xd6: {  	v20 =	vor.u32 s22, v5  }
0xd7: {  	v21 =	vperm.xlane v20, v6;
	v15 =	vperm.xlane v14, v6;
	_ =	sdelay $0x1  }
0xd8: {  	vm3 =	vcmask $0x3F04;
	vm15 =	vlt.s32 v21, v20;
	vm7 =	veq.s32 v15, v14  }
0xd9: {  	v15 =	vsel vm15, v21, v20;
	vm14 =	vmand vm7, vm3  }
0xda: {  	v15 =	vsel vm14, v15, v20  }
0xdb: {  	v16 =	vperm.xlane v14, v8;
	v22 =	vperm.xlane v15, v8;
	_ =	sdelay $0x1  }
0xdc: {  	vm7 =	veq.s32 v16, v14;
	vm8 =	vlt.s32 v22, v15  }
0xdd: {  	vm12 =	vmand vm7, vm4;
	v16 =	vsel vm8, v22, v15  }
0xde: {  	v15 =	vsel vm12, v16, v15  }
0xdf: {  	v16 =	vperm.xlane v14, v9;
	v53 =	vperm.xlane v15, v9;
	_ =	sdelay $0x1  }
0xe0: {  	vm7 =	veq.s32 v16, v14;
	vm8 =	vlt.s32 v53, v15  }
0xe1: {  	vm11 =	vmand vm7, vm5;
	v16 =	vsel vm8, v53, v15  }
0xe2: {  	v54 =	vadd.s32 s21, v12;
	v15 =	vsel vm11, v16, v15  }
0xe3: {  	v16 =	vperm.xlane v14, v10;
	v23 =	vperm.xlane v15, v10;
	_ =	sdelay $0x1  }
0xe4: {  	vm7 =	veq.s32 v16, v14;
	vm8 =	vlt.s32 v23, v15  }
0xe5: {  	v24 =	vperm.xlane v14, v7;
	vm10 =	vmand vm7, vm6;
	v23 =	vsel vm8, v23, v15  }
0xe6: {  	v16 =	vld.idx.msk [tilespmem:v54+s14+$0x0], $0xffff;
	v15 =	vsel vm10, v23, v15  }
0xe7: {  	vm7 =	veq.s32 v14, v24;
	vm8 =	veq.s32 v18, v24;
	vm9 =	vlt.s32 v15, v17  }
0xe8: {  	vm8 =	vmand vm7, vm8;
	v17 =	vsel vm9, v15, v17  }
0xe9: {  	v18 =	vld [tilespmem:s21+$0x0];
	v15 =	vsel vm8, v17, v15  }
0xea: {  	vm9 =	vge.s32 v15, v1;
	vm13 =	vlt.s32 v15, v2  }
0xeb: {  	vm7 =	vne.s32 v14, v16;
	vm9 =	vmand vm9, vm13  }
0xec: {  	vm9 =	vmand vm7, vm9  }
0xed: {  	v17 =	vsel vm9, $0x1, v7  }
0xee: {  	v55 =	vperm.xlane v18, v6;
	v56 =	vperm.xlane v17, v6  }
0xef: {  	vm13 =	veq.s32 v5, $0x0  }
0xf0: {  	vm3 =	veq.f32 v55, v18;
	v23 =	vsel vm13, $0x0, v56  }
0xf1: {  	vm3 =	vmand vm3, vm15;
	vm15 =	vgt.f32 v55, v18;
	v17 =	vadd.s32 v17, v23  }
0xf2: {  	vm3 =	vmor vm15, vm3;
	v23 =	vperm.xlane v17, v8  }
0xf3: {  	vm3 =	vmand vm14, vm3  }
0xf4: {  	v18 =	vsel vm3, v55, v18;
	v20 =	vsel vm3, v21, v20;
	v57 =	vsel vm0, $0x0, v23  }
0xf5: {  	v22 =	vperm.xlane v18, v8;
	v58 =	vperm.xlane v20, v8;
	v17 =	vadd.s32 v57, v17  }
0xf6: {  	v21 =	vperm.xlane v17, v9  }
0xf7: {  	vm3 =	veq.f32 v22, v18;
	vm14 =	vlt.s32 v58, v20  }
0xf8: {  	vm3 =	vmand vm3, vm14;
	vm14 =	vgt.f32 v22, v18;
	v21 =	vsel vm1, $0x0, v21  }
0xf9: {  	vm3 =	vmor vm14, vm3;
	v17 =	vadd.s32 v21, v17  }
0xfa: {  	vm3 =	vmand vm12, vm3;
	v21 =	vperm.xlane v17, v10  }
0xfb: {  	v18 =	vsel vm3, v22, v18;
	v20 =	vsel vm3, v58, v20  }
0xfc: {  	v22 =	vperm.xlane v18, v9;
	v23 =	vperm.xlane v20, v9;
	v21 =	vsel vm2, $0x0, v21  }
0xfd: {  	v21 =	vadd.s32 v21, v17  }
0xfe: {  	vm3 =	veq.f32 v22, v18;
	vm12 =	vlt.s32 v23, v20;
	v17 =	vperm.xlane v21, v4  }
0xff: {  	vm3 =	vmand vm3, vm12;
	vm12 =	vgt.f32 v22, v18  }
0x100: {  	vm3 =	vmor vm12, vm3;
	(v2sf) =	vpush v17, $0x0;
	v17 =	vadd.s32 $0x1, v14  }
0x101: {  	vm3 =	vmand vm11, vm3;
	vm11 =	vgt.s32 v16, v17  }
0x102: {  	v18 =	vsel vm3, v22, v18;
	v20 =	vsel vm3, v23, v20;
	vm3 =	vmand vm11, vm9  }
0x103: {  	v22 =	vperm.xlane v18, v10;
	v23 =	vperm.xlane v20, v10;
	v17 =	vsel vm3, $0x1, v7  }
0x104: {  	v59 =	vperm.xlane v17, v6  }
0x105: {  	vm11 =	vlt.s32 v23, v20;
	vm3 =	veq.f32 v22, v18  }
0x106: {  	vm3 =	vmand vm3, vm11;
	vm11 =	vgt.f32 v22, v18;
	v24 =	vsel vm13, $0x0, v59  }
0x107: {  	vm3 =	vmor vm11, vm3;
	v24 =	vadd.s32 v17, v24  }
0x108: {  	vm3 =	vmand vm10, vm3;
	v25 =	vperm.xlane v24, v8  }
0x109: {  	v60 =	vsel vm9, $0xFFFFFFFF, v7;
	v18 =	vsel vm3, v22, v18  }
0x10a: {  	v20 =	vsel vm3, v23, v20;
	v22 =	vadd.s32 s19, v60;
	v61 =	vsel vm0, $0x0, v25  }
0x10b: {  	vm3 =	veq.f32 v13, v18;
	v21 =	vadd.s32 v21, v22;
	v62 =	vadd.s32 v61, v24  }
0x10c: {  	vm10 =	vlt.s32 v19, v20;
	v21 =	vnsel vm9, $0x7F, v21;
	v23 =	vperm.xlane v62, v9  }
0x10d: {  	vm3 =	vmand vm3, vm10;
	vm10 =	vgt.f32 v13, v18  }
0x10e: {  	vm3 =	vmor vm10, vm3;
	v23 =	vsel vm1, $0x0, v23  }
0x10f: {  	vm8 =	vmand vm8, vm3;
	s30 =	spop (v2sf);
	v22 =	vadd.s32 v23, v62  }
0x110: {  	v19 =	vsel vm8, v19, v20;
	v20 =	vnsel vm9, $0x186A0, v14;
	s19 =	sadd.s32 s19, s30;
	v23 =	vperm.xlane v22, v10  }
0x111: {  	v63 =	vsub.s32 v19, v15;
	[tilespmem:v21+s15+$0x0] =	vst.idx.msk $0xffff, v20;
	p0 =	slt.s32 s19, $0x71  }
0x112: {  	[tilespmem:v21+s16+$0x0] =	vst.idx.msk $0xffff, v63;
	s21 =	simm.s32 @!p0 $0x80;
	s22 =	simm.s32 @!p0 $0x18700;
	s23 =	simm.s32 @!p0 $0x18780;
	v20 =	vsel vm2, $0x0, v23  }
0x113: {  	[hbm4b:s6+s21] =	stream.indirect.scatter @!p0 [tilespmem:s23], [sflag:$0x1], $0x1, s22, s21, $0xb8;
	v20 =	vadd.s32 v20, v22;
	[tilespmem:$0x18800] =	vst v63  }
0x114: {  	s21 =	simm.s32 @!p0 $0x1;
	v20 =	vperm.xlane v20, v4  }
0x115: {  	_ =	swait.ge @!p0 [sflag:s21], $0x80  }
0x116: {  	(v2sf) =	vpush v20, $0x0;
	_ =	sdelay $0xb  }
0x117: {  	[sflag:s21] =	ssyncset.done @!p0 $0x0  }
0x118: {  	[sflag:s21] =	ssyncadd.s32 @!p0 $0xFFFFFF80;
	v20 =	vimm.s32 @!p0 $0x186A0  }
0x119: {  	[tilespmem:$0x18700] =	vst @!p0 v20  }
0x11a: {  	[tilespmem:$0x18710] =	vst @!p0 v20;
	s31 =	spop (v2sf)  }
0x11b: {  	[tilespmem:$0x18720] =	vst @!p0 v20;
	p2 =	slt.s32 s31, $0x1  }
.Ltmp11:
0x11c: {  	[tilespmem:$0x18730] =	vst @!p0 v20;
	(pc) =	sbr.rel @!p2 .LBB2_5-.Ltmp11, $4  }
.Ltmp12:
0x11d: {  	[tilespmem:$0x18740] =	vst @!p0 v20;
	(pc) =	sbr.rel @p2 .LBB2_30-.Ltmp12, $4  }
0x11e: {  	[tilespmem:$0x18750] =	vst @!p0 v20  }
0x11f: {  	[tilespmem:$0x18760] =	vst @!p0 v20  }
0x120: {  	s19 =	simm.s32 @!p0 $0x0;
	s21 =	simm.s32 $0x0;
	[tilespmem:$0x18770] =	vst @!p0 v20  }
0x121: {  	_ = 	snop  }
.LBB2_6:
0x122: {  	s19 =	smov.u32 @p0 s19  }
.LBB2_29:
0x123: {  	s21 =	sadd.s32 $0x1, s21  }
0x124: {  	p0 =	sne.s32 s21, $0x10  }
.Ltmp13:
0x125: {  	_ = 	snop;
	(pc) =	sbr.rel @!p0 .LBB2_30-.Ltmp13, $1  }
0x126: {  	_ =	sdelay $0x3  }
.LBB2_5:
0x127: {  	v20 =	vmov s21  }
0x128: {  	v21 =	vperm.xlane v17, v20;
	_ =	sdelay $0x1  }
0x129: {  	(v2sf) =	vpush v21, $0x0;
	_ =	sdelay $0xd  }
0x12a: {  	v21 =	vperm.xlane v14, v20  }
0x12b: {  	v20 =	vperm.xlane v16, v20;
	s22 =	spop (v2sf)  }
0x12c: {  	(v2sf) =	vpush v21, $0x0;
	p0 =	slt.s32 s22, $0x1  }
0x12d: {  	(v2sf) =	vpush @!p0 v20, $0x0;
	_ =	sdelay $0xd  }
0x12e: {  	s22 =	spop (v2sf)  }
0x12f: {  	s23 =	spop @!p0 (v2sf)  }
0x130: {  	s23 =	ssub.s32 @!p0 s23, s22  }
0x131: {  	s23 =	sadd.s32 @!p0 $0xE, s23  }
0x132: {  	p2 =	slt.s32 @!p0 s23, $0x10  }
0x133: {  	p2 =	por p0, p2  }
.Ltmp14:
0x134: {  	_ = 	snop;
	(pc) =	sbr.rel @p2 .LBB2_6-.Ltmp14, $1  }
0x135: {  	_ =	sdelay $0x3  }
0x136: {  	s24 =	sshra.s32 @!p0 s23, $0x1F  }
0x137: {  	s24 =	sshrl.u32 @!p0 s24, $0x1C  }
0x138: {  	s23 =	sadd.s32 @!p0 s24, s23  }
0x139: {  	s23 =	sshra.s32 @!p0 s23, $0x4  }
0x13a: {  	s23 =	sadd.s32 $0xFFFFFFFF, s23  }
0x13b: {  	p0 =	sne.s32 s23, $0x0  }
.Ltmp15:
0x13c: {  	_ = 	snop;
	(pc) =	sbr.rel @!p0 .LBB2_19-.Ltmp15, $4  }
0x13d: {  	_ = 	snop  }
0x13e: {  	s22 =	sadd.s32 $0x1, s22;
	v24 =	vbroadcast v20, $0x0  }
0x13f: {  	v21 =	vadd.s32 s22, v5  }
0x140: {  	p4 =	por $0x0, $0x0;
	p5 =	por $0x0, $0x0;
	p6 =	por $0x0, $0x0;
	vm9 =	vlt.s32 v21, v24  }
0x141: {  	v20 =	vsel vm9, $0x1, v7  }
0x142: {  	v22 =	vperm.xlane v20, v6  }
0x143: {  	vm11 =	veq.s32 v5, $0x0  }
0x144: {  	v22 =	vsel vm11, $0x0, v22  }
0x145: {  	v20 =	vadd.s32 v20, v22  }
0x146: {  	v22 =	vperm.xlane v20, v8;
	_ =	sdelay $0x1  }
0x147: {  	s23 =	sadd.s32 $0xFFFFFFFF, s23;
	v22 =	vsel vm0, $0x0, v22  }
0x148: {  	p0 =	sne.s32 s23, $0x0;
	v20 =	vadd.s32 v22, v20  }
.Ltmp16:
0x149: {  	v22 =	vperm.xlane v20, v9;
	(pc) =	sbr.rel @!p0 .LBB2_21-.Ltmp16, $4  }
0x14a: {  	_ = 	snop  }
0x14b: {  	s22 =	sadd.s32 $0x10, s22;
	v22 =	vsel vm1, $0x0, v22  }
0x14c: {  	v23 =	vadd.s32 s22, v5;
	v26 =	vadd.s32 v22, v20  }
0x14d: {  	vm10 =	vmmov vm9;
	p4 =	por $0x1, $0x1;
	vm9 =	vlt.s32 v23, v24;
	v27 =	vperm.xlane v26, v10  }
0x14e: {  	v20 =	vsel vm9, $0x1, v7  }
0x14f: {  	v22 =	vperm.xlane v20, v6;
	_ =	sdelay $0x1  }
0x150: {  	v22 =	vsel vm11, $0x0, v22  }
0x151: {  	v20 =	vadd.s32 v20, v22  }
0x152: {  	v22 =	vperm.xlane v20, v8;
	_ =	sdelay $0x1  }
0x153: {  	s24 =	sadd.s32 $0xFFFFFFFF, s23;
	v25 =	vsel vm2, $0x0, v27;
	v22 =	vsel vm0, $0x0, v22  }
0x154: {  	p0 =	sne.s32 s24, $0x0;
	v25 =	vadd.s32 v25, v26;
	v20 =	vadd.s32 v22, v20  }
.Ltmp17:
0x155: {  	v22 =	vperm.xlane v25, v4;
	v26 =	vperm.xlane v20, v9;
	(pc) =	sbr.rel @!p0 .LBB2_23-.Ltmp17, $4  }
0x156: {  	vm11 =	vmmov vm10;
	vm10 =	vmmov vm9  }
0x157: {  	s23 =	sadd.s32 $0x10, s22;
	(v2sf) =	vpush v22, $0x0;
	v22 =	vsel vm11, $0xFFFFFFFF, v7;
	v26 =	vsel vm1, $0x0, v26  }
0x158: {  	v22 =	vadd.s32 s19, v22;
	v26 =	vadd.s32 v26, v20;
	v20 =	vadd.s32 s23, v5  }
0x159: {  	p5 =	por $0x1, $0x1;
	v22 =	vadd.s32 v25, v22;
	vm9 =	vlt.s32 v20, v24;
	v27 =	vperm.xlane v26, v10  }
0x15a: {  	_ =	sdelay $0x1  }
0x15b: {  	v25 =	vsel vm9, $0x1, v7  }
0x15c: {  	v28 =	vperm.xlane v25, v6  }
0x15d: {  	vm13 =	veq.s32 v5, $0x0  }
0x15e: {  	v28 =	vsel vm13, $0x0, v28  }
0x15f: {  	v25 =	vadd.s32 v25, v28  }
0x160: {  	v28 =	vperm.xlane v25, v8  }
0x161: {  	v27 =	vsel vm2, $0x0, v27  }
0x162: {  	v26 =	vadd.s32 v27, v26;
	v28 =	vsel vm0, $0x0, v28  }
0x163: {  	v27 =	vadd.s32 v28, v25;
	v28 =	vperm.xlane v26, v4;
	_ =	sdelay $0x1  }
0x164: {  	s22 =	spop (v2sf);
	(v2sf) =	vpush v28, $0x0;
	_ =	sdelay $0x1  }
0x165: {  	s26 =	sadd.s32 $0xFFFFFFFF, s24  }
0x166: {  	vm3 =	vmmov vm11;
	p2 =	sne.s32 s26, $0x0;
	s22 =	sadd.s32 s19, s22  }
.Ltmp18:
0x167: {  	vm12 =	vmmov vm10;
	v25 =	vnsel vm3, $0x7F, v22;
	v29 =	vperm.xlane v27, v9;
	p0 =	slt.s32 s22, $0x71;
	(pc) =	sbr.rel @!p2 .LBB2_25-.Ltmp18, $4  }
0x168: {  	v30 =	vsel vm12, $0xFFFFFFFF, v7;
	s22 =	simm.s32 @!p0 $0x0  }
0x169: {  	vm10 =	vmmov vm9;
	s29 =	sadd.s32 $0x10, s23;
	v29 =	vsel vm1, $0x0, v29;
	v28 =	vadd.s32 s22, v30  }
0x16a: {  	p6 =	por $0x1, $0x1;
	s24 =	simm.s32 @!p0 $0x80;
	s23 =	simm.s32 @!p0 $0x18700;
	v30 =	vadd.s32 s29, v5;
	v28 =	vadd.s32 v26, v28;
	v26 =	vadd.s32 v29, v27  }
0x16b: {  	s25 =	simm.s32 @!p0 $0x18780;
	s28 =	simm.s32 @!p0 $0x1;
	p0 =	por p0, p0;
	vm9 =	vlt.s32 v30, v24;
	v29 =	vnsel vm3, $0x186A0, v21;
	v27 =	vperm.xlane v26, v10  }
.LBB2_26:
0x16c: {  	s26 =	sadd.s32 $0xFFFFFFFF, s26;
	v31 =	vsel vm9, $0x1, v7;
	[tilespmem:v25+s15+$0x0] =	vst.idx.msk $0xffff, v29;
	v32 =	vmovc v20;
	v20 =	vmovc v30;
	vm14 =	vmmov vm12;
	vm12 =	vmmov vm10  }
0x16d: {  	vm10 =	vmmov vm9;
	p3 =	sne.s32 s26, $0x0;
	v29 =	vperm.xlane v31, v6;
	v27 =	vsel vm2, $0x0, v27;
	[tilespmem:v25+s16+$0x0] =	vst.idx.msk $0xffff, v11  }
0x16e: {  	v26 =	vadd.s32 v27, v26;
	[hbm4b:s6+s24] =	stream.indirect.scatter @!p0 [tilespmem:s25], [sflag:$0x1], $0x1, s23, s24, $0xb8;
	[tilespmem:$0x18800] =	vst v63  }
0x16f: {  	v25 =	vnsel vm14, $0x7F, v28;
	v27 =	vsel vm13, $0x0, v29;
	v29 =	vperm.xlane v26, v4;
	_ =	swait.ge @!p0 [sflag:s28], $0x80  }
0x170: {  	v27 =	vadd.s32 v31, v27;
	[sflag:s28] =	ssyncset.done @!p0 $0x0  }
0x171: {  	v31 =	vimm.s32 @!p0 $0x186A0;
	v28 =	vperm.xlane v27, v8;
	(v2sf) =	vpush v29, $0x0;
	[sflag:s28] =	ssyncadd.s32 @!p0 $0xFFFFFF80  }
0x172: {  	s23 =	spop (v2sf)  }
0x173: {  	[tilespmem:$0x18700] =	vst @!p0 v31;
	s22 =	sadd.s32 s22, s23  }
0x174: {  	v28 =	vsel vm0, $0x0, v28;
	[tilespmem:$0x18770] =	vst @!p0 v31;
	p2 =	slt.s32 s22, $0x71  }
0x175: {  	v27 =	vadd.s32 v28, v27;
	[tilespmem:$0x18760] =	vst @!p0 v31;
	s24 =	simm.s32 @!p2 $0x80  }
.Ltmp19:
0x176: {  	v29 =	vsel vm12, $0xFFFFFFFF, v7;
	v28 =	vperm.xlane v27, v9;
	s23 =	simm.s32 @!p2 $0x18700;
	s22 =	simm.s32 @!p2 $0x0;
	[tilespmem:$0x18750] =	vst @!p0 v31;
	(pc) =	sbr.rel @p3 .LBB2_26-.Ltmp19, $4  }
0x177: {  	s25 =	simm.s32 @!p2 $0x18780;
	v29 =	vadd.s32 s22, v29;
	[tilespmem:$0x18740] =	vst @!p0 v31  }
0x178: {  	s29 =	sadd.s32 $0x10, s29;
	s28 =	simm.s32 @!p2 $0x1;
	v33 =	vsel vm1, $0x0, v28;
	v28 =	vadd.s32 v26, v29;
	[tilespmem:$0x18730] =	vst @!p0 v31  }
0x179: {  	v30 =	vadd.s32 s29, v5;
	v26 =	vadd.s32 v33, v27;
	[tilespmem:$0x18720] =	vst @!p0 v31  }
0x17a: {  	vm9 =	vlt.s32 v30, v24;
	v29 =	vnsel vm14, $0x186A0, v23;
	v23 =	vmovc v32;
	v27 =	vperm.xlane v26, v10;
	[tilespmem:$0x18710] =	vst @!p0 v31;
	p0 =	por p2, p2  }
0x17b: {  	v24 =	vmov v20;
	v20 =	vmov v30  }
.LBB2_28:
0x17c: {  	_ =	sdelay $0x3  }
0x17d: {  	[tilespmem:v25+s15+$0x0] =	vst.idx.msk @p6 $0xffff, v29  }
0x17e: {  	p0 =	por p0, !p6;
	[tilespmem:v25+s16+$0x0] =	vst.idx.msk @p6 $0xffff, v11  }
0x17f: {  	[hbm4b:s6+s24] =	stream.indirect.scatter @!p0 [tilespmem:s25], [sflag:$0x1], $0x1, s23, s24, $0xb8;
	[tilespmem:$0x18800] =	vst v63  }
0x180: {  	_ =	swait.ge @!p0 [sflag:s28], $0x80  }
0x181: {  	[sflag:s28] =	ssyncset.done @!p0 $0x0  }
0x182: {  	v25 =	vsel @p4 vm2, $0x0, v27;
	v29 =	vimm.s32 @!p0 $0x186A0;
	[sflag:s28] =	ssyncadd.s32 @!p0 $0xFFFFFF80  }
0x183: {  	v25 =	vadd.s32 @p4 v25, v26;
	[tilespmem:$0x18700] =	vst @!p0 v29  }
0x184: {  	v56 =	vsel vm9, $0x1, v7;
	v27 =	vperm.xlane @p4 v25, v4;
	[tilespmem:$0x18770] =	vst @!p0 v29  }
0x185: {  	vm3 =	vmmov @p5 vm12;
	v30 =	vperm.xlane v56, v6;
	[tilespmem:$0x18760] =	vst @!p0 v29  }
0x186: {  	vm12 =	veq.s32 v5, $0x0;
	v28 =	vnsel @p5 vm3, $0x7F, v28;
	s23 =	spop @p5 (v2sf);
	(v2sf) =	vpush @p4 v27, $0x0;
	[tilespmem:$0x18750] =	vst @!p0 v29  }
0x187: {  	v57 =	vsel vm12, $0x0, v30;
	s22 =	sadd.s32 @p5 s22, s23;
	v27 =	vpsel p5, v28, v0;
	[tilespmem:$0x18740] =	vst @!p0 v29  }
0x188: {  	v26 =	vadd.s32 v56, v57;
	p6 =	slt.s32 @p5 s22, $0x71;
	[tilespmem:$0x18730] =	vst @!p0 v29  }
0x189: {  	v58 =	vperm.xlane v26, v8;
	[tilespmem:$0x18720] =	vst @!p0 v29;
	p3 =	por p6, !p5  }
0x18a: {  	v23 =	vnsel @p5 vm3, $0x186A0, v23;
	[tilespmem:$0x18710] =	vst @!p0 v29;
	p0 =	por @p5 p6, p6;
	s23 =	simm.s32 @!p3 $0x80  }
0x18b: {  	v23 =	vpsel p5, v23, v0;
	v28 =	vsel vm0, $0x0, v58;
	s24 =	simm.s32 @!p3 $0x18700;
	s25 =	simm.s32 @!p3 $0x18780;
	s26 =	simm.s32 @!p3 $0x1  }
0x18c: {  	v26 =	vadd.s32 v28, v26;
	p0 =	por @!p5 p0, p0;
	s25 =	smov.u32 @p5 s25;
	s24 =	smov.u32 @p5 s24;
	[tilespmem:v27+s15+$0x0] =	vst.idx.msk @p5 $0xffff, v23  }
0x18d: {  	v28 =	vperm.xlane v26, v9;
	s23 =	smov.u32 @p5 s23;
	s26 =	smov.u32 @p5 s26;
	p0 =	por p0, !p5;
	[tilespmem:v27+s16+$0x0] =	vst.idx.msk @p5 $0xffff, v11  }
0x18e: {  	[hbm4b:s6+s23] =	stream.indirect.scatter @!p0 [tilespmem:s25], [sflag:$0x1], $0x1, s24, s23, $0xb8;
	[tilespmem:$0x18800] =	vst v63  }
0x18f: {  	p2 =	por !p6, !p5;
	v59 =	vsel vm1, $0x0, v28;
	_ =	swait.ge @!p0 [sflag:s26], $0x80  }
0x190: {  	vm3 =	vmmov @p4 vm10;
	s22 =	simm.s32 @p2 $0x0;
	s23 =	smov.u32 s19;
	v23 =	vadd.s32 v59, v26;
	[sflag:s26] =	ssyncset.done @!p0 $0x0  }
0x191: {  	v28 =	vimm.s32 @!p0 $0x186A0;
	v26 =	vsel @p4 vm3, $0xFFFFFFFF, v7;
	s23 =	smov.u32 @p5 s22;
	v60 =	vperm.xlane v23, v10;
	[sflag:s26] =	ssyncadd.s32 @!p0 $0xFFFFFF80  }
0x192: {  	v26 =	vadd.s32 @p4 s23, v26;
	[tilespmem:$0x18700] =	vst @!p0 v28  }
0x193: {  	vm11 =	vmmov @p4 vm3;
	v25 =	vadd.s32 @p4 v25, v26;
	v61 =	vsel vm2, $0x0, v60;
	[tilespmem:$0x18770] =	vst @!p0 v28  }
0x194: {  	vm3 =	vmmov @p4 vm11;
	v22 =	vpsel p4, v25, v22;
	v23 =	vadd.s32 v61, v23;
	[tilespmem:$0x18760] =	vst @!p0 v28  }
0x195: {  	[tilespmem:$0x18750] =	vst @!p0 v28;
	v62 =	vperm.xlane v23, v4;
	v22 =	vnsel @p4 vm3, $0x7F, v22;
	s22 =	spop @p4 (v2sf)  }
0x196: {  	[tilespmem:$0x18740] =	vst @!p0 v28;
	v22 =	vpsel p4, v22, v0;
	s22 =	sadd.s32 @p4 s23, s22  }
0x197: {  	[tilespmem:$0x18730] =	vst @!p0 v28;
	(v2sf) =	vpush v62, $0x0;
	p2 =	slt.s32 @p4 s22, $0x71  }
0x198: {  	v21 =	vpsel p4, v24, v21;
	[tilespmem:$0x18720] =	vst @!p0 v28;
	p3 =	por p2, !p4  }
0x199: {  	v21 =	vnsel @p4 vm3, $0x186A0, v21;
	[tilespmem:$0x18710] =	vst @!p0 v28;
	p0 =	por @p4 p2, p2;
	s23 =	simm.s32 @!p3 $0x80  }
0x19a: {  	v21 =	vpsel p4, v21, v0;
	s24 =	simm.s32 @!p3 $0x18780;
	s25 =	simm.s32 @!p3 $0x18700;
	s26 =	simm.s32 @!p3 $0x1  }
0x19b: {  	[tilespmem:v22+s15+$0x0] =	vst.idx.msk @p4 $0xffff, v21;
	p0 =	por @!p4 p0, p0;
	s24 =	smov.u32 @p4 s24;
	s25 =	smov.u32 @p4 s25  }
0x19c: {  	[tilespmem:v22+s16+$0x0] =	vst.idx.msk @p4 $0xffff, v11;
	s23 =	smov.u32 @p4 s23;
	s26 =	smov.u32 @p4 s26;
	p0 =	por p0, !p4  }
0x19d: {  	[hbm4b:s6+s23] =	stream.indirect.scatter @!p0 [tilespmem:s24], [sflag:$0x1], $0x1, s25, s23, $0xb8;
	[tilespmem:$0x18800] =	vst v63  }
0x19e: {  	_ =	swait.ge @!p0 [sflag:s26], $0x80  }
0x19f: {  	vm3 =	vmmov vm9;
	p2 =	por !p2, !p4;
	[sflag:s26] =	ssyncset.done @!p0 $0x0  }
0x1a0: {  	vm3 =	vmmov vm3;
	s22 =	simm.s32 @p2 $0x0;
	v21 =	vimm.s32 @!p0 $0x186A0;
	[sflag:s26] =	ssyncadd.s32 @!p0 $0xFFFFFF80  }
0x1a1: {  	v63 =	vsel vm3, $0xFFFFFFFF, v7;
	s19 =	smov.u32 @p4 s22;
	[tilespmem:$0x18700] =	vst @!p0 v21  }
0x1a2: {  	v22 =	vadd.s32 s19, v63;
	[tilespmem:$0x18770] =	vst @!p0 v21  }
0x1a3: {  	vm3 =	vmmov vm3;
	v22 =	vadd.s32 v23, v22;
	[tilespmem:$0x18760] =	vst @!p0 v21  }
0x1a4: {  	v22 =	vnsel vm3, $0x7F, v22;
	[tilespmem:$0x18750] =	vst @!p0 v21  }
0x1a5: {  	[tilespmem:$0x18740] =	vst @!p0 v21  }
0x1a6: {  	[tilespmem:$0x18730] =	vst @!p0 v21;
	s31 =	spop (v2sf)  }
0x1a7: {  	[tilespmem:$0x18720] =	vst @!p0 v21;
	s19 =	sadd.s32 s19, s31  }
0x1a8: {  	v20 =	vnsel vm3, $0x186A0, v20;
	[tilespmem:$0x18710] =	vst @!p0 v21;
	p2 =	slt.s32 s19, $0x71  }
0x1a9: {  	[tilespmem:v22+s15+$0x0] =	vst.idx.msk $0xffff, v20;
	s22 =	simm.s32 @!p2 $0x80;
	s23 =	simm.s32 @!p2 $0x18700  }
0x1aa: {  	[tilespmem:v22+s16+$0x0] =	vst.idx.msk $0xffff, v11;
	s24 =	simm.s32 @!p2 $0x18780;
	s25 =	simm.s32 @!p2 $0x1;
	p0 =	por p2, p2  }
0x1ab: {  	[hbm4b:s6+s22] =	stream.indirect.scatter @!p0 [tilespmem:s24], [sflag:$0x1], $0x1, s23, s22, $0xb8;
	[tilespmem:$0x18800] =	vst v63  }
0x1ac: {  	_ =	swait.ge @!p0 [sflag:s25], $0x80  }
0x1ad: {  	[sflag:s25] =	ssyncset.done @!p0 $0x0  }
0x1ae: {  	v20 =	vimm.s32 @!p0 $0x186A0;
	[sflag:s25] =	ssyncadd.s32 @!p0 $0xFFFFFF80  }
0x1af: {  	[tilespmem:$0x18700] =	vst @!p0 v20  }
0x1b0: {  	[tilespmem:$0x18770] =	vst @!p0 v20  }
0x1b1: {  	[tilespmem:$0x18760] =	vst @!p0 v20  }
.Ltmp20:
0x1b2: {  	[tilespmem:$0x18750] =	vst @!p0 v20;
	(pc) =	sbr.rel .LBB2_29-.Ltmp20, $4  }
0x1b3: {  	[tilespmem:$0x18740] =	vst @!p0 v20  }
0x1b4: {  	[tilespmem:$0x18730] =	vst @!p0 v20  }
0x1b5: {  	[tilespmem:$0x18720] =	vst @!p0 v20  }
0x1b6: {  	s19 =	simm.s32 @!p2 $0x0;
	[tilespmem:$0x18710] =	vst @!p0 v20  }
.LBB2_19:
.Ltmp21:
0x1b7: {  	(pc) =	sbr.rel .LBB2_28-.Ltmp21, $2  }
0x1b8: {  	_ =	sdelay $0x2  }
0x1b9: {  	v20 =	vmov v21;
	s22 =	smov.u32 s19  }
.LBB2_21:
.Ltmp22:
0x1ba: {  	(pc) =	sbr.rel .LBB2_28-.Ltmp22, $2  }
0x1bb: {  	_ =	sdelay $0x2  }
0x1bc: {  	v24 =	vmov v21;
	v20 =	vmov v23;
	s22 =	smov.u32 s19  }
.LBB2_23:
.Ltmp23:
0x1bd: {  	(pc) =	sbr.rel .LBB2_28-.Ltmp23, $2  }
0x1be: {  	_ =	sdelay $0x2  }
0x1bf: {  	v24 =	vmovc v23;
	vm12 =	vmmov vm11;
	v28 =	vmov v22;
	s22 =	smov.u32 s19;
	v23 =	vmov v21  }
.LBB2_25:
.Ltmp24:
0x1c0: {  	(pc) =	sbr.rel .LBB2_28-.Ltmp24, $2  }
0x1c1: {  	_ =	sdelay $0x2  }
0x1c2: {  	v24 =	vmov v20;
	v20 =	vmov v30  }
.LBB2_31:
0x1c3: {  	(v2sf) =	vpush v17, $0x0;
	_ =	sdelay $0xe  }
0x1c4: {  	s20 =	spop (v2sf)  }
0x1c5: {  	p0 =	slt.s32 s20, s1  }
0x1c6: {  	p2 =	slt.s32 @!p0 s20, s2  }
0x1c7: {  	p0 =	por p0, !p2  }
.Ltmp25:
0x1c8: {  	_ = 	snop;
	(pc) =	sbr.rel @!p0 .LBB2_32-.Ltmp25, $4  }
.Ltmp26:
0x1c9: {  	_ = 	snop;
	(pc) =	sbr.rel @p0 .LBB2_48-.Ltmp26, $4  }
0x1ca: {  	_ = 	snop  }
0x1cb: {  	_ = 	snop  }
0x1cc: {  	s20 =	smov.u32 s2  }
0x1cd: {  	_ = 	snop  }
.LBB2_47:
0x1ce: {  	v15 =	vsel vm7, $0x1, v7  }
0x1cf: {  	v15 =	vperm.xlane v15, v4  }
0x1d0: {  	v16 =	vperm.xlane v16, v4  }
0x1d1: {  	vm3 =	veq.s32 v15, $0x0  }
0x1d2: {  	v17 =	vnsel vm3, $0x186A00, v16  }
0x1d3: {  	(v2sf) =	vpush v17, $0x0;
	_ =	sdelay $0xe  }
0x1d4: {  	s21 =	spop (v2sf)  }
0x1d5: {  	p0 =	slt.s32 s21, s1  }
0x1d6: {  	p2 =	slt.s32 @!p0 s21, s2  }
0x1d7: {  	p0 =	por p0, !p2  }
.Ltmp27:
0x1d8: {  	_ = 	snop;
	(pc) =	sbr.rel @p0 .LBB2_48-.Ltmp27, $3  }
0x1d9: {  	v13 =	vsel vm8, v13, v18;
	v14 =	vperm.xlane v14, v4  }
0x1da: {  	v13 =	vperm.xlane v13, v4;
	v15 =	vperm.xlane v19, v4;
	_ =	sdelay $0x1  }
0x1db: {  	v18 =	vnsel vm3, $0xFFFFFFFF, v14;
	v13 =	vnsel vm3, $0x0, v13;
	v19 =	vnsel vm3, $0x0, v15  }
.LBB2_32:
0x1dc: {  	s29 =	sshrl.u32 s20, $0x3  }
0x1dd: {  	s22 =	sadd.s32 s3, s29  }
0x1de: {  	[tilespmem:s7], [sflag:$0x1] =	stream.linear.gather [hbm4b:s22+s7], $0x10, $0x38;
	[tilespmem:$0x18800] =	vst v63  }
0x1df: {  	_ =	swait.ge [sflag:s13], $0x10  }
0x1e0: {  	[sflag:s13] =	ssyncset.done $0x0  }
0x1e1: {  	s21 =	smov.u32 s20;
	s20 =	sadd.s32 s4, s29;
	[sflag:s13] =	ssyncadd.s32 $0xFFFFFFF0  }
0x1e2: {  	[tilespmem:s14], [sflag:$0x1] =	stream.linear.gather [hbm4b:s20+s7], $0x10, $0x38;
	[tilespmem:$0x18800] =	vst v63  }
0x1e3: {  	s20 =	sadd.s32 $0x10, s21  }
0x1e4: {  	p0 =	sgt.s32 s20, $0x1869FF  }
0x1e5: {  	_ =	swait.ge [sflag:s13], $0x10;
	p2 =	sne.s32 @p0 s20, $0x186A00  }
0x1e6: {  	[sflag:s13] =	ssyncset.done $0x0;
	p2 =	por p2, !p0  }
0x1e7: {  	s22 =	sshrl.u32 @!p0 s20, $0x3;
	[sflag:s13] =	ssyncadd.s32 $0xFFFFFFF0;
	v14 =	vimm.s32 @!p2 $0x186A0  }
0x1e8: {  	s23 =	simm.s32 @!p0 $0x0;
	s24 =	simm.s32 @!p0 $0xC390;
	s22 =	sadd.s32 @!p0 s4, s22;
	[tilespmem:$0xC390] =	vst @!p2 v14  }
0x1e9: {  	[tilespmem:s24], [sflag:$0x1] =	stream.linear.gather @!p0 [hbm4b:s22+s23], $0x10, $0x38;
	[tilespmem:$0x18800] =	vst v63  }
0x1ea: {  	s22 =	simm.s32 @!p0 $0x1  }
0x1eb: {  	_ =	swait.ge @!p0 [sflag:s22], $0x10  }
0x1ec: {  	[sflag:s22] =	ssyncset.done @!p0 $0x0  }
0x1ed: {  	[sflag:s22] =	ssyncadd.s32 @!p0 $0xFFFFFFF0  }
0x1ee: {  	v14 =	vld [tilespmem:$0xC380];
	_ =	sdelay $0x3  }
0x1ef: {  	v20 =	vor.u32 s21, v5  }
0x1f0: {  	v21 =	vperm.xlane v20, v6;
	v15 =	vperm.xlane v14, v6;
	_ =	sdelay $0x1  }
0x1f1: {  	vm7 =	vcmask $0x3F04;
	vm15 =	vlt.s32 v21, v20;
	vm3 =	veq.s32 v15, v14  }
0x1f2: {  	v15 =	vsel vm15, v21, v20;
	vm14 =	vmand vm3, vm7  }
0x1f3: {  	v15 =	vsel vm14, v15, v20  }
0x1f4: {  	v16 =	vperm.xlane v14, v8;
	v22 =	vperm.xlane v15, v8;
	_ =	sdelay $0x1  }
0x1f5: {  	vm3 =	veq.s32 v16, v14;
	vm7 =	vlt.s32 v22, v15  }
0x1f6: {  	vm12 =	vmand vm3, vm4;
	v16 =	vsel vm7, v22, v15  }
0x1f7: {  	v15 =	vsel vm12, v16, v15  }
0x1f8: {  	v16 =	vperm.xlane v14, v9;
	v54 =	vperm.xlane v15, v9;
	_ =	sdelay $0x1  }
0x1f9: {  	vm3 =	veq.s32 v16, v14;
	vm7 =	vlt.s32 v54, v15  }
0x1fa: {  	vm11 =	vmand vm3, vm5;
	v16 =	vsel vm7, v54, v15  }
0x1fb: {  	v16 =	vsel vm11, v16, v15  }
0x1fc: {  	v15 =	vperm.xlane v14, v10;
	v55 =	vperm.xlane v16, v10;
	_ =	sdelay $0x1  }
0x1fd: {  	vm3 =	veq.s32 v15, v14;
	vm7 =	vlt.s32 v55, v16  }
0x1fe: {  	v23 =	vperm.xlane v14, v7;
	vm10 =	vmand vm3, vm6;
	v22 =	vsel vm7, v55, v16  }
0x1ff: {  	v15 =	vld.idx.msk [tilespmem:v12+s14+$0x0], $0xffff;
	v16 =	vsel vm10, v22, v16  }
0x200: {  	vm3 =	veq.s32 v14, v23;
	vm7 =	veq.s32 v18, v23;
	vm9 =	vlt.s32 v16, v17  }
0x201: {  	vm8 =	vmand vm3, vm7;
	v17 =	vsel vm9, v16, v17  }
0x202: {  	v18 =	vld [tilespmem:$0x0];
	v16 =	vsel vm8, v17, v16  }
0x203: {  	vm3 =	vge.s32 v16, v1;
	vm9 =	vlt.s32 v16, v2  }
0x204: {  	vm7 =	vne.s32 v14, v15;
	vm3 =	vmand vm3, vm9  }
0x205: {  	vm9 =	vmand vm7, vm3  }
0x206: {  	v17 =	vsel vm9, $0x1, v7  }
0x207: {  	v56 =	vperm.xlane v18, v6;
	v57 =	vperm.xlane v17, v6  }
0x208: {  	vm13 =	veq.s32 v5, $0x0  }
0x209: {  	vm3 =	veq.f32 v56, v18;
	v23 =	vsel vm13, $0x0, v57  }
0x20a: {  	vm3 =	vmand vm3, vm15;
	vm15 =	vgt.f32 v56, v18;
	v17 =	vadd.s32 v17, v23  }
0x20b: {  	vm3 =	vmor vm15, vm3;
	v23 =	vperm.xlane v17, v8  }
0x20c: {  	vm3 =	vmand vm14, vm3  }
0x20d: {  	v18 =	vsel vm3, v56, v18;
	v20 =	vsel vm3, v21, v20;
	v58 =	vsel vm0, $0x0, v23  }
0x20e: {  	v22 =	vperm.xlane v18, v8;
	v59 =	vperm.xlane v20, v8;
	v17 =	vadd.s32 v58, v17  }
0x20f: {  	v21 =	vperm.xlane v17, v9  }
0x210: {  	vm3 =	veq.f32 v22, v18;
	vm14 =	vlt.s32 v59, v20  }
0x211: {  	vm3 =	vmand vm3, vm14;
	vm14 =	vgt.f32 v22, v18;
	v21 =	vsel vm1, $0x0, v21  }
0x212: {  	vm3 =	vmor vm14, vm3;
	v17 =	vadd.s32 v21, v17  }
0x213: {  	vm3 =	vmand vm12, vm3;
	v21 =	vperm.xlane v17, v10  }
0x214: {  	v18 =	vsel vm3, v22, v18;
	v20 =	vsel vm3, v59, v20  }
0x215: {  	v22 =	vperm.xlane v18, v9;
	v23 =	vperm.xlane v20, v9;
	v21 =	vsel vm2, $0x0, v21  }
0x216: {  	v21 =	vadd.s32 v21, v17  }
0x217: {  	vm3 =	veq.f32 v22, v18;
	vm12 =	vlt.s32 v23, v20;
	v17 =	vperm.xlane v21, v4  }
0x218: {  	vm3 =	vmand vm3, vm12;
	vm12 =	vgt.f32 v22, v18  }
0x219: {  	vm3 =	vmor vm12, vm3;
	(v2sf) =	vpush v17, $0x0;
	v17 =	vadd.s32 $0x1, v14  }
0x21a: {  	vm3 =	vmand vm11, vm3;
	vm11 =	vgt.s32 v15, v17  }
0x21b: {  	v18 =	vsel vm3, v22, v18;
	v20 =	vsel vm3, v23, v20;
	vm3 =	vmand vm11, vm9  }
0x21c: {  	v22 =	vperm.xlane v18, v10;
	v23 =	vperm.xlane v20, v10;
	v17 =	vsel vm3, $0x1, v7  }
0x21d: {  	v24 =	vperm.xlane v17, v6  }
0x21e: {  	vm11 =	vlt.s32 v23, v20;
	vm3 =	veq.f32 v22, v18  }
0x21f: {  	vm3 =	vmand vm3, vm11;
	vm11 =	vgt.f32 v22, v18;
	v24 =	vsel vm13, $0x0, v24  }
0x220: {  	vm3 =	vmor vm11, vm3;
	v24 =	vadd.s32 v17, v24  }
0x221: {  	vm3 =	vmand vm10, vm3;
	v25 =	vperm.xlane v24, v8  }
0x222: {  	v60 =	vsel vm9, $0xFFFFFFFF, v7;
	v18 =	vsel vm3, v22, v18  }
0x223: {  	v20 =	vsel vm3, v23, v20;
	v22 =	vadd.s32 s19, v60;
	v61 =	vsel vm0, $0x0, v25  }
0x224: {  	vm3 =	veq.f32 v13, v18;
	v21 =	vadd.s32 v21, v22;
	v62 =	vadd.s32 v61, v24  }
0x225: {  	vm10 =	vlt.s32 v19, v20;
	v21 =	vnsel vm9, $0x7F, v21;
	v23 =	vperm.xlane v62, v9  }
0x226: {  	vm3 =	vmand vm3, vm10;
	vm10 =	vgt.f32 v13, v18  }
0x227: {  	vm3 =	vmor vm10, vm3;
	v23 =	vsel vm1, $0x0, v23  }
0x228: {  	vm8 =	vmand vm8, vm3;
	s30 =	spop (v2sf);
	v22 =	vadd.s32 v23, v62  }
0x229: {  	v19 =	vsel vm8, v19, v20;
	v20 =	vnsel vm9, $0x186A0, v14;
	s19 =	sadd.s32 s19, s30;
	v23 =	vperm.xlane v22, v10  }
0x22a: {  	v63 =	vsub.s32 v19, v16;
	[tilespmem:v21+s15+$0x0] =	vst.idx.msk $0xffff, v20;
	p0 =	slt.s32 s19, $0x71  }
0x22b: {  	[tilespmem:v21+s16+$0x0] =	vst.idx.msk $0xffff, v63;
	s21 =	simm.s32 @!p0 $0x80;
	s22 =	simm.s32 @!p0 $0x18700;
	s23 =	simm.s32 @!p0 $0x18780;
	v20 =	vsel vm2, $0x0, v23  }
0x22c: {  	[hbm4b:s6+s21] =	stream.indirect.scatter @!p0 [tilespmem:s23], [sflag:$0x1], $0x1, s22, s21, $0xb8;
	v20 =	vadd.s32 v20, v22;
	[tilespmem:$0x18800] =	vst v63  }
0x22d: {  	s21 =	simm.s32 @!p0 $0x1;
	v20 =	vperm.xlane v20, v4  }
0x22e: {  	_ =	swait.ge @!p0 [sflag:s21], $0x80  }
0x22f: {  	(v2sf) =	vpush v20, $0x0;
	_ =	sdelay $0xb  }
0x230: {  	[sflag:s21] =	ssyncset.done @!p0 $0x0  }
0x231: {  	[sflag:s21] =	ssyncadd.s32 @!p0 $0xFFFFFF80;
	v20 =	vimm.s32 @!p0 $0x186A0  }
0x232: {  	[tilespmem:$0x18700] =	vst @!p0 v20  }
0x233: {  	[tilespmem:$0x18710] =	vst @!p0 v20;
	s31 =	spop (v2sf)  }
0x234: {  	[tilespmem:$0x18720] =	vst @!p0 v20;
	p2 =	slt.s32 s31, $0x1  }
.Ltmp28:
0x235: {  	[tilespmem:$0x18730] =	vst @!p0 v20;
	(pc) =	sbr.rel @!p2 .LBB2_33-.Ltmp28, $4  }
.Ltmp29:
0x236: {  	[tilespmem:$0x18740] =	vst @!p0 v20;
	(pc) =	sbr.rel @p2 .LBB2_47-.Ltmp29, $4  }
0x237: {  	[tilespmem:$0x18750] =	vst @!p0 v20  }
0x238: {  	[tilespmem:$0x18760] =	vst @!p0 v20  }
0x239: {  	s19 =	simm.s32 @!p0 $0x0;
	s21 =	simm.s32 $0x0;
	[tilespmem:$0x18770] =	vst @!p0 v20  }
0x23a: {  	_ = 	snop  }
.LBB2_34:
0x23b: {  	s19 =	smov.u32 @p0 s19  }
.LBB2_46:
0x23c: {  	s21 =	sadd.s32 $0x1, s21  }
0x23d: {  	p0 =	sne.s32 s21, $0x10  }
.Ltmp30:
0x23e: {  	_ = 	snop;
	(pc) =	sbr.rel @!p0 .LBB2_47-.Ltmp30, $1  }
0x23f: {  	_ =	sdelay $0x3  }
.LBB2_33:
0x240: {  	v20 =	vmov s21  }
0x241: {  	v21 =	vperm.xlane v17, v20;
	_ =	sdelay $0x1  }
0x242: {  	(v2sf) =	vpush v21, $0x0;
	_ =	sdelay $0xd  }
0x243: {  	v21 =	vperm.xlane v14, v20  }
0x244: {  	v20 =	vperm.xlane v15, v20;
	s22 =	spop (v2sf)  }
0x245: {  	(v2sf) =	vpush v21, $0x0;
	p0 =	slt.s32 s22, $0x1  }
0x246: {  	(v2sf) =	vpush @!p0 v20, $0x0;
	_ =	sdelay $0xd  }
0x247: {  	s22 =	spop (v2sf)  }
0x248: {  	s23 =	spop @!p0 (v2sf)  }
0x249: {  	s23 =	ssub.s32 @!p0 s23, s22  }
0x24a: {  	s23 =	sadd.s32 @!p0 $0xE, s23  }
0x24b: {  	p2 =	slt.s32 @!p0 s23, $0x10  }
0x24c: {  	p2 =	por p0, p2  }
.Ltmp31:
0x24d: {  	_ = 	snop;
	(pc) =	sbr.rel @p2 .LBB2_34-.Ltmp31, $1  }
0x24e: {  	_ =	sdelay $0x3  }
0x24f: {  	s24 =	sshra.s32 @!p0 s23, $0x1F  }
0x250: {  	s24 =	sshrl.u32 @!p0 s24, $0x1C  }
0x251: {  	s23 =	sadd.s32 @!p0 s24, s23  }
0x252: {  	s23 =	sshra.s32 @!p0 s23, $0x4  }
0x253: {  	s23 =	sadd.s32 $0xFFFFFFFF, s23  }
0x254: {  	p0 =	sne.s32 s23, $0x0  }
.Ltmp32:
0x255: {  	_ = 	snop;
	(pc) =	sbr.rel @!p0 .LBB2_36-.Ltmp32, $4  }
0x256: {  	_ = 	snop  }
0x257: {  	s22 =	sadd.s32 $0x1, s22;
	v24 =	vbroadcast v20, $0x0  }
0x258: {  	v21 =	vadd.s32 s22, v5  }
0x259: {  	p4 =	por $0x0, $0x0;
	p5 =	por $0x0, $0x0;
	p6 =	por $0x0, $0x0;
	vm9 =	vlt.s32 v21, v24  }
0x25a: {  	v20 =	vsel vm9, $0x1, v7  }
0x25b: {  	v22 =	vperm.xlane v20, v6  }
0x25c: {  	vm11 =	veq.s32 v5, $0x0  }
0x25d: {  	v22 =	vsel vm11, $0x0, v22  }
0x25e: {  	v20 =	vadd.s32 v20, v22  }
0x25f: {  	v22 =	vperm.xlane v20, v8;
	_ =	sdelay $0x1  }
0x260: {  	s23 =	sadd.s32 $0xFFFFFFFF, s23;
	v22 =	vsel vm0, $0x0, v22  }
0x261: {  	p0 =	sne.s32 s23, $0x0;
	v20 =	vadd.s32 v22, v20  }
.Ltmp33:
0x262: {  	v22 =	vperm.xlane v20, v9;
	(pc) =	sbr.rel @!p0 .LBB2_38-.Ltmp33, $4  }
0x263: {  	_ = 	snop  }
0x264: {  	s22 =	sadd.s32 $0x10, s22;
	v22 =	vsel vm1, $0x0, v22  }
0x265: {  	v23 =	vadd.s32 s22, v5;
	v26 =	vadd.s32 v22, v20  }
0x266: {  	vm10 =	vmmov vm9;
	p4 =	por $0x1, $0x1;
	vm9 =	vlt.s32 v23, v24;
	v27 =	vperm.xlane v26, v10  }
0x267: {  	v20 =	vsel vm9, $0x1, v7  }
0x268: {  	v22 =	vperm.xlane v20, v6;
	_ =	sdelay $0x1  }
0x269: {  	v22 =	vsel vm11, $0x0, v22  }
0x26a: {  	v20 =	vadd.s32 v20, v22  }
0x26b: {  	v22 =	vperm.xlane v20, v8;
	_ =	sdelay $0x1  }
0x26c: {  	s24 =	sadd.s32 $0xFFFFFFFF, s23;
	v25 =	vsel vm2, $0x0, v27;
	v22 =	vsel vm0, $0x0, v22  }
0x26d: {  	p0 =	sne.s32 s24, $0x0;
	v25 =	vadd.s32 v25, v26;
	v20 =	vadd.s32 v22, v20  }
.Ltmp34:
0x26e: {  	v22 =	vperm.xlane v25, v4;
	v26 =	vperm.xlane v20, v9;
	(pc) =	sbr.rel @!p0 .LBB2_40-.Ltmp34, $4  }
0x26f: {  	vm11 =	vmmov vm10;
	vm10 =	vmmov vm9  }
0x270: {  	s23 =	sadd.s32 $0x10, s22;
	(v2sf) =	vpush v22, $0x0;
	v22 =	vsel vm11, $0xFFFFFFFF, v7;
	v26 =	vsel vm1, $0x0, v26  }
0x271: {  	v22 =	vadd.s32 s19, v22;
	v26 =	vadd.s32 v26, v20;
	v20 =	vadd.s32 s23, v5  }
0x272: {  	p5 =	por $0x1, $0x1;
	v22 =	vadd.s32 v25, v22;
	vm9 =	vlt.s32 v20, v24;
	v27 =	vperm.xlane v26, v10  }
0x273: {  	_ =	sdelay $0x1  }
0x274: {  	v25 =	vsel vm9, $0x1, v7  }
0x275: {  	v28 =	vperm.xlane v25, v6  }
0x276: {  	vm13 =	veq.s32 v5, $0x0  }
0x277: {  	v28 =	vsel vm13, $0x0, v28  }
0x278: {  	v25 =	vadd.s32 v25, v28  }
0x279: {  	v28 =	vperm.xlane v25, v8  }
0x27a: {  	v27 =	vsel vm2, $0x0, v27  }
0x27b: {  	v26 =	vadd.s32 v27, v26;
	v28 =	vsel vm0, $0x0, v28  }
0x27c: {  	v27 =	vadd.s32 v28, v25;
	v28 =	vperm.xlane v26, v4;
	_ =	sdelay $0x1  }
0x27d: {  	s22 =	spop (v2sf);
	(v2sf) =	vpush v28, $0x0;
	_ =	sdelay $0x1  }
0x27e: {  	s26 =	sadd.s32 $0xFFFFFFFF, s24  }
0x27f: {  	vm3 =	vmmov vm11;
	p2 =	sne.s32 s26, $0x0;
	s22 =	sadd.s32 s19, s22  }
.Ltmp35:
0x280: {  	vm12 =	vmmov vm10;
	v25 =	vnsel vm3, $0x7F, v22;
	v29 =	vperm.xlane v27, v9;
	p0 =	slt.s32 s22, $0x71;
	(pc) =	sbr.rel @!p2 .LBB2_42-.Ltmp35, $4  }
0x281: {  	v30 =	vsel vm12, $0xFFFFFFFF, v7;
	s22 =	simm.s32 @!p0 $0x0  }
0x282: {  	vm10 =	vmmov vm9;
	s29 =	sadd.s32 $0x10, s23;
	v29 =	vsel vm1, $0x0, v29;
	v28 =	vadd.s32 s22, v30  }
0x283: {  	p6 =	por $0x1, $0x1;
	s24 =	simm.s32 @!p0 $0x80;
	s23 =	simm.s32 @!p0 $0x18700;
	v30 =	vadd.s32 s29, v5;
	v28 =	vadd.s32 v26, v28;
	v26 =	vadd.s32 v29, v27  }
0x284: {  	s25 =	simm.s32 @!p0 $0x18780;
	s28 =	simm.s32 @!p0 $0x1;
	p0 =	por p0, p0;
	vm9 =	vlt.s32 v30, v24;
	v29 =	vnsel vm3, $0x186A0, v21;
	v27 =	vperm.xlane v26, v10  }
.LBB2_43:
0x285: {  	s26 =	sadd.s32 $0xFFFFFFFF, s26;
	v31 =	vsel vm9, $0x1, v7;
	[tilespmem:v25+s15+$0x0] =	vst.idx.msk $0xffff, v29;
	v32 =	vmovc v20;
	v20 =	vmovc v30;
	vm14 =	vmmov vm12;
	vm12 =	vmmov vm10  }
0x286: {  	vm10 =	vmmov vm9;
	p3 =	sne.s32 s26, $0x0;
	v29 =	vperm.xlane v31, v6;
	v27 =	vsel vm2, $0x0, v27;
	[tilespmem:v25+s16+$0x0] =	vst.idx.msk $0xffff, v11  }
0x287: {  	v26 =	vadd.s32 v27, v26;
	[hbm4b:s6+s24] =	stream.indirect.scatter @!p0 [tilespmem:s25], [sflag:$0x1], $0x1, s23, s24, $0xb8;
	[tilespmem:$0x18800] =	vst v63  }
0x288: {  	v25 =	vnsel vm14, $0x7F, v28;
	v27 =	vsel vm13, $0x0, v29;
	v29 =	vperm.xlane v26, v4;
	_ =	swait.ge @!p0 [sflag:s28], $0x80  }
0x289: {  	v27 =	vadd.s32 v31, v27;
	[sflag:s28] =	ssyncset.done @!p0 $0x0  }
0x28a: {  	v31 =	vimm.s32 @!p0 $0x186A0;
	v28 =	vperm.xlane v27, v8;
	(v2sf) =	vpush v29, $0x0;
	[sflag:s28] =	ssyncadd.s32 @!p0 $0xFFFFFF80  }
0x28b: {  	s23 =	spop (v2sf)  }
0x28c: {  	[tilespmem:$0x18700] =	vst @!p0 v31;
	s22 =	sadd.s32 s22, s23  }
0x28d: {  	v28 =	vsel vm0, $0x0, v28;
	[tilespmem:$0x18770] =	vst @!p0 v31;
	p2 =	slt.s32 s22, $0x71  }
0x28e: {  	v27 =	vadd.s32 v28, v27;
	[tilespmem:$0x18760] =	vst @!p0 v31;
	s24 =	simm.s32 @!p2 $0x80  }
.Ltmp36:
0x28f: {  	v29 =	vsel vm12, $0xFFFFFFFF, v7;
	v28 =	vperm.xlane v27, v9;
	s23 =	simm.s32 @!p2 $0x18700;
	s22 =	simm.s32 @!p2 $0x0;
	[tilespmem:$0x18750] =	vst @!p0 v31;
	(pc) =	sbr.rel @p3 .LBB2_43-.Ltmp36, $4  }
0x290: {  	s25 =	simm.s32 @!p2 $0x18780;
	v29 =	vadd.s32 s22, v29;
	[tilespmem:$0x18740] =	vst @!p0 v31  }
0x291: {  	s29 =	sadd.s32 $0x10, s29;
	s28 =	simm.s32 @!p2 $0x1;
	v33 =	vsel vm1, $0x0, v28;
	v28 =	vadd.s32 v26, v29;
	[tilespmem:$0x18730] =	vst @!p0 v31  }
0x292: {  	v30 =	vadd.s32 s29, v5;
	v26 =	vadd.s32 v33, v27;
	[tilespmem:$0x18720] =	vst @!p0 v31  }
0x293: {  	vm9 =	vlt.s32 v30, v24;
	v29 =	vnsel vm14, $0x186A0, v23;
	v23 =	vmovc v32;
	v27 =	vperm.xlane v26, v10;
	[tilespmem:$0x18710] =	vst @!p0 v31;
	p0 =	por p2, p2  }
0x294: {  	v24 =	vmov v20;
	v20 =	vmov v30  }
.LBB2_45:
0x295: {  	_ =	sdelay $0x3  }
0x296: {  	[tilespmem:v25+s15+$0x0] =	vst.idx.msk @p6 $0xffff, v29  }
0x297: {  	p0 =	por p0, !p6;
	[tilespmem:v25+s16+$0x0] =	vst.idx.msk @p6 $0xffff, v11  }
0x298: {  	[hbm4b:s6+s24] =	stream.indirect.scatter @!p0 [tilespmem:s25], [sflag:$0x1], $0x1, s23, s24, $0xb8;
	[tilespmem:$0x18800] =	vst v63  }
0x299: {  	_ =	swait.ge @!p0 [sflag:s28], $0x80  }
0x29a: {  	[sflag:s28] =	ssyncset.done @!p0 $0x0  }
0x29b: {  	v25 =	vsel @p4 vm2, $0x0, v27;
	v29 =	vimm.s32 @!p0 $0x186A0;
	[sflag:s28] =	ssyncadd.s32 @!p0 $0xFFFFFF80  }
0x29c: {  	v25 =	vadd.s32 @p4 v25, v26;
	[tilespmem:$0x18700] =	vst @!p0 v29  }
0x29d: {  	v56 =	vsel vm9, $0x1, v7;
	v27 =	vperm.xlane @p4 v25, v4;
	[tilespmem:$0x18770] =	vst @!p0 v29  }
0x29e: {  	vm3 =	vmmov @p5 vm12;
	v30 =	vperm.xlane v56, v6;
	[tilespmem:$0x18760] =	vst @!p0 v29  }
0x29f: {  	vm12 =	veq.s32 v5, $0x0;
	v28 =	vnsel @p5 vm3, $0x7F, v28;
	s23 =	spop @p5 (v2sf);
	(v2sf) =	vpush @p4 v27, $0x0;
	[tilespmem:$0x18750] =	vst @!p0 v29  }
0x2a0: {  	v57 =	vsel vm12, $0x0, v30;
	s22 =	sadd.s32 @p5 s22, s23;
	v27 =	vpsel p5, v28, v0;
	[tilespmem:$0x18740] =	vst @!p0 v29  }
0x2a1: {  	v26 =	vadd.s32 v56, v57;
	p6 =	slt.s32 @p5 s22, $0x71;
	[tilespmem:$0x18730] =	vst @!p0 v29  }
0x2a2: {  	v58 =	vperm.xlane v26, v8;
	[tilespmem:$0x18720] =	vst @!p0 v29;
	p3 =	por p6, !p5  }
0x2a3: {  	v23 =	vnsel @p5 vm3, $0x186A0, v23;
	[tilespmem:$0x18710] =	vst @!p0 v29;
	p0 =	por @p5 p6, p6;
	s23 =	simm.s32 @!p3 $0x80  }
0x2a4: {  	v23 =	vpsel p5, v23, v0;
	v28 =	vsel vm0, $0x0, v58;
	s24 =	simm.s32 @!p3 $0x18700;
	s25 =	simm.s32 @!p3 $0x18780;
	s26 =	simm.s32 @!p3 $0x1  }
0x2a5: {  	v26 =	vadd.s32 v28, v26;
	p0 =	por @!p5 p0, p0;
	s25 =	smov.u32 @p5 s25;
	s24 =	smov.u32 @p5 s24;
	[tilespmem:v27+s15+$0x0] =	vst.idx.msk @p5 $0xffff, v23  }
0x2a6: {  	v28 =	vperm.xlane v26, v9;
	s23 =	smov.u32 @p5 s23;
	s26 =	smov.u32 @p5 s26;
	p0 =	por p0, !p5;
	[tilespmem:v27+s16+$0x0] =	vst.idx.msk @p5 $0xffff, v11  }
0x2a7: {  	[hbm4b:s6+s23] =	stream.indirect.scatter @!p0 [tilespmem:s25], [sflag:$0x1], $0x1, s24, s23, $0xb8;
	[tilespmem:$0x18800] =	vst v63  }
0x2a8: {  	p2 =	por !p6, !p5;
	v59 =	vsel vm1, $0x0, v28;
	_ =	swait.ge @!p0 [sflag:s26], $0x80  }
0x2a9: {  	vm3 =	vmmov @p4 vm10;
	s22 =	simm.s32 @p2 $0x0;
	s23 =	smov.u32 s19;
	v23 =	vadd.s32 v59, v26;
	[sflag:s26] =	ssyncset.done @!p0 $0x0  }
0x2aa: {  	v28 =	vimm.s32 @!p0 $0x186A0;
	v26 =	vsel @p4 vm3, $0xFFFFFFFF, v7;
	s23 =	smov.u32 @p5 s22;
	v60 =	vperm.xlane v23, v10;
	[sflag:s26] =	ssyncadd.s32 @!p0 $0xFFFFFF80  }
0x2ab: {  	v26 =	vadd.s32 @p4 s23, v26;
	[tilespmem:$0x18700] =	vst @!p0 v28  }
0x2ac: {  	vm11 =	vmmov @p4 vm3;
	v25 =	vadd.s32 @p4 v25, v26;
	v61 =	vsel vm2, $0x0, v60;
	[tilespmem:$0x18770] =	vst @!p0 v28  }
0x2ad: {  	vm3 =	vmmov @p4 vm11;
	v22 =	vpsel p4, v25, v22;
	v23 =	vadd.s32 v61, v23;
	[tilespmem:$0x18760] =	vst @!p0 v28  }
0x2ae: {  	[tilespmem:$0x18750] =	vst @!p0 v28;
	v62 =	vperm.xlane v23, v4;
	v22 =	vnsel @p4 vm3, $0x7F, v22;
	s22 =	spop @p4 (v2sf)  }
0x2af: {  	[tilespmem:$0x18740] =	vst @!p0 v28;
	v22 =	vpsel p4, v22, v0;
	s22 =	sadd.s32 @p4 s23, s22  }
0x2b0: {  	[tilespmem:$0x18730] =	vst @!p0 v28;
	(v2sf) =	vpush v62, $0x0;
	p2 =	slt.s32 @p4 s22, $0x71  }
0x2b1: {  	v21 =	vpsel p4, v24, v21;
	[tilespmem:$0x18720] =	vst @!p0 v28;
	p3 =	por p2, !p4  }
0x2b2: {  	v21 =	vnsel @p4 vm3, $0x186A0, v21;
	[tilespmem:$0x18710] =	vst @!p0 v28;
	p0 =	por @p4 p2, p2;
	s23 =	simm.s32 @!p3 $0x80  }
0x2b3: {  	v21 =	vpsel p4, v21, v0;
	s24 =	simm.s32 @!p3 $0x18780;
	s25 =	simm.s32 @!p3 $0x18700;
	s26 =	simm.s32 @!p3 $0x1  }
0x2b4: {  	[tilespmem:v22+s15+$0x0] =	vst.idx.msk @p4 $0xffff, v21;
	p0 =	por @!p4 p0, p0;
	s24 =	smov.u32 @p4 s24;
	s25 =	smov.u32 @p4 s25  }
0x2b5: {  	[tilespmem:v22+s16+$0x0] =	vst.idx.msk @p4 $0xffff, v11;
	s23 =	smov.u32 @p4 s23;
	s26 =	smov.u32 @p4 s26;
	p0 =	por p0, !p4  }
0x2b6: {  	[hbm4b:s6+s23] =	stream.indirect.scatter @!p0 [tilespmem:s24], [sflag:$0x1], $0x1, s25, s23, $0xb8;
	[tilespmem:$0x18800] =	vst v63  }
0x2b7: {  	_ =	swait.ge @!p0 [sflag:s26], $0x80  }
0x2b8: {  	vm3 =	vmmov vm9;
	p2 =	por !p2, !p4;
	[sflag:s26] =	ssyncset.done @!p0 $0x0  }
0x2b9: {  	vm3 =	vmmov vm3;
	s22 =	simm.s32 @p2 $0x0;
	v21 =	vimm.s32 @!p0 $0x186A0;
	[sflag:s26] =	ssyncadd.s32 @!p0 $0xFFFFFF80  }
0x2ba: {  	v63 =	vsel vm3, $0xFFFFFFFF, v7;
	s19 =	smov.u32 @p4 s22;
	[tilespmem:$0x18700] =	vst @!p0 v21  }
0x2bb: {  	v22 =	vadd.s32 s19, v63;
	[tilespmem:$0x18770] =	vst @!p0 v21  }
0x2bc: {  	vm3 =	vmmov vm3;
	v22 =	vadd.s32 v23, v22;
	[tilespmem:$0x18760] =	vst @!p0 v21  }
0x2bd: {  	v22 =	vnsel vm3, $0x7F, v22;
	[tilespmem:$0x18750] =	vst @!p0 v21  }
0x2be: {  	[tilespmem:$0x18740] =	vst @!p0 v21  }
0x2bf: {  	[tilespmem:$0x18730] =	vst @!p0 v21;
	s31 =	spop (v2sf)  }
0x2c0: {  	[tilespmem:$0x18720] =	vst @!p0 v21;
	s19 =	sadd.s32 s19, s31  }
0x2c1: {  	v20 =	vnsel vm3, $0x186A0, v20;
	[tilespmem:$0x18710] =	vst @!p0 v21;
	p2 =	slt.s32 s19, $0x71  }
0x2c2: {  	[tilespmem:v22+s15+$0x0] =	vst.idx.msk $0xffff, v20;
	s22 =	simm.s32 @!p2 $0x80;
	s23 =	simm.s32 @!p2 $0x18700  }
0x2c3: {  	[tilespmem:v22+s16+$0x0] =	vst.idx.msk $0xffff, v11;
	s24 =	simm.s32 @!p2 $0x18780;
	s25 =	simm.s32 @!p2 $0x1;
	p0 =	por p2, p2  }
0x2c4: {  	[hbm4b:s6+s22] =	stream.indirect.scatter @!p0 [tilespmem:s24], [sflag:$0x1], $0x1, s23, s22, $0xb8;
	[tilespmem:$0x18800] =	vst v63  }
0x2c5: {  	_ =	swait.ge @!p0 [sflag:s25], $0x80  }
0x2c6: {  	[sflag:s25] =	ssyncset.done @!p0 $0x0  }
0x2c7: {  	v20 =	vimm.s32 @!p0 $0x186A0;
	[sflag:s25] =	ssyncadd.s32 @!p0 $0xFFFFFF80  }
0x2c8: {  	[tilespmem:$0x18700] =	vst @!p0 v20  }
0x2c9: {  	[tilespmem:$0x18770] =	vst @!p0 v20  }
0x2ca: {  	[tilespmem:$0x18760] =	vst @!p0 v20  }
.Ltmp37:
0x2cb: {  	[tilespmem:$0x18750] =	vst @!p0 v20;
	(pc) =	sbr.rel .LBB2_46-.Ltmp37, $4  }
0x2cc: {  	[tilespmem:$0x18740] =	vst @!p0 v20  }
0x2cd: {  	[tilespmem:$0x18730] =	vst @!p0 v20  }
0x2ce: {  	[tilespmem:$0x18720] =	vst @!p0 v20  }
0x2cf: {  	s19 =	simm.s32 @!p2 $0x0;
	[tilespmem:$0x18710] =	vst @!p0 v20  }
.LBB2_36:
.Ltmp38:
0x2d0: {  	(pc) =	sbr.rel .LBB2_45-.Ltmp38, $2  }
0x2d1: {  	_ =	sdelay $0x2  }
0x2d2: {  	v20 =	vmov v21;
	s22 =	smov.u32 s19  }
.LBB2_38:
.Ltmp39:
0x2d3: {  	(pc) =	sbr.rel .LBB2_45-.Ltmp39, $2  }
0x2d4: {  	_ =	sdelay $0x2  }
0x2d5: {  	v24 =	vmov v21;
	v20 =	vmov v23;
	s22 =	smov.u32 s19  }
.LBB2_40:
.Ltmp40:
0x2d6: {  	(pc) =	sbr.rel .LBB2_45-.Ltmp40, $2  }
0x2d7: {  	_ =	sdelay $0x2  }
0x2d8: {  	v24 =	vmovc v23;
	vm12 =	vmmov vm11;
	v28 =	vmov v22;
	s22 =	smov.u32 s19;
	v23 =	vmov v21  }
.LBB2_42:
.Ltmp41:
0x2d9: {  	(pc) =	sbr.rel .LBB2_45-.Ltmp41, $2  }
0x2da: {  	_ =	sdelay $0x2  }
0x2db: {  	v24 =	vmov v20;
	v20 =	vmov v30  }
.LBB2_8:
.Ltmp42:
0x2dc: {  	(pc) =	sbr.rel .LBB2_17-.Ltmp42, $2  }
0x2dd: {  	_ =	sdelay $0x2  }
0x2de: {  	v14 =	vmov v15;
	s20 =	simm.s32 $0x0  }
.LBB2_10:
.Ltmp43:
0x2df: {  	(pc) =	sbr.rel .LBB2_17-.Ltmp43, $2  }
0x2e0: {  	_ =	sdelay $0x2  }
0x2e1: {  	v18 =	vmov v15;
	v14 =	vmov v17;
	s20 =	simm.s32 $0x0  }
.LBB2_12:
.Ltmp44:
0x2e2: {  	(pc) =	sbr.rel .LBB2_17-.Ltmp44, $2  }
0x2e3: {  	_ =	sdelay $0x2  }
0x2e4: {  	v18 =	vmovc v17;
	vm10 =	vmmov vm9;
	v22 =	vmov v16;
	s20 =	simm.s32 $0x0;
	v17 =	vmov v15  }
.LBB2_14:
.Ltmp45:
0x2e5: {  	(pc) =	sbr.rel .LBB2_17-.Ltmp45, $2  }
0x2e6: {  	_ =	sdelay $0x2  }
0x2e7: {  	v18 =	vmov v14;
	v14 =	vmov v24  }
.LBB2_49:
0x2e8: {  	_ =	sfence.sel $0x180000  }
0x2e9: {  	[bflag:$0x0] =	sbarrier.arrive $0xFFFF  }
0x2ea: {  	p0 =	sne.s32 s0, $0x0;
	_ =	strace $0x90000047  }
0x2eb: {  	s0 =	sadd.s32 @!p0 $0x100000, s5;
	[bflag:$0x2] =	sbarrier.arrive $0xFFFF  }
0x2ec: {  	[sflag:s0] =	ssyncadd.tile.s32 @!p0 $0x1;
	_ =	shalt  }
.Lfunc_end2:
_tile_overlayer_lowered:
.L_overlay_start_2:
0x2ed: {  	(tag) =	ssettag $0x2  }
0x2ee: {  	s0 =	rddreg [dreg:$0x0];
	s2 =	stileid.u32  }
0x2ef: {  	s1 =	rddreg [dreg:$0x1];
	p0 =	sne.s32 s2, $0x0  }
0x2f0: {  	s3 =	rddreg [dreg:$0x2];
	[bflag:$0x3] =	sbarrier.arrive $0xFFFF;
	s2 =	simm.s32 @!p0 $0x1C01  }
0x2f1: {  	[timem:s3], [sflag:s2] =	dma.local @!p0 [hbm:s0], s1  }
0x2f2: {  	s0 =	simm.s32 @!p0 $0x1  }
0x2f3: {  	_ =	swait.ge @!p0 [sflag:s0], s1  }
0x2f4: {  	s1 =	ssub.s32 @!p0 $0x0, s1;
	[sflag:s0] =	ssyncset.done @!p0 $0x0  }
0x2f5: {  	[sflag:s0] =	ssyncadd.s32 @!p0 s1  }
0x2f6: {  	[bflag:$0x3] =	sbarrier.arrive $0xFFFF  }
0x2f7: {  	_ =	shalt  }

</sc_bundles>
